<compile_context>
chip_gen: v7x
topology: tpu7x:2x2x1
jax: 0.10.2.dev20260603
libtpu: 0.0.44.dev20260713+nightly
codegen_flags: <defaults>
</compile_context>

<pallas_src>
import functools

import jax
import jax.numpy as jnp
from jax import lax
from jax.experimental import pallas as pl
from jax.experimental.pallas import tpu as pltpu
from jax.experimental.pallas import tpu_sc as plsc

NC = 2
NS = 16
NW = NC * NS
K = 80
NBUF = 5
DEG_W = 16

@functools.cache
def _mesh():
    return plsc.VectorSubcoreMesh(core_axis_name="c", subcore_axis_name="s")


_SC_PARAMS = pltpu.CompilerParams(use_tc_tiling_on_sc=False)
_TC_PARAMS = pltpu.CompilerParams(dimension_semantics=("parallel",))


def _writeback(acc_sh, out_hbm, cid, sid, rps, width, sem):
    nb = rps // 8

    @pl.loop(0, nb)
    def _(g):
        pltpu.async_copy(
            acc_sh.at[pl.ds(sid * rps + g * 8, 8)],
            out_hbm.at[cid, sid * nb + g, :, pl.ds(0, width)],
            sem)

    @pl.loop(0, nb)
    def _(g):
        pltpu.make_async_copy(
            acc_sh.at[pl.ds(sid * rps + g * 8, 8)],
            out_hbm.at[cid, sid * nb + g, :, pl.ds(0, width)],
            sem).wait()


def _zero_spmem(zbuf, acc_sh, sid, rows_per_sub, zr, width):
    @pl.loop(0, zr)
    def _(i):
        for j in range(width // 16):
            zbuf[i, pl.ds(j * 16, 16)] = jnp.zeros((16,), jnp.float32)

    for r in range(rows_per_sub // zr):
        pltpu.sync_copy(zbuf, acc_sh.at[pl.ds(sid * rows_per_sub + r * zr, zr)])


def _pad_rows(n):
    unit = NS * 8 * 16
    return -(-n // unit) * unit


def _make_deg_call(n, e):
    epw = e // NW
    chunks = epw // K
    npad = _pad_rows(n)
    rps = npad // NS
    zr = min(rps, 128)
    assert rps % zr == 0

    @functools.partial(
        pl.kernel,
        mesh=_mesh(),
        out_type=jax.ShapeDtypeStruct((NC, npad // 8, 8, 128), jnp.float32),
        scratch_types=[
            pltpu.VMEM((chunks, K), jnp.int32),
            pltpu.VMEM((K, DEG_W), jnp.float32),
            pltpu.VMEM((zr, DEG_W), jnp.float32),
            pltpu.VMEM_SHARED((npad, DEG_W), jnp.float32),
            pltpu.SemaphoreType.DMA,
            pltpu.SemaphoreType.DMA,
        ],
        compiler_params=_SC_PARAMS,
    )
    def deg_call(ei_hbm, out_hbm, idx_v, ones_v, zbuf, acc_sh, sem, ssem):
        cid = lax.axis_index("c")
        sid = lax.axis_index("s")
        wid = sid * NC + cid

        @pl.loop(0, K)
        def _(i):
            ones_v[i, pl.ds(0, 16)] = jnp.full((16,), 1.0, jnp.float32)

        pltpu.async_copy(ei_hbm.at[1, wid], idx_v, sem)
        _zero_spmem(zbuf, acc_sh, sid, rps, zr, DEG_W)
        pltpu.make_async_copy(ei_hbm.at[1, wid], idx_v, sem).wait()
        plsc.subcore_barrier()

        @pl.loop(0, chunks)
        def _(c):
            pltpu.async_copy(ones_v, acc_sh.at[idx_v.at[c]], ssem, add=True)

        @pl.loop(0, chunks)
        def _(c):
            pltpu.make_async_copy(
                ones_v, acc_sh.at[idx_v.at[c]], ssem).wait()

        plsc.subcore_barrier()
        _writeback(acc_sh, out_hbm, cid, sid, rps, DEG_W, sem)

    return deg_call


def _make_edge_call(n, e, hid):
    epw = e // NW
    chunks = epw // K
    npad = _pad_rows(n)
    rps = npad // NS
    zr = min(rps, 128)
    assert rps % zr == 0

    @functools.partial(
        pl.kernel,
        mesh=_mesh(),
        out_type=jax.ShapeDtypeStruct((NC, npad // 8, 8, 128), jnp.float32),
        scratch_types=[
            pltpu.VMEM((chunks, K), jnp.int32),
            pltpu.VMEM((chunks, K), jnp.int32),
            [pltpu.VMEM((K, hid), jnp.float32) for _ in range(NBUF)],
            pltpu.VMEM((zr, hid), jnp.float32),
            pltpu.VMEM_SHARED((npad, hid), jnp.float32),
            [pltpu.SemaphoreType.DMA for _ in range(NBUF)],
            pltpu.SemaphoreType.DMA,
        ],
        compiler_params=_SC_PARAMS,
    )
    def edge_call(hs_hbm, ei_hbm, out_hbm,
                  sidx_v, didx_v, rows, zbuf, acc_sh, gsems, isem):
        cid = lax.axis_index("c")
        sid = lax.axis_index("s")
        wid = sid * NC + cid

        pltpu.async_copy(ei_hbm.at[0, wid], sidx_v, isem)
        pltpu.async_copy(ei_hbm.at[1, wid], didx_v, isem)
        _zero_spmem(zbuf, acc_sh, sid, rps, zr, hid)
        pltpu.make_async_copy(ei_hbm.at[0, wid], sidx_v, isem).wait()
        pltpu.make_async_copy(ei_hbm.at[1, wid], didx_v, isem).wait()

        for b in range(NBUF):
            pltpu.async_copy(hs_hbm.at[sidx_v.at[b]], rows[b], gsems[b])

        plsc.subcore_barrier()

        @pl.loop(0, chunks, step=NBUF)
        def _(g):
            for b in range(NBUF):
                c = g + b
                pltpu.make_async_copy(
                    hs_hbm.at[sidx_v.at[c]], rows[b], gsems[b]).wait()
                pltpu.sync_copy(rows[b], acc_sh.at[didx_v.at[c]], add=True)
                nxt = c + NBUF

                @pl.when(nxt < chunks)
                def _():
                    pltpu.async_copy(
                        hs_hbm.at[sidx_v.at[nxt]], rows[b], gsems[b])

        plsc.subcore_barrier()
        _writeback(acc_sh, out_hbm, cid, sid, rps, hid, isem)

    return edge_call


def _deg_dis(dacc_ref, rb):
    d = jnp.reshape(dacc_ref[:, :, :, 0:1], (2, rb, 1))
    deg = d[0] + d[1] + 1.0
    return lax.rsqrt(deg)


def _unpack_acc(acc_ref, rb, hid):
    a = jnp.reshape(acc_ref[:, :, :, 0:hid], (2, rb, hid))
    return a[0] + a[1]


def _kmm_body(x_ref, w1_ref, h_ref):
    h_ref[...] = jnp.dot(x_ref[...], w1_ref[...],
                         preferred_element_type=jnp.float32)


def _ksc_body(dacc_ref, h_ref, hs_ref, disb_ref):
    rb, hid = h_ref.shape
    dis = _deg_dis(dacc_ref, rb)
    hs_ref[...] = h_ref[...] * dis
    disb_ref[...] = jnp.broadcast_to(dis, (rb, hid))


def _k2_body(disb_ref, acc_ref, hs1_ref, w2_ref, b1_ref, h2s_ref):
    rb, hid = hs1_ref.shape
    dis = disb_ref[...]
    z = dis * (_unpack_acc(acc_ref, rb, hid) + hs1_ref[...]) + b1_ref[...]
    a = jnp.where(z >= 0, z, 0.01 * z)
    h2 = jnp.dot(a, w2_ref[...], preferred_element_type=jnp.float32)
    h2s_ref[...] = h2 * dis


def _k3_body(disb_ref, acc_ref, hs2_ref, b2_ref, out_ref):
    rb, hid = hs2_ref.shape
    dis = disb_ref[...]
    z = dis * (_unpack_acc(acc_ref, rb, hid) + hs2_ref[...]) + b2_ref[...]
    out_ref[...] = jnp.where(z >= 0, z, 0.01 * z)


def kernel(x, edge_index, W1, b1, W2, b2):
    n, in_ch = x.shape
    e = edge_index.shape[1]
    hid = W1.shape[1]
    npad = _pad_rows(n)
    rb = 1024
    grid = (npad // rb,)

    epw = e // NW
    chunks = epw // K
    assert epw % K == 0 and chunks % NBUF == 0
    ei = edge_index.astype(jnp.int32).reshape(2, NW, chunks, K)

    deg_call = _make_deg_call(n, e)
    edge_call = _make_edge_call(n, e, hid)

    dacc = deg_call(ei)

    deg_spec = pl.BlockSpec((NC, rb // 8, 8, 128), lambda i: (0, i, 0, 0))
    accs_spec = pl.BlockSpec((NC, rb // 8, 8, 128), lambda i: (0, i, 0, 0))
    row_spec = pl.BlockSpec((rb, hid), lambda i: (i, 0))
    bias_spec = pl.BlockSpec((1, hid), lambda i: (0, 0))

    h1 = pl.pallas_call(
        _kmm_body,
        grid=grid,
        in_specs=[
            pl.BlockSpec((rb, in_ch), lambda i: (i, 0)),
            pl.BlockSpec((in_ch, hid), lambda i: (0, 0)),
        ],
        out_specs=row_spec,
        out_shape=jax.ShapeDtypeStruct((npad, hid), jnp.float32),
        compiler_params=_TC_PARAMS,
    )(x, W1)

    h1s, disb = pl.pallas_call(
        _ksc_body,
        grid=grid,
        in_specs=[deg_spec, row_spec],
        out_specs=[row_spec, row_spec],
        out_shape=[
            jax.ShapeDtypeStruct((npad, hid), jnp.float32),
            jax.ShapeDtypeStruct((npad, hid), jnp.float32),
        ],
        compiler_params=_TC_PARAMS,
    )(dacc, h1)

    acc1 = edge_call(h1s, ei)

    h2s = pl.pallas_call(
        _k2_body,
        grid=grid,
        in_specs=[
            row_spec,
            accs_spec,
            row_spec,
            pl.BlockSpec((hid, hid), lambda i: (0, 0)),
            bias_spec,
        ],
        out_specs=row_spec,
        out_shape=jax.ShapeDtypeStruct((npad, hid), jnp.float32),
        compiler_params=_TC_PARAMS,
    )(disb, acc1, h1s, W2, b1.reshape(1, hid))

    acc2 = edge_call(h2s, ei)

    out = pl.pallas_call(
        _k3_body,
        grid=grid,
        in_specs=[row_spec, accs_spec, row_spec, bias_spec],
        out_specs=row_spec,
        out_shape=jax.ShapeDtypeStruct((n, hid), jnp.float32),
        compiler_params=_TC_PARAMS,
    )(disb, acc2, h2s, b2.reshape(1, hid))

    return out

# --- scband reference (transcript-rebuilt; emitter-appended) ---
"""Pipeline reference for scband-homognnlayer-77403900609269 (READ-ONLY COPY).

The authoritative reference and input builder live on the scoring server;
editing this copy changes nothing except your own understanding.
"""

import jax, jax.numpy as jnp
import numpy as np

N_NODES = 10000
N_EDGES = 320000
IN_CH = 128
HID = 64


def setup_inputs(seed: int = 0) -> dict:
    key = jax.random.key(seed)
    k1, k2, k3, k4, k5 = jax.random.split(key, 5)
    x = jax.random.normal(k1, (N_NODES, IN_CH), dtype=jnp.float32)
    edge_index = jax.random.randint(k2, (2, N_EDGES), 0, N_NODES, dtype=jnp.int64)
    # GCNConv weights (xavier-normal init per reset_parameters); bias zeros
    def xavier(k, fan_in, fan_out):
        std = jnp.sqrt(2.0 / (fan_in + fan_out))
        return jax.random.normal(k, (fan_in, fan_out), dtype=jnp.float32) * std
    W1 = xavier(k3, IN_CH, HID)
    b1 = jnp.zeros((HID,), dtype=jnp.float32)
    W2 = xavier(k4, HID, HID)
    b2 = jnp.zeros((HID,), dtype=jnp.float32)
    return {"x": x, "edge_index": edge_index, "W1": W1, "b1": b1, "W2": W2, "b2": b2}


def _gcn_conv(x, edge_index, W, b):
    # PyG GCNConv with normalize=True, improved=False, add_self_loops=True
    n = x.shape[0]
    h = x @ W
    loop = jnp.arange(n, dtype=edge_index.dtype)
    src = jnp.concatenate([edge_index[0], loop])
    dst = jnp.concatenate([edge_index[1], loop])
    ones = jnp.ones(src.shape[0], dtype=h.dtype)
    deg = jnp.zeros((n,), dtype=h.dtype).at[dst].add(ones)
    deg_inv_sqrt = jnp.where(deg > 0, deg ** -0.5, 0.0)
    norm = deg_inv_sqrt[src] * deg_inv_sqrt[dst]
    msg = h[src] * norm[:, None]
    out = jax.ops.segment_sum(msg, dst, num_segments=n)
    return out + b


def _leaky_relu(x):
    return jnp.where(x >= 0, x, 0.01 * x)


def reference(x, edge_index, W1, b1, W2, b2):
    # layer 1: GCNConv -> LeakyReLU -> Dropout(eval: identity)
    h = _gcn_conv(x, edge_index, W1, b1)
    h = _leaky_relu(h)
    # layer 2: GCNConv -> LeakyReLU -> Dropout(eval: identity)
    h = _gcn_conv(h, edge_index, W2, b2)
    h = _leaky_relu(h)
    return h

if __name__ == "__main__":
    import jax
    _d = setup_inputs()
    print(jax.jit(kernel)(*tuple(_d.values())))

</pallas_src>

<mosaic_0001>
#map = affine_map<(d0, d1) -> (0, 0)>
#map1 = affine_map<(d0, d1) -> (0, 0, 0, 0)>
module attributes {stable_mosaic.version = 14 : i64} {
  func.func @edge_call(%arg0: i32, %arg1: i32, %arg2: memref<10240x64xf32, #tpu.memory_space<hbm>>, %arg3: memref<2x32x125x80xi32, #tpu.memory_space<hbm>>, %arg4: memref<2x1280x8x128xf32, #tpu.memory_space<hbm>>, %arg5: memref<125x80xi32, #tpu.memory_space<vmem>>, %arg6: memref<125x80xi32, #tpu.memory_space<vmem>>, %arg7: memref<80x64xf32, #tpu.memory_space<vmem>>, %arg8: memref<80x64xf32, #tpu.memory_space<vmem>>, %arg9: memref<80x64xf32, #tpu.memory_space<vmem>>, %arg10: memref<80x64xf32, #tpu.memory_space<vmem>>, %arg11: memref<80x64xf32, #tpu.memory_space<vmem>>, %arg12: memref<128x64xf32, #tpu.memory_space<vmem>>, %arg13: memref<10240x64xf32, #tpu.memory_space<vmem_shared>>, %arg14: memref<!tpu.dma_semaphore, #tpu.memory_space<semaphore_mem>>, %arg15: memref<!tpu.dma_semaphore, #tpu.memory_space<semaphore_mem>>, %arg16: memref<!tpu.dma_semaphore, #tpu.memory_space<semaphore_mem>>, %arg17: memref<!tpu.dma_semaphore, #tpu.memory_space<semaphore_mem>>, %arg18: memref<!tpu.dma_semaphore, #tpu.memory_space<semaphore_mem>>, %arg19: memref<!tpu.dma_semaphore, #tpu.memory_space<semaphore_mem>>) attributes {dimension_semantics = [#tpu.dimension_semantics<core_parallel>, #tpu.dimension_semantics<subcore_parallel>], iteration_bounds = array<i64: 2, 16>, scalar_prefetch = 0 : i64, scratch_operands = 15 : i64, tpu.core_type = #tpu.core_type<sc_vector_subcore>, window_params = [{transform_indices = #map}, {transform_indices = #map1}, {transform_indices = #map1}]} {
    %mul3A = arith.constant 2 : i32
    %mul3A_0 = arith.muli %arg1, %mul3A : i32
    %add3A = arith.addi %mul3A_0, %arg0 : i32
    %dma_start3A = arith.constant 0 : i32
    %dma_start3A_1 = arith.constant 0 : i32
    %dma_start3A_2 = arith.constant 0 : i32
    %dma_start3A_3 = tpu.memref_slice %arg3[%dma_start3A, %add3A, %dma_start3A_1, %dma_start3A_2] : memref<2x32x125x80xi32, #tpu.memory_space<hbm>> -> memref<1x1x125x80xi32, #tpu.memory_space<hbm>>
    %dma_start3A_4 = tpu.memref_squeeze %dma_start3A_3 : memref<1x1x125x80xi32, #tpu.memory_space<hbm>> -> memref<125x80xi32, #tpu.memory_space<hbm>>
    %dma_start3A_5 = arith.constant 0 : i32
    %dma_start3A_6 = arith.constant 0 : i32
    %dma_start3A_7 = tpu.memref_slice %arg3[%dma_start3A, %add3A, %dma_start3A_5, %dma_start3A_6] : memref<2x32x125x80xi32, #tpu.memory_space<hbm>> -> memref<1x1x125x80xi32, #tpu.memory_space<hbm>>
    %dma_start3A_8 = tpu.memref_squeeze %dma_start3A_7 : memref<1x1x125x80xi32, #tpu.memory_space<hbm>> -> memref<125x80xi32, #tpu.memory_space<hbm>>
    tpu.enqueue_dma source(%dma_start3A_8 : memref<125x80xi32, #tpu.memory_space<hbm>>) target(%arg5 : memref<125x80xi32, #tpu.memory_space<vmem>>) target_semaphore(%arg19 : memref<!tpu.dma_semaphore, #tpu.memory_space<semaphore_mem>>)
    %dma_start3A_9 = arith.constant 1 : i32
    %dma_start3A_10 = arith.constant 0 : i32
    %dma_start3A_11 = arith.constant 0 : i32
    %dma_start3A_12 = tpu.memref_slice %arg3[%dma_start3A_9, %add3A, %dma_start3A_10, %dma_start3A_11] : memref<2x32x125x80xi32, #tpu.memory_space<hbm>> -> memref<1x1x125x80xi32, #tpu.memory_space<hbm>>
    %dma_start3A_13 = tpu.memref_squeeze %dma_start3A_12 : memref<1x1x125x80xi32, #tpu.memory_space<hbm>> -> memref<125x80xi32, #tpu.memory_space<hbm>>
    %dma_start3A_14 = arith.constant 0 : i32
    %dma_start3A_15 = arith.constant 0 : i32
    %dma_start3A_16 = tpu.memref_slice %arg3[%dma_start3A_9, %add3A, %dma_start3A_14, %dma_start3A_15] : memref<2x32x125x80xi32, #tpu.memory_space<hbm>> -> memref<1x1x125x80xi32, #tpu.memory_space<hbm>>
    %dma_start3A_17 = tpu.memref_squeeze %dma_start3A_16 : memref<1x1x125x80xi32, #tpu.memory_space<hbm>> -> memref<125x80xi32, #tpu.memory_space<hbm>>
    tpu.enqueue_dma source(%dma_start3A_17 : memref<125x80xi32, #tpu.memory_space<hbm>>) target(%arg6 : memref<125x80xi32, #tpu.memory_space<vmem>>) target_semaphore(%arg19 : memref<!tpu.dma_semaphore, #tpu.memory_space<semaphore_mem>>)
    %scan3A = arith.constant 0 : i32
    %scan3A_18 = arith.constant 128 : i32
    %scan3A_19 = arith.addi %scan3A, %scan3A_18 : i32
    %scan3A_20 = arith.constant 1 : i32
    scf.for %scan3A_110 = %scan3A to %scan3A_19 step %scan3A_20  : i32 {
      %mul3A_111 = arith.constant 1 : i32
      %mul3A_112 = arith.muli %scan3A_110, %mul3A_111 : i32
      %add3A_113 = arith.constant 0 : i32
      %add3A_114 = arith.addi %add3A_113, %mul3A_112 : i32
      %broadcast_in_dim3A = arith.constant 0.000000e+00 : f32
      %broadcast_in_dim3A_115 = vector.broadcast %broadcast_in_dim3A : f32 to vector<16xf32>
      %swap3A = arith.index_cast %add3A_114 : i32 to index
      %swap3A_116 = arith.constant 0 : index
      %swap3A_117 = tpu.vector_load %arg12[%swap3A, %swap3A_116] {strides = array<i32>} : memref<128x64xf32, #tpu.memory_space<vmem>>, vector<1x16xf32>,
      %swap3A_118 = vector.shape_cast %swap3A_117 : vector<1x16xf32> to vector<16xf32>
      %swap3A_119 = vector.shape_cast %broadcast_in_dim3A_115 : vector<16xf32> to vector<1x16xf32>
      tpu.vector_store %arg12[%swap3A, %swap3A_116], %swap3A_119 {strides = array<i32>} : memref<128x64xf32, #tpu.memory_space<vmem>>, vector<1x16xf32>,
      %broadcast_in_dim3A_120 = arith.constant 0.000000e+00 : f32
      %broadcast_in_dim3A_121 = vector.broadcast %broadcast_in_dim3A_120 : f32 to vector<16xf32>
      %swap3A_122 = arith.index_cast %add3A_114 : i32 to index
      %swap3A_123 = arith.constant 16 : index
      %swap3A_124 = tpu.vector_load %arg12[%swap3A_122, %swap3A_123] {strides = array<i32>} : memref<128x64xf32, #tpu.memory_space<vmem>>, vector<1x16xf32>,
      %swap3A_125 = vector.shape_cast %swap3A_124 : vector<1x16xf32> to vector<16xf32>
      %swap3A_126 = vector.shape_cast %broadcast_in_dim3A_121 : vector<16xf32> to vector<1x16xf32>
      tpu.vector_store %arg12[%swap3A_122, %swap3A_123], %swap3A_126 {strides = array<i32>} : memref<128x64xf32, #tpu.memory_space<vmem>>, vector<1x16xf32>,
      %broadcast_in_dim3A_127 = arith.constant 0.000000e+00 : f32
      %broadcast_in_dim3A_128 = vector.broadcast %broadcast_in_dim3A_127 : f32 to vector<16xf32>
      %swap3A_129 = arith.index_cast %add3A_114 : i32 to index
      %swap3A_130 = arith.constant 32 : index
      %swap3A_131 = tpu.vector_load %arg12[%swap3A_129, %swap3A_130] {strides = array<i32>} : memref<128x64xf32, #tpu.memory_space<vmem>>, vector<1x16xf32>,
      %swap3A_132 = vector.shape_cast %swap3A_131 : vector<1x16xf32> to vector<16xf32>
      %swap3A_133 = vector.shape_cast %broadcast_in_dim3A_128 : vector<16xf32> to vector<1x16xf32>
      tpu.vector_store %arg12[%swap3A_129, %swap3A_130], %swap3A_133 {strides = array<i32>} : memref<128x64xf32, #tpu.memory_space<vmem>>, vector<1x16xf32>,
      %broadcast_in_dim3A_134 = arith.constant 0.000000e+00 : f32
      %broadcast_in_dim3A_135 = vector.broadcast %broadcast_in_dim3A_134 : f32 to vector<16xf32>
      %swap3A_136 = arith.index_cast %add3A_114 : i32 to index
      %swap3A_137 = arith.constant 48 : index
      %swap3A_138 = tpu.vector_load %arg12[%swap3A_136, %swap3A_137] {strides = array<i32>} : memref<128x64xf32, #tpu.memory_space<vmem>>, vector<1x16xf32>,
      %swap3A_139 = vector.shape_cast %swap3A_138 : vector<1x16xf32> to vector<16xf32>
      %swap3A_140 = vector.shape_cast %broadcast_in_dim3A_135 : vector<16xf32> to vector<1x16xf32>
      tpu.vector_store %arg12[%swap3A_136, %swap3A_137], %swap3A_140 {strides = array<i32>} : memref<128x64xf32, #tpu.memory_space<vmem>>, vector<1x16xf32>,
    }
    %scan3A_21 = arith.constant 128 : i32
    %mul3A_22 = arith.constant 640 : i32
    %mul3A_23 = arith.muli %arg1, %mul3A_22 : i32
    %add3A_24 = arith.constant 0 : i32
    %add3A_25 = arith.addi %mul3A_23, %add3A_24 : i32
    "tpu.region"() ({
      %run_scoped3A = tpu.sem_alloc : memref<!tpu.dma_semaphore, #tpu.memory_space<semaphore_mem>>
      %dma_start3A_110 = arith.constant 0 : i32
      %dma_start3A_111 = tpu.memref_slice %arg13[%add3A_25, %dma_start3A_110] : memref<10240x64xf32, #tpu.memory_space<vmem_shared>> -> memref<128x64xf32, #tpu.memory_space<vmem_shared>>
      %dma_start3A_112 = arith.constant 0 : i32
      %dma_start3A_113 = tpu.memref_slice %arg13[%add3A_25, %dma_start3A_112] : memref<10240x64xf32, #tpu.memory_space<vmem_shared>> -> memref<128x64xf32, #tpu.memory_space<vmem_shared>>
      tpu.enqueue_dma source(%arg12 : memref<128x64xf32, #tpu.memory_space<vmem>>) target(%dma_start3A_113 : memref<128x64xf32, #tpu.memory_space<vmem_shared>>) target_semaphore(%run_scoped3A : memref<!tpu.dma_semaphore, #tpu.memory_space<semaphore_mem>>)
      %dma_wait3A_114 = arith.constant 0 : i32
      %dma_wait3A_115 = tpu.memref_slice %arg13[%add3A_25, %dma_wait3A_114] : memref<10240x64xf32, #tpu.memory_space<vmem_shared>> -> memref<128x64xf32, #tpu.memory_space<vmem_shared>>
      %dma_wait3A_116 = arith.constant 0 : i32
      %dma_wait3A_117 = tpu.memref_slice %arg13[%add3A_25, %dma_wait3A_116] : memref<10240x64xf32, #tpu.memory_space<vmem_shared>> -> memref<128x64xf32, #tpu.memory_space<vmem_shared>>
      tpu.wait_dma2 semaphore(%run_scoped3A : memref<!tpu.dma_semaphore, #tpu.memory_space<semaphore_mem>>) src(%arg12 : memref<128x64xf32, #tpu.memory_space<vmem>>) dst(%dma_wait3A_117 : memref<128x64xf32, #tpu.memory_space<vmem_shared>>)
      tpu.yield
    }) : () -> ()
    %mul3A_26 = arith.constant 640 : i32
    %mul3A_27 = arith.muli %arg1, %mul3A_26 : i32
    %add3A_28 = arith.constant 128 : i32
    %add3A_29 = arith.addi %mul3A_27, %add3A_28 : i32
    "tpu.region"() ({
      %run_scoped3A = tpu.sem_alloc : memref<!tpu.dma_semaphore, #tpu.memory_space<semaphore_mem>>
      %dma_start3A_110 = arith.constant 0 : i32
      %dma_start3A_111 = tpu.memref_slice %arg13[%add3A_29, %dma_start3A_110] : memref<10240x64xf32, #tpu.memory_space<vmem_shared>> -> memref<128x64xf32, #tpu.memory_space<vmem_shared>>
      %dma_start3A_112 = arith.constant 0 : i32
      %dma_start3A_113 = tpu.memref_slice %arg13[%add3A_29, %dma_start3A_112] : memref<10240x64xf32, #tpu.memory_space<vmem_shared>> -> memref<128x64xf32, #tpu.memory_space<vmem_shared>>
      tpu.enqueue_dma source(%arg12 : memref<128x64xf32, #tpu.memory_space<vmem>>) target(%dma_start3A_113 : memref<128x64xf32, #tpu.memory_space<vmem_shared>>) target_semaphore(%run_scoped3A : memref<!tpu.dma_semaphore, #tpu.memory_space<semaphore_mem>>)
      %dma_wait3A_114 = arith.constant 0 : i32
      %dma_wait3A_115 = tpu.memref_slice %arg13[%add3A_29, %dma_wait3A_114] : memref<10240x64xf32, #tpu.memory_space<vmem_shared>> -> memref<128x64xf32, #tpu.memory_space<vmem_shared>>
      %dma_wait3A_116 = arith.constant 0 : i32
      %dma_wait3A_117 = tpu.memref_slice %arg13[%add3A_29, %dma_wait3A_116] : memref<10240x64xf32, #tpu.memory_space<vmem_shared>> -> memref<128x64xf32, #tpu.memory_space<vmem_shared>>
      tpu.wait_dma2 semaphore(%run_scoped3A : memref<!tpu.dma_semaphore, #tpu.memory_space<semaphore_mem>>) src(%arg12 : memref<128x64xf32, #tpu.memory_space<vmem>>) dst(%dma_wait3A_117 : memref<128x64xf32, #tpu.memory_space<vmem_shared>>)
      tpu.yield
    }) : () -> ()
    %mul3A_30 = arith.constant 640 : i32
    %mul3A_31 = arith.muli %arg1, %mul3A_30 : i32
    %add3A_32 = arith.constant 256 : i32
    %add3A_33 = arith.addi %mul3A_31, %add3A_32 : i32
    "tpu.region"() ({
      %run_scoped3A = tpu.sem_alloc : memref<!tpu.dma_semaphore, #tpu.memory_space<semaphore_mem>>
      %dma_start3A_110 = arith.constant 0 : i32
      %dma_start3A_111 = tpu.memref_slice %arg13[%add3A_33, %dma_start3A_110] : memref<10240x64xf32, #tpu.memory_space<vmem_shared>> -> memref<128x64xf32, #tpu.memory_space<vmem_shared>>
      %dma_start3A_112 = arith.constant 0 : i32
      %dma_start3A_113 = tpu.memref_slice %arg13[%add3A_33, %dma_start3A_112] : memref<10240x64xf32, #tpu.memory_space<vmem_shared>> -> memref<128x64xf32, #tpu.memory_space<vmem_shared>>
      tpu.enqueue_dma source(%arg12 : memref<128x64xf32, #tpu.memory_space<vmem>>) target(%dma_start3A_113 : memref<128x64xf32, #tpu.memory_space<vmem_shared>>) target_semaphore(%run_scoped3A : memref<!tpu.dma_semaphore, #tpu.memory_space<semaphore_mem>>)
      %dma_wait3A_114 = arith.constant 0 : i32
      %dma_wait3A_115 = tpu.memref_slice %arg13[%add3A_33, %dma_wait3A_114] : memref<10240x64xf32, #tpu.memory_space<vmem_shared>> -> memref<128x64xf32, #tpu.memory_space<vmem_shared>>
      %dma_wait3A_116 = arith.constant 0 : i32
      %dma_wait3A_117 = tpu.memref_slice %arg13[%add3A_33, %dma_wait3A_116] : memref<10240x64xf32, #tpu.memory_space<vmem_shared>> -> memref<128x64xf32, #tpu.memory_space<vmem_shared>>
      tpu.wait_dma2 semaphore(%run_scoped3A : memref<!tpu.dma_semaphore, #tpu.memory_space<semaphore_mem>>) src(%arg12 : memref<128x64xf32, #tpu.memory_space<vmem>>) dst(%dma_wait3A_117 : memref<128x64xf32, #tpu.memory_space<vmem_shared>>)
      tpu.yield
    }) : () -> ()
    %mul3A_34 = arith.constant 640 : i32
    %mul3A_35 = arith.muli %arg1, %mul3A_34 : i32
    %add3A_36 = arith.constant 384 : i32
    %add3A_37 = arith.addi %mul3A_35, %add3A_36 : i32
    "tpu.region"() ({
      %run_scoped3A = tpu.sem_alloc : memref<!tpu.dma_semaphore, #tpu.memory_space<semaphore_mem>>
      %dma_start3A_110 = arith.constant 0 : i32
      %dma_start3A_111 = tpu.memref_slice %arg13[%add3A_37, %dma_start3A_110] : memref<10240x64xf32, #tpu.memory_space<vmem_shared>> -> memref<128x64xf32, #tpu.memory_space<vmem_shared>>
      %dma_start3A_112 = arith.constant 0 : i32
      %dma_start3A_113 = tpu.memref_slice %arg13[%add3A_37, %dma_start3A_112] : memref<10240x64xf32, #tpu.memory_space<vmem_shared>> -> memref<128x64xf32, #tpu.memory_space<vmem_shared>>
      tpu.enqueue_dma source(%arg12 : memref<128x64xf32, #tpu.memory_space<vmem>>) target(%dma_start3A_113 : memref<128x64xf32, #tpu.memory_space<vmem_shared>>) target_semaphore(%run_scoped3A : memref<!tpu.dma_semaphore, #tpu.memory_space<semaphore_mem>>)
      %dma_wait3A_114 = arith.constant 0 : i32
      %dma_wait3A_115 = tpu.memref_slice %arg13[%add3A_37, %dma_wait3A_114] : memref<10240x64xf32, #tpu.memory_space<vmem_shared>> -> memref<128x64xf32, #tpu.memory_space<vmem_shared>>
      %dma_wait3A_116 = arith.constant 0 : i32
      %dma_wait3A_117 = tpu.memref_slice %arg13[%add3A_37, %dma_wait3A_116] : memref<10240x64xf32, #tpu.memory_space<vmem_shared>> -> memref<128x64xf32, #tpu.memory_space<vmem_shared>>
      tpu.wait_dma2 semaphore(%run_scoped3A : memref<!tpu.dma_semaphore, #tpu.memory_space<semaphore_mem>>) src(%arg12 : memref<128x64xf32, #tpu.memory_space<vmem>>) dst(%dma_wait3A_117 : memref<128x64xf32, #tpu.memory_space<vmem_shared>>)
      tpu.yield
    }) : () -> ()
    %mul3A_38 = arith.constant 640 : i32
    %mul3A_39 = arith.muli %arg1, %mul3A_38 : i32
    %add3A_40 = arith.constant 512 : i32
    %add3A_41 = arith.addi %mul3A_39, %add3A_40 : i32
    "tpu.region"() ({
      %run_scoped3A = tpu.sem_alloc : memref<!tpu.dma_semaphore, #tpu.memory_space<semaphore_mem>>
      %dma_start3A_110 = arith.constant 0 : i32
      %dma_start3A_111 = tpu.memref_slice %arg13[%add3A_41, %dma_start3A_110] : memref<10240x64xf32, #tpu.memory_space<vmem_shared>> -> memref<128x64xf32, #tpu.memory_space<vmem_shared>>
      %dma_start3A_112 = arith.constant 0 : i32
      %dma_start3A_113 = tpu.memref_slice %arg13[%add3A_41, %dma_start3A_112] : memref<10240x64xf32, #tpu.memory_space<vmem_shared>> -> memref<128x64xf32, #tpu.memory_space<vmem_shared>>
      tpu.enqueue_dma source(%arg12 : memref<128x64xf32, #tpu.memory_space<vmem>>) target(%dma_start3A_113 : memref<128x64xf32, #tpu.memory_space<vmem_shared>>) target_semaphore(%run_scoped3A : memref<!tpu.dma_semaphore, #tpu.memory_space<semaphore_mem>>)
      %dma_wait3A_114 = arith.constant 0 : i32
      %dma_wait3A_115 = tpu.memref_slice %arg13[%add3A_41, %dma_wait3A_114] : memref<10240x64xf32, #tpu.memory_space<vmem_shared>> -> memref<128x64xf32, #tpu.memory_space<vmem_shared>>
      %dma_wait3A_116 = arith.constant 0 : i32
      %dma_wait3A_117 = tpu.memref_slice %arg13[%add3A_41, %dma_wait3A_116] : memref<10240x64xf32, #tpu.memory_space<vmem_shared>> -> memref<128x64xf32, #tpu.memory_space<vmem_shared>>
      tpu.wait_dma2 semaphore(%run_scoped3A : memref<!tpu.dma_semaphore, #tpu.memory_space<semaphore_mem>>) src(%arg12 : memref<128x64xf32, #tpu.memory_space<vmem>>) dst(%dma_wait3A_117 : memref<128x64xf32, #tpu.memory_space<vmem_shared>>)
      tpu.yield
    }) : () -> ()
    %dma_wait3A = arith.constant 0 : i32
    %dma_wait3A_42 = arith.constant 0 : i32
    %dma_wait3A_43 = arith.constant 0 : i32
    %dma_wait3A_44 = tpu.memref_slice %arg3[%dma_wait3A, %add3A, %dma_wait3A_42, %dma_wait3A_43] : memref<2x32x125x80xi32, #tpu.memory_space<hbm>> -> memref<1x1x125x80xi32, #tpu.memory_space<hbm>>
    %dma_wait3A_45 = tpu.memref_squeeze %dma_wait3A_44 : memref<1x1x125x80xi32, #tpu.memory_space<hbm>> -> memref<125x80xi32, #tpu.memory_space<hbm>>
    %dma_wait3A_46 = arith.constant 0 : i32
    %dma_wait3A_47 = arith.constant 0 : i32
    %dma_wait3A_48 = tpu.memref_slice %arg3[%dma_wait3A, %add3A, %dma_wait3A_46, %dma_wait3A_47] : memref<2x32x125x80xi32, #tpu.memory_space<hbm>> -> memref<1x1x125x80xi32, #tpu.memory_space<hbm>>
    %dma_wait3A_49 = tpu.memref_squeeze %dma_wait3A_48 : memref<1x1x125x80xi32, #tpu.memory_space<hbm>> -> memref<125x80xi32, #tpu.memory_space<hbm>>
    tpu.wait_dma2 semaphore(%arg19 : memref<!tpu.dma_semaphore, #tpu.memory_space<semaphore_mem>>) src(%dma_wait3A_49 : memref<125x80xi32, #tpu.memory_space<hbm>>) dst(%arg5 : memref<125x80xi32, #tpu.memory_space<vmem>>)
    %dma_wait3A_50 = arith.constant 1 : i32
    %dma_wait3A_51 = arith.constant 0 : i32
    %dma_wait3A_52 = arith.constant 0 : i32
    %dma_wait3A_53 = tpu.memref_slice %arg3[%dma_wait3A_50, %add3A, %dma_wait3A_51, %dma_wait3A_52] : memref<2x32x125x80xi32, #tpu.memory_space<hbm>> -> memref<1x1x125x80xi32, #tpu.memory_space<hbm>>
    %dma_wait3A_54 = tpu.memref_squeeze %dma_wait3A_53 : memref<1x1x125x80xi32, #tpu.memory_space<hbm>> -> memref<125x80xi32, #tpu.memory_space<hbm>>
    %dma_wait3A_55 = arith.constant 0 : i32
    %dma_wait3A_56 = arith.constant 0 : i32
    %dma_wait3A_57 = tpu.memref_slice %arg3[%dma_wait3A_50, %add3A, %dma_wait3A_55, %dma_wait3A_56] : memref<2x32x125x80xi32, #tpu.memory_space<hbm>> -> memref<1x1x125x80xi32, #tpu.memory_space<hbm>>
    %dma_wait3A_58 = tpu.memref_squeeze %dma_wait3A_57 : memref<1x1x125x80xi32, #tpu.memory_space<hbm>> -> memref<125x80xi32, #tpu.memory_space<hbm>>
    tpu.wait_dma2 semaphore(%arg19 : memref<!tpu.dma_semaphore, #tpu.memory_space<semaphore_mem>>) src(%dma_wait3A_58 : memref<125x80xi32, #tpu.memory_space<hbm>>) dst(%arg6 : memref<125x80xi32, #tpu.memory_space<vmem>>)
    %dma_start3A_59 = arith.constant 0 : i32
    %dma_start3A_60 = arith.constant 0 : i32
    %dma_start3A_61 = tpu.memref_slice %arg5[%dma_start3A_59, %dma_start3A_60] : memref<125x80xi32, #tpu.memory_space<vmem>> -> memref<1x80xi32, #tpu.memory_space<vmem>>
    %dma_start3A_62 = tpu.memref_squeeze %dma_start3A_61 : memref<1x80xi32, #tpu.memory_space<vmem>> -> memref<80xi32, #tpu.memory_space<vmem>>
    %dma_start3A_63 = arith.constant 0 : i32
    %dma_start3A_64 = arith.constant 0 : i32
    %dma_start3A_65 = tpu.memref_slice %arg2[%dma_start3A_63, %dma_start3A_64] : memref<10240x64xf32, #tpu.memory_space<hbm>> -> memref<10240x64xf32, #tpu.memory_space<hbm>>
    tpu.enqueue_indirect_dma source(%dma_start3A_65 : memref<10240x64xf32, #tpu.memory_space<hbm>>) target(%arg7 : memref<80x64xf32, #tpu.memory_space<vmem>>) offsets(%dma_start3A_62 : memref<80xi32, #tpu.memory_space<vmem>>) semaphore(%arg14 : memref<!tpu.dma_semaphore, #tpu.memory_space<semaphore_mem>>)
    %dma_start3A_66 = arith.constant 1 : i32
    %dma_start3A_67 = arith.constant 0 : i32
    %dma_start3A_68 = tpu.memref_slice %arg5[%dma_start3A_66, %dma_start3A_67] : memref<125x80xi32, #tpu.memory_space<vmem>> -> memref<1x80xi32, #tpu.memory_space<vmem>>
    %dma_start3A_69 = tpu.memref_squeeze %dma_start3A_68 : memref<1x80xi32, #tpu.memory_space<vmem>> -> memref<80xi32, #tpu.memory_space<vmem>>
    %dma_start3A_70 = arith.constant 0 : i32
    %dma_start3A_71 = arith.constant 0 : i32
    %dma_start3A_72 = tpu.memref_slice %arg2[%dma_start3A_70, %dma_start3A_71] : memref<10240x64xf32, #tpu.memory_space<hbm>> -> memref<10240x64xf32, #tpu.memory_space<hbm>>
    tpu.enqueue_indirect_dma source(%dma_start3A_72 : memref<10240x64xf32, #tpu.memory_space<hbm>>) target(%arg8 : memref<80x64xf32, #tpu.memory_space<vmem>>) offsets(%dma_start3A_69 : memref<80xi32, #tpu.memory_space<vmem>>) semaphore(%arg15 : memref<!tpu.dma_semaphore, #tpu.memory_space<semaphore_mem>>)
    %dma_start3A_73 = arith.constant 2 : i32
    %dma_start3A_74 = arith.constant 0 : i32
    %dma_start3A_75 = tpu.memref_slice %arg5[%dma_start3A_73, %dma_start3A_74] : memref<125x80xi32, #tpu.memory_space<vmem>> -> memref<1x80xi32, #tpu.memory_space<vmem>>
    %dma_start3A_76 = tpu.memref_squeeze %dma_start3A_75 : memref<1x80xi32, #tpu.memory_space<vmem>> -> memref<80xi32, #tpu.memory_space<vmem>>
    %dma_start3A_77 = arith.constant 0 : i32
    %dma_start3A_78 = arith.constant 0 : i32
    %dma_start3A_79 = tpu.memref_slice %arg2[%dma_start3A_77, %dma_start3A_78] : memref<10240x64xf32, #tpu.memory_space<hbm>> -> memref<10240x64xf32, #tpu.memory_space<hbm>>
    tpu.enqueue_indirect_dma source(%dma_start3A_79 : memref<10240x64xf32, #tpu.memory_space<hbm>>) target(%arg9 : memref<80x64xf32, #tpu.memory_space<vmem>>) offsets(%dma_start3A_76 : memref<80xi32, #tpu.memory_space<vmem>>) semaphore(%arg16 : memref<!tpu.dma_semaphore, #tpu.memory_space<semaphore_mem>>)
    %dma_start3A_80 = arith.constant 3 : i32
    %dma_start3A_81 = arith.constant 0 : i32
    %dma_start3A_82 = tpu.memref_slice %arg5[%dma_start3A_80, %dma_start3A_81] : memref<125x80xi32, #tpu.memory_space<vmem>> -> memref<1x80xi32, #tpu.memory_space<vmem>>
    %dma_start3A_83 = tpu.memref_squeeze %dma_start3A_82 : memref<1x80xi32, #tpu.memory_space<vmem>> -> memref<80xi32, #tpu.memory_space<vmem>>
    %dma_start3A_84 = arith.constant 0 : i32
    %dma_start3A_85 = arith.constant 0 : i32
    %dma_start3A_86 = tpu.memref_slice %arg2[%dma_start3A_84, %dma_start3A_85] : memref<10240x64xf32, #tpu.memory_space<hbm>> -> memref<10240x64xf32, #tpu.memory_space<hbm>>
    tpu.enqueue_indirect_dma source(%dma_start3A_86 : memref<10240x64xf32, #tpu.memory_space<hbm>>) target(%arg10 : memref<80x64xf32, #tpu.memory_space<vmem>>) offsets(%dma_start3A_83 : memref<80xi32, #tpu.memory_space<vmem>>) semaphore(%arg17 : memref<!tpu.dma_semaphore, #tpu.memory_space<semaphore_mem>>)
    %dma_start3A_87 = arith.constant 4 : i32
    %dma_start3A_88 = arith.constant 0 : i32
    %dma_start3A_89 = tpu.memref_slice %arg5[%dma_start3A_87, %dma_start3A_88] : memref<125x80xi32, #tpu.memory_space<vmem>> -> memref<1x80xi32, #tpu.memory_space<vmem>>
    %dma_start3A_90 = tpu.memref_squeeze %dma_start3A_89 : memref<1x80xi32, #tpu.memory_space<vmem>> -> memref<80xi32, #tpu.memory_space<vmem>>
    %dma_start3A_91 = arith.constant 0 : i32
    %dma_start3A_92 = arith.constant 0 : i32
    %dma_start3A_93 = tpu.memref_slice %arg2[%dma_start3A_91, %dma_start3A_92] : memref<10240x64xf32, #tpu.memory_space<hbm>> -> memref<10240x64xf32, #tpu.memory_space<hbm>>
    tpu.enqueue_indirect_dma source(%dma_start3A_93 : memref<10240x64xf32, #tpu.memory_space<hbm>>) target(%arg11 : memref<80x64xf32, #tpu.memory_space<vmem>>) offsets(%dma_start3A_90 : memref<80xi32, #tpu.memory_space<vmem>>) semaphore(%arg18 : memref<!tpu.dma_semaphore, #tpu.memory_space<semaphore_mem>>)
    %barrier3A = arith.constant 0 : index
    tpu.barrier barrier_id(%barrier3A)
    %scan3A_94 = arith.constant 0 : i32
    %scan3A_95 = arith.constant 25 : i32
    %scan3A_96 = arith.addi %scan3A_94, %scan3A_95 : i32
    %scan3A_97 = arith.constant 1 : i32
    scf.for %scan3A_110 = %scan3A_94 to %scan3A_96 step %scan3A_97  : i32 {
      %mul3A_111 = arith.constant 5 : i32
      %mul3A_112 = arith.muli %scan3A_110, %mul3A_111 : i32
      %add3A_113 = arith.constant 0 : i32
      %add3A_114 = arith.addi %add3A_113, %mul3A_112 : i32
      %add3A_115 = arith.constant 0 : i32
      %add3A_116 = arith.addi %add3A_114, %add3A_115 : i32
      %dma_wait3A_117 = arith.constant 0 : i32
      %dma_wait3A_118 = tpu.memref_slice %arg5[%add3A_116, %dma_wait3A_117] : memref<125x80xi32, #tpu.memory_space<vmem>> -> memref<1x80xi32, #tpu.memory_space<vmem>>
      %dma_wait3A_119 = tpu.memref_squeeze %dma_wait3A_118 : memref<1x80xi32, #tpu.memory_space<vmem>> -> memref<80xi32, #tpu.memory_space<vmem>>
      %dma_wait3A_120 = arith.constant 0 : i32
      %dma_wait3A_121 = arith.constant 0 : i32
      %dma_wait3A_122 = tpu.memref_slice %arg2[%dma_wait3A_120, %dma_wait3A_121] : memref<10240x64xf32, #tpu.memory_space<hbm>> -> memref<10240x64xf32, #tpu.memory_space<hbm>>
      tpu.wait_indirect_dma semaphore(%arg14 : memref<!tpu.dma_semaphore, #tpu.memory_space<semaphore_mem>>) src(%dma_wait3A_122 : memref<10240x64xf32, #tpu.memory_space<hbm>>) dst(%arg7 : memref<80x64xf32, #tpu.memory_space<vmem>>)
      "tpu.region"() ({
        %run_scoped3A = tpu.sem_alloc : memref<!tpu.dma_semaphore, #tpu.memory_space<semaphore_mem>>
        %dma_start3A_187 = arith.constant 0 : i32
        %dma_start3A_188 = tpu.memref_slice %arg6[%add3A_116, %dma_start3A_187] : memref<125x80xi32, #tpu.memory_space<vmem>> -> memref<1x80xi32, #tpu.memory_space<vmem>>
        %dma_start3A_189 = tpu.memref_squeeze %dma_start3A_188 : memref<1x80xi32, #tpu.memory_space<vmem>> -> memref<80xi32, #tpu.memory_space<vmem>>
        %dma_start3A_190 = arith.constant 0 : i32
        %dma_start3A_191 = arith.constant 0 : i32
        %dma_start3A_192 = tpu.memref_slice %arg13[%dma_start3A_190, %dma_start3A_191] : memref<10240x64xf32, #tpu.memory_space<vmem_shared>> -> memref<10240x64xf32, #tpu.memory_space<vmem_shared>>
        tpu.enqueue_indirect_dma source(%arg7 : memref<80x64xf32, #tpu.memory_space<vmem>>) target(%dma_start3A_192 : memref<10240x64xf32, #tpu.memory_space<vmem_shared>>) offsets(%dma_start3A_189 : memref<80xi32, #tpu.memory_space<vmem>>) semaphore(%run_scoped3A : memref<!tpu.dma_semaphore, #tpu.memory_space<semaphore_mem>>) {add = true}
        %dma_wait3A_193 = arith.constant 0 : i32
        %dma_wait3A_194 = tpu.memref_slice %arg6[%add3A_116, %dma_wait3A_193] : memref<125x80xi32, #tpu.memory_space<vmem>> -> memref<1x80xi32, #tpu.memory_space<vmem>>
        %dma_wait3A_195 = tpu.memref_squeeze %dma_wait3A_194 : memref<1x80xi32, #tpu.memory_space<vmem>> -> memref<80xi32, #tpu.memory_space<vmem>>
        %dma_wait3A_196 = arith.constant 0 : i32
        %dma_wait3A_197 = arith.constant 0 : i32
        %dma_wait3A_198 = tpu.memref_slice %arg13[%dma_wait3A_196, %dma_wait3A_197] : memref<10240x64xf32, #tpu.memory_space<vmem_shared>> -> memref<10240x64xf32, #tpu.memory_space<vmem_shared>>
        tpu.wait_indirect_dma semaphore(%run_scoped3A : memref<!tpu.dma_semaphore, #tpu.memory_space<semaphore_mem>>) src(%arg7 : memref<80x64xf32, #tpu.memory_space<vmem>>) dst(%dma_wait3A_198 : memref<10240x64xf32, #tpu.memory_space<vmem_shared>>)
        tpu.yield
      }) : () -> ()
      %add3A_123 = arith.constant 5 : i32
      %add3A_124 = arith.addi %add3A_116, %add3A_123 : i32
      %lt3A = arith.constant 125 : i32
      %lt3A_125 = arith.cmpi slt, %add3A_124, %lt3A : i32
      %convert_element_type3A = arith.extui %lt3A_125 : i1 to i32
      %cond3A = arith.constant 0 : i32
      %cond3A_126 = arith.cmpi ne, %convert_element_type3A, %cond3A : i32
      scf.if %cond3A_126 {
        %dma_start3A_187 = arith.constant 0 : i32
        %dma_start3A_188 = tpu.memref_slice %arg5[%add3A_124, %dma_start3A_187] : memref<125x80xi32, #tpu.memory_space<vmem>> -> memref<1x80xi32, #tpu.memory_space<vmem>>
        %dma_start3A_189 = tpu.memref_squeeze %dma_start3A_188 : memref<1x80xi32, #tpu.memory_space<vmem>> -> memref<80xi32, #tpu.memory_space<vmem>>
        %dma_start3A_190 = arith.constant 0 : i32
        %dma_start3A_191 = arith.constant 0 : i32
        %dma_start3A_192 = tpu.memref_slice %arg2[%dma_start3A_190, %dma_start3A_191] : memref<10240x64xf32, #tpu.memory_space<hbm>> -> memref<10240x64xf32, #tpu.memory_space<hbm>>
        tpu.enqueue_indirect_dma source(%dma_start3A_192 : memref<10240x64xf32, #tpu.memory_space<hbm>>) target(%arg7 : memref<80x64xf32, #tpu.memory_space<vmem>>) offsets(%dma_start3A_189 : memref<80xi32, #tpu.memory_space<vmem>>) semaphore(%arg14 : memref<!tpu.dma_semaphore, #tpu.memory_space<semaphore_mem>>)
      } else {
      }
      %add3A_127 = arith.constant 1 : i32
      %add3A_128 = arith.addi %add3A_114, %add3A_127 : i32
      %dma_wait3A_129 = arith.constant 0 : i32
      %dma_wait3A_130 = tpu.memref_slice %arg5[%add3A_128, %dma_wait3A_129] : memref<125x80xi32, #tpu.memory_space<vmem>> -> memref<1x80xi32, #tpu.memory_space<vmem>>
      %dma_wait3A_131 = tpu.memref_squeeze %dma_wait3A_130 : memref<1x80xi32, #tpu.memory_space<vmem>> -> memref<80xi32, #tpu.memory_space<vmem>>
      %dma_wait3A_132 = arith.constant 0 : i32
      %dma_wait3A_133 = arith.constant 0 : i32
      %dma_wait3A_134 = tpu.memref_slice %arg2[%dma_wait3A_132, %dma_wait3A_133] : memref<10240x64xf32, #tpu.memory_space<hbm>> -> memref<10240x64xf32, #tpu.memory_space<hbm>>
      tpu.wait_indirect_dma semaphore(%arg15 : memref<!tpu.dma_semaphore, #tpu.memory_space<semaphore_mem>>) src(%dma_wait3A_134 : memref<10240x64xf32, #tpu.memory_space<hbm>>) dst(%arg8 : memref<80x64xf32, #tpu.memory_space<vmem>>)
      "tpu.region"() ({
        %run_scoped3A = tpu.sem_alloc : memref<!tpu.dma_semaphore, #tpu.memory_space<semaphore_mem>>
        %dma_start3A_187 = arith.constant 0 : i32
        %dma_start3A_188 = tpu.memref_slice %arg6[%add3A_128, %dma_start3A_187] : memref<125x80xi32, #tpu.memory_space<vmem>> -> memref<1x80xi32, #tpu.memory_space<vmem>>
        %dma_start3A_189 = tpu.memref_squeeze %dma_start3A_188 : memref<1x80xi32, #tpu.memory_space<vmem>> -> memref<80xi32, #tpu.memory_space<vmem>>
        %dma_start3A_190 = arith.constant 0 : i32
        %dma_start3A_191 = arith.constant 0 : i32
        %dma_start3A_192 = tpu.memref_slice %arg13[%dma_start3A_190, %dma_start3A_191] : memref<10240x64xf32, #tpu.memory_space<vmem_shared>> -> memref<10240x64xf32, #tpu.memory_space<vmem_shared>>
        tpu.enqueue_indirect_dma source(%arg8 : memref<80x64xf32, #tpu.memory_space<vmem>>) target(%dma_start3A_192 : memref<10240x64xf32, #tpu.memory_space<vmem_shared>>) offsets(%dma_start3A_189 : memref<80xi32, #tpu.memory_space<vmem>>) semaphore(%run_scoped3A : memref<!tpu.dma_semaphore, #tpu.memory_space<semaphore_mem>>) {add = true}
        %dma_wait3A_193 = arith.constant 0 : i32
        %dma_wait3A_194 = tpu.memref_slice %arg6[%add3A_128, %dma_wait3A_193] : memref<125x80xi32, #tpu.memory_space<vmem>> -> memref<1x80xi32, #tpu.memory_space<vmem>>
        %dma_wait3A_195 = tpu.memref_squeeze %dma_wait3A_194 : memref<1x80xi32, #tpu.memory_space<vmem>> -> memref<80xi32, #tpu.memory_space<vmem>>
        %dma_wait3A_196 = arith.constant 0 : i32
        %dma_wait3A_197 = arith.constant 0 : i32
        %dma_wait3A_198 = tpu.memref_slice %arg13[%dma_wait3A_196, %dma_wait3A_197] : memref<10240x64xf32, #tpu.memory_space<vmem_shared>> -> memref<10240x64xf32, #tpu.memory_space<vmem_shared>>
        tpu.wait_indirect_dma semaphore(%run_scoped3A : memref<!tpu.dma_semaphore, #tpu.memory_space<semaphore_mem>>) src(%arg8 : memref<80x64xf32, #tpu.memory_space<vmem>>) dst(%dma_wait3A_198 : memref<10240x64xf32, #tpu.memory_space<vmem_shared>>)
        tpu.yield
      }) : () -> ()
      %add3A_135 = arith.constant 5 : i32
      %add3A_136 = arith.addi %add3A_128, %add3A_135 : i32
      %lt3A_137 = arith.constant 125 : i32
      %lt3A_138 = arith.cmpi slt, %add3A_136, %lt3A_137 : i32
      %convert_element_type3A_139 = arith.extui %lt3A_138 : i1 to i32
      %cond3A_140 = arith.constant 0 : i32
      %cond3A_141 = arith.cmpi ne, %convert_element_type3A_139, %cond3A_140 : i32
      scf.if %cond3A_141 {
        %dma_start3A_187 = arith.constant 0 : i32
        %dma_start3A_188 = tpu.memref_slice %arg5[%add3A_136, %dma_start3A_187] : memref<125x80xi32, #tpu.memory_space<vmem>> -> memref<1x80xi32, #tpu.memory_space<vmem>>
        %dma_start3A_189 = tpu.memref_squeeze %dma_start3A_188 : memref<1x80xi32, #tpu.memory_space<vmem>> -> memref<80xi32, #tpu.memory_space<vmem>>
        %dma_start3A_190 = arith.constant 0 : i32
        %dma_start3A_191 = arith.constant 0 : i32
        %dma_start3A_192 = tpu.memref_slice %arg2[%dma_start3A_190, %dma_start3A_191] : memref<10240x64xf32, #tpu.memory_space<hbm>> -> memref<10240x64xf32, #tpu.memory_space<hbm>>
        tpu.enqueue_indirect_dma source(%dma_start3A_192 : memref<10240x64xf32, #tpu.memory_space<hbm>>) target(%arg8 : memref<80x64xf32, #tpu.memory_space<vmem>>) offsets(%dma_start3A_189 : memref<80xi32, #tpu.memory_space<vmem>>) semaphore(%arg15 : memref<!tpu.dma_semaphore, #tpu.memory_space<semaphore_mem>>)
      } else {
      }
      %add3A_142 = arith.constant 2 : i32
      %add3A_143 = arith.addi %add3A_114, %add3A_142 : i32
      %dma_wait3A_144 = arith.constant 0 : i32
      %dma_wait3A_145 = tpu.memref_slice %arg5[%add3A_143, %dma_wait3A_144] : memref<125x80xi32, #tpu.memory_space<vmem>> -> memref<1x80xi32, #tpu.memory_space<vmem>>
      %dma_wait3A_146 = tpu.memref_squeeze %dma_wait3A_145 : memref<1x80xi32, #tpu.memory_space<vmem>> -> memref<80xi32, #tpu.memory_space<vmem>>
      %dma_wait3A_147 = arith.constant 0 : i32
      %dma_wait3A_148 = arith.constant 0 : i32
      %dma_wait3A_149 = tpu.memref_slice %arg2[%dma_wait3A_147, %dma_wait3A_148] : memref<10240x64xf32, #tpu.memory_space<hbm>> -> memref<10240x64xf32, #tpu.memory_space<hbm>>
      tpu.wait_indirect_dma semaphore(%arg16 : memref<!tpu.dma_semaphore, #tpu.memory_space<semaphore_mem>>) src(%dma_wait3A_149 : memref<10240x64xf32, #tpu.memory_space<hbm>>) dst(%arg9 : memref<80x64xf32, #tpu.memory_space<vmem>>)
      "tpu.region"() ({
        %run_scoped3A = tpu.sem_alloc : memref<!tpu.dma_semaphore, #tpu.memory_space<semaphore_mem>>
        %dma_start3A_187 = arith.constant 0 : i32
        %dma_start3A_188 = tpu.memref_slice %arg6[%add3A_143, %dma_start3A_187] : memref<125x80xi32, #tpu.memory_space<vmem>> -> memref<1x80xi32, #tpu.memory_space<vmem>>
        %dma_start3A_189 = tpu.memref_squeeze %dma_start3A_188 : memref<1x80xi32, #tpu.memory_space<vmem>> -> memref<80xi32, #tpu.memory_space<vmem>>
        %dma_start3A_190 = arith.constant 0 : i32
        %dma_start3A_191 = arith.constant 0 : i32
        %dma_start3A_192 = tpu.memref_slice %arg13[%dma_start3A_190, %dma_start3A_191] : memref<10240x64xf32, #tpu.memory_space<vmem_shared>> -> memref<10240x64xf32, #tpu.memory_space<vmem_shared>>
        tpu.enqueue_indirect_dma source(%arg9 : memref<80x64xf32, #tpu.memory_space<vmem>>) target(%dma_start3A_192 : memref<10240x64xf32, #tpu.memory_space<vmem_shared>>) offsets(%dma_start3A_189 : memref<80xi32, #tpu.memory_space<vmem>>) semaphore(%run_scoped3A : memref<!tpu.dma_semaphore, #tpu.memory_space<semaphore_mem>>) {add = true}
        %dma_wait3A_193 = arith.constant 0 : i32
        %dma_wait3A_194 = tpu.memref_slice %arg6[%add3A_143, %dma_wait3A_193] : memref<125x80xi32, #tpu.memory_space<vmem>> -> memref<1x80xi32, #tpu.memory_space<vmem>>
        %dma_wait3A_195 = tpu.memref_squeeze %dma_wait3A_194 : memref<1x80xi32, #tpu.memory_space<vmem>> -> memref<80xi32, #tpu.memory_space<vmem>>
        %dma_wait3A_196 = arith.constant 0 : i32
        %dma_wait3A_197 = arith.constant 0 : i32
        %dma_wait3A_198 = tpu.memref_slice %arg13[%dma_wait3A_196, %dma_wait3A_197] : memref<10240x64xf32, #tpu.memory_space<vmem_shared>> -> memref<10240x64xf32, #tpu.memory_space<vmem_shared>>
        tpu.wait_indirect_dma semaphore(%run_scoped3A : memref<!tpu.dma_semaphore, #tpu.memory_space<semaphore_mem>>) src(%arg9 : memref<80x64xf32, #tpu.memory_space<vmem>>) dst(%dma_wait3A_198 : memref<10240x64xf32, #tpu.memory_space<vmem_shared>>)
        tpu.yield
      }) : () -> ()
      %add3A_150 = arith.constant 5 : i32
      %add3A_151 = arith.addi %add3A_143, %add3A_150 : i32
      %lt3A_152 = arith.constant 125 : i32
      %lt3A_153 = arith.cmpi slt, %add3A_151, %lt3A_152 : i32
      %convert_element_type3A_154 = arith.extui %lt3A_153 : i1 to i32
      %cond3A_155 = arith.constant 0 : i32
      %cond3A_156 = arith.cmpi ne, %convert_element_type3A_154, %cond3A_155 : i32
      scf.if %cond3A_156 {
        %dma_start3A_187 = arith.constant 0 : i32
        %dma_start3A_188 = tpu.memref_slice %arg5[%add3A_151, %dma_start3A_187] : memref<125x80xi32, #tpu.memory_space<vmem>> -> memref<1x80xi32, #tpu.memory_space<vmem>>
        %dma_start3A_189 = tpu.memref_squeeze %dma_start3A_188 : memref<1x80xi32, #tpu.memory_space<vmem>> -> memref<80xi32, #tpu.memory_space<vmem>>
        %dma_start3A_190 = arith.constant 0 : i32
        %dma_start3A_191 = arith.constant 0 : i32
        %dma_start3A_192 = tpu.memref_slice %arg2[%dma_start3A_190, %dma_start3A_191] : memref<10240x64xf32, #tpu.memory_space<hbm>> -> memref<10240x64xf32, #tpu.memory_space<hbm>>
        tpu.enqueue_indirect_dma source(%dma_start3A_192 : memref<10240x64xf32, #tpu.memory_space<hbm>>) target(%arg9 : memref<80x64xf32, #tpu.memory_space<vmem>>) offsets(%dma_start3A_189 : memref<80xi32, #tpu.memory_space<vmem>>) semaphore(%arg16 : memref<!tpu.dma_semaphore, #tpu.memory_space<semaphore_mem>>)
      } else {
      }
      %add3A_157 = arith.constant 3 : i32
      %add3A_158 = arith.addi %add3A_114, %add3A_157 : i32
      %dma_wait3A_159 = arith.constant 0 : i32
      %dma_wait3A_160 = tpu.memref_slice %arg5[%add3A_158, %dma_wait3A_159] : memref<125x80xi32, #tpu.memory_space<vmem>> -> memref<1x80xi32, #tpu.memory_space<vmem>>
      %dma_wait3A_161 = tpu.memref_squeeze %dma_wait3A_160 : memref<1x80xi32, #tpu.memory_space<vmem>> -> memref<80xi32, #tpu.memory_space<vmem>>
      %dma_wait3A_162 = arith.constant 0 : i32
      %dma_wait3A_163 = arith.constant 0 : i32
      %dma_wait3A_164 = tpu.memref_slice %arg2[%dma_wait3A_162, %dma_wait3A_163] : memref<10240x64xf32, #tpu.memory_space<hbm>> -> memref<10240x64xf32, #tpu.memory_space<hbm>>
      tpu.wait_indirect_dma semaphore(%arg17 : memref<!tpu.dma_semaphore, #tpu.memory_space<semaphore_mem>>) src(%dma_wait3A_164 : memref<10240x64xf32, #tpu.memory_space<hbm>>) dst(%arg10 : memref<80x64xf32, #tpu.memory_space<vmem>>)
      "tpu.region"() ({
        %run_scoped3A = tpu.sem_alloc : memref<!tpu.dma_semaphore, #tpu.memory_space<semaphore_mem>>
        %dma_start3A_187 = arith.constant 0 : i32
        %dma_start3A_188 = tpu.memref_slice %arg6[%add3A_158, %dma_start3A_187] : memref<125x80xi32, #tpu.memory_space<vmem>> -> memref<1x80xi32, #tpu.memory_space<vmem>>
        %dma_start3A_189 = tpu.memref_squeeze %dma_start3A_188 : memref<1x80xi32, #tpu.memory_space<vmem>> -> memref<80xi32, #tpu.memory_space<vmem>>
        %dma_start3A_190 = arith.constant 0 : i32
        %dma_start3A_191 = arith.constant 0 : i32
        %dma_start3A_192 = tpu.memref_slice %arg13[%dma_start3A_190, %dma_start3A_191] : memref<10240x64xf32, #tpu.memory_space<vmem_shared>> -> memref<10240x64xf32, #tpu.memory_space<vmem_shared>>
        tpu.enqueue_indirect_dma source(%arg10 : memref<80x64xf32, #tpu.memory_space<vmem>>) target(%dma_start3A_192 : memref<10240x64xf32, #tpu.memory_space<vmem_shared>>) offsets(%dma_start3A_189 : memref<80xi32, #tpu.memory_space<vmem>>) semaphore(%run_scoped3A : memref<!tpu.dma_semaphore, #tpu.memory_space<semaphore_mem>>) {add = true}
        %dma_wait3A_193 = arith.constant 0 : i32
        %dma_wait3A_194 = tpu.memref_slice %arg6[%add3A_158, %dma_wait3A_193] : memref<125x80xi32, #tpu.memory_space<vmem>> -> memref<1x80xi32, #tpu.memory_space<vmem>>
        %dma_wait3A_195 = tpu.memref_squeeze %dma_wait3A_194 : memref<1x80xi32, #tpu.memory_space<vmem>> -> memref<80xi32, #tpu.memory_space<vmem>>
        %dma_wait3A_196 = arith.constant 0 : i32
        %dma_wait3A_197 = arith.constant 0 : i32
        %dma_wait3A_198 = tpu.memref_slice %arg13[%dma_wait3A_196, %dma_wait3A_197] : memref<10240x64xf32, #tpu.memory_space<vmem_shared>> -> memref<10240x64xf32, #tpu.memory_space<vmem_shared>>
        tpu.wait_indirect_dma semaphore(%run_scoped3A : memref<!tpu.dma_semaphore, #tpu.memory_space<semaphore_mem>>) src(%arg10 : memref<80x64xf32, #tpu.memory_space<vmem>>) dst(%dma_wait3A_198 : memref<10240x64xf32, #tpu.memory_space<vmem_shared>>)
        tpu.yield
      }) : () -> ()
      %add3A_165 = arith.constant 5 : i32
      %add3A_166 = arith.addi %add3A_158, %add3A_165 : i32
      %lt3A_167 = arith.constant 125 : i32
      %lt3A_168 = arith.cmpi slt, %add3A_166, %lt3A_167 : i32
      %convert_element_type3A_169 = arith.extui %lt3A_168 : i1 to i32
      %cond3A_170 = arith.constant 0 : i32
      %cond3A_171 = arith.cmpi ne, %convert_element_type3A_169, %cond3A_170 : i32
      scf.if %cond3A_171 {
        %dma_start3A_187 = arith.constant 0 : i32
        %dma_start3A_188 = tpu.memref_slice %arg5[%add3A_166, %dma_start3A_187] : memref<125x80xi32, #tpu.memory_space<vmem>> -> memref<1x80xi32, #tpu.memory_space<vmem>>
        %dma_start3A_189 = tpu.memref_squeeze %dma_start3A_188 : memref<1x80xi32, #tpu.memory_space<vmem>> -> memref<80xi32, #tpu.memory_space<vmem>>
        %dma_start3A_190 = arith.constant 0 : i32
        %dma_start3A_191 = arith.constant 0 : i32
        %dma_start3A_192 = tpu.memref_slice %arg2[%dma_start3A_190, %dma_start3A_191] : memref<10240x64xf32, #tpu.memory_space<hbm>> -> memref<10240x64xf32, #tpu.memory_space<hbm>>
        tpu.enqueue_indirect_dma source(%dma_start3A_192 : memref<10240x64xf32, #tpu.memory_space<hbm>>) target(%arg10 : memref<80x64xf32, #tpu.memory_space<vmem>>) offsets(%dma_start3A_189 : memref<80xi32, #tpu.memory_space<vmem>>) semaphore(%arg17 : memref<!tpu.dma_semaphore, #tpu.memory_space<semaphore_mem>>)
      } else {
      }
      %add3A_172 = arith.constant 4 : i32
      %add3A_173 = arith.addi %add3A_114, %add3A_172 : i32
      %dma_wait3A_174 = arith.constant 0 : i32
      %dma_wait3A_175 = tpu.memref_slice %arg5[%add3A_173, %dma_wait3A_174] : memref<125x80xi32, #tpu.memory_space<vmem>> -> memref<1x80xi32, #tpu.memory_space<vmem>>
      %dma_wait3A_176 = tpu.memref_squeeze %dma_wait3A_175 : memref<1x80xi32, #tpu.memory_space<vmem>> -> memref<80xi32, #tpu.memory_space<vmem>>
      %dma_wait3A_177 = arith.constant 0 : i32
      %dma_wait3A_178 = arith.constant 0 : i32
      %dma_wait3A_179 = tpu.memref_slice %arg2[%dma_wait3A_177, %dma_wait3A_178] : memref<10240x64xf32, #tpu.memory_space<hbm>> -> memref<10240x64xf32, #tpu.memory_space<hbm>>
      tpu.wait_indirect_dma semaphore(%arg18 : memref<!tpu.dma_semaphore, #tpu.memory_space<semaphore_mem>>) src(%dma_wait3A_179 : memref<10240x64xf32, #tpu.memory_space<hbm>>) dst(%arg11 : memref<80x64xf32, #tpu.memory_space<vmem>>)
      "tpu.region"() ({
        %run_scoped3A = tpu.sem_alloc : memref<!tpu.dma_semaphore, #tpu.memory_space<semaphore_mem>>
        %dma_start3A_187 = arith.constant 0 : i32
        %dma_start3A_188 = tpu.memref_slice %arg6[%add3A_173, %dma_start3A_187] : memref<125x80xi32, #tpu.memory_space<vmem>> -> memref<1x80xi32, #tpu.memory_space<vmem>>
        %dma_start3A_189 = tpu.memref_squeeze %dma_start3A_188 : memref<1x80xi32, #tpu.memory_space<vmem>> -> memref<80xi32, #tpu.memory_space<vmem>>
        %dma_start3A_190 = arith.constant 0 : i32
        %dma_start3A_191 = arith.constant 0 : i32
        %dma_start3A_192 = tpu.memref_slice %arg13[%dma_start3A_190, %dma_start3A_191] : memref<10240x64xf32, #tpu.memory_space<vmem_shared>> -> memref<10240x64xf32, #tpu.memory_space<vmem_shared>>
        tpu.enqueue_indirect_dma source(%arg11 : memref<80x64xf32, #tpu.memory_space<vmem>>) target(%dma_start3A_192 : memref<10240x64xf32, #tpu.memory_space<vmem_shared>>) offsets(%dma_start3A_189 : memref<80xi32, #tpu.memory_space<vmem>>) semaphore(%run_scoped3A : memref<!tpu.dma_semaphore, #tpu.memory_space<semaphore_mem>>) {add = true}
        %dma_wait3A_193 = arith.constant 0 : i32
        %dma_wait3A_194 = tpu.memref_slice %arg6[%add3A_173, %dma_wait3A_193] : memref<125x80xi32, #tpu.memory_space<vmem>> -> memref<1x80xi32, #tpu.memory_space<vmem>>
        %dma_wait3A_195 = tpu.memref_squeeze %dma_wait3A_194 : memref<1x80xi32, #tpu.memory_space<vmem>> -> memref<80xi32, #tpu.memory_space<vmem>>
        %dma_wait3A_196 = arith.constant 0 : i32
        %dma_wait3A_197 = arith.constant 0 : i32
        %dma_wait3A_198 = tpu.memref_slice %arg13[%dma_wait3A_196, %dma_wait3A_197] : memref<10240x64xf32, #tpu.memory_space<vmem_shared>> -> memref<10240x64xf32, #tpu.memory_space<vmem_shared>>
        tpu.wait_indirect_dma semaphore(%run_scoped3A : memref<!tpu.dma_semaphore, #tpu.memory_space<semaphore_mem>>) src(%arg11 : memref<80x64xf32, #tpu.memory_space<vmem>>) dst(%dma_wait3A_198 : memref<10240x64xf32, #tpu.memory_space<vmem_shared>>)
        tpu.yield
      }) : () -> ()
      %add3A_180 = arith.constant 5 : i32
      %add3A_181 = arith.addi %add3A_173, %add3A_180 : i32
      %lt3A_182 = arith.constant 125 : i32
      %lt3A_183 = arith.cmpi slt, %add3A_181, %lt3A_182 : i32
      %convert_element_type3A_184 = arith.extui %lt3A_183 : i1 to i32
      %cond3A_185 = arith.constant 0 : i32
      %cond3A_186 = arith.cmpi ne, %convert_element_type3A_184, %cond3A_185 : i32
      scf.if %cond3A_186 {
        %dma_start3A_187 = arith.constant 0 : i32
        %dma_start3A_188 = tpu.memref_slice %arg5[%add3A_181, %dma_start3A_187] : memref<125x80xi32, #tpu.memory_space<vmem>> -> memref<1x80xi32, #tpu.memory_space<vmem>>
        %dma_start3A_189 = tpu.memref_squeeze %dma_start3A_188 : memref<1x80xi32, #tpu.memory_space<vmem>> -> memref<80xi32, #tpu.memory_space<vmem>>
        %dma_start3A_190 = arith.constant 0 : i32
        %dma_start3A_191 = arith.constant 0 : i32
        %dma_start3A_192 = tpu.memref_slice %arg2[%dma_start3A_190, %dma_start3A_191] : memref<10240x64xf32, #tpu.memory_space<hbm>> -> memref<10240x64xf32, #tpu.memory_space<hbm>>
        tpu.enqueue_indirect_dma source(%dma_start3A_192 : memref<10240x64xf32, #tpu.memory_space<hbm>>) target(%arg11 : memref<80x64xf32, #tpu.memory_space<vmem>>) offsets(%dma_start3A_189 : memref<80xi32, #tpu.memory_space<vmem>>) semaphore(%arg18 : memref<!tpu.dma_semaphore, #tpu.memory_space<semaphore_mem>>)
      } else {
      }
    }
    %scan3A_98 = arith.constant 25 : i32
    %barrier3A_99 = arith.constant 0 : index
    tpu.barrier barrier_id(%barrier3A_99)
    %scan3A_100 = arith.constant 0 : i32
    %scan3A_101 = arith.constant 80 : i32
    %scan3A_102 = arith.addi %scan3A_100, %scan3A_101 : i32
    %scan3A_103 = arith.constant 1 : i32
    scf.for %scan3A_110 = %scan3A_100 to %scan3A_102 step %scan3A_103  : i32 {
      %mul3A_111 = arith.constant 1 : i32
      %mul3A_112 = arith.muli %scan3A_110, %mul3A_111 : i32
      %add3A_113 = arith.constant 0 : i32
      %add3A_114 = arith.addi %add3A_113, %mul3A_112 : i32
      %mul3A_115 = arith.constant 640 : i32
      %mul3A_116 = arith.muli %arg1, %mul3A_115 : i32
      %mul3A_117 = arith.constant 8 : i32
      %mul3A_118 = arith.muli %add3A_114, %mul3A_117 : i32
      %add3A_119 = arith.addi %mul3A_116, %mul3A_118 : i32
      %mul3A_120 = arith.constant 80 : i32
      %mul3A_121 = arith.muli %arg1, %mul3A_120 : i32
      %add3A_122 = arith.addi %mul3A_121, %add3A_114 : i32
      %dma_start3A_123 = arith.constant 0 : i32
      %dma_start3A_124 = arith.constant 0 : i32
      %dma_start3A_125 = tpu.memref_slice %arg4[%arg0, %add3A_122, %dma_start3A_123, %dma_start3A_124] : memref<2x1280x8x128xf32, #tpu.memory_space<hbm>> -> memref<1x1x8x64xf32, #tpu.memory_space<hbm>>
      %dma_start3A_126 = tpu.memref_squeeze %dma_start3A_125 : memref<1x1x8x64xf32, #tpu.memory_space<hbm>> -> memref<8x64xf32, #tpu.memory_space<hbm>>
      %dma_start3A_127 = arith.constant 0 : i32
      %dma_start3A_128 = tpu.memref_slice %arg13[%add3A_119, %dma_start3A_127] : memref<10240x64xf32, #tpu.memory_space<vmem_shared>> -> memref<8x64xf32, #tpu.memory_space<vmem_shared>>
      tpu.enqueue_dma source(%dma_start3A_128 : memref<8x64xf32, #tpu.memory_space<vmem_shared>>) target(%dma_start3A_126 : memref<8x64xf32, #tpu.memory_space<hbm>>) target_semaphore(%arg19 : memref<!tpu.dma_semaphore, #tpu.memory_space<semaphore_mem>>)
    }
    %scan3A_104 = arith.constant 80 : i32
    %scan3A_105 = arith.constant 0 : i32
    %scan3A_106 = arith.constant 80 : i32
    %scan3A_107 = arith.addi %scan3A_105, %scan3A_106 : i32
    %scan3A_108 = arith.constant 1 : i32
    scf.for %scan3A_110 = %scan3A_105 to %scan3A_107 step %scan3A_108  : i32 {
      %mul3A_111 = arith.constant 1 : i32
      %mul3A_112 = arith.muli %scan3A_110, %mul3A_111 : i32
      %add3A_113 = arith.constant 0 : i32
      %add3A_114 = arith.addi %add3A_113, %mul3A_112 : i32
      %mul3A_115 = arith.constant 640 : i32
      %mul3A_116 = arith.muli %arg1, %mul3A_115 : i32
      %mul3A_117 = arith.constant 8 : i32
      %mul3A_118 = arith.muli %add3A_114, %mul3A_117 : i32
      %add3A_119 = arith.addi %mul3A_116, %mul3A_118 : i32
      %mul3A_120 = arith.constant 80 : i32
      %mul3A_121 = arith.muli %arg1, %mul3A_120 : i32
      %add3A_122 = arith.addi %mul3A_121, %add3A_114 : i32
      %dma_wait3A_123 = arith.constant 0 : i32
      %dma_wait3A_124 = arith.constant 0 : i32
      %dma_wait3A_125 = tpu.memref_slice %arg4[%arg0, %add3A_122, %dma_wait3A_123, %dma_wait3A_124] : memref<2x1280x8x128xf32, #tpu.memory_space<hbm>> -> memref<1x1x8x64xf32, #tpu.memory_space<hbm>>
      %dma_wait3A_126 = tpu.memref_squeeze %dma_wait3A_125 : memref<1x1x8x64xf32, #tpu.memory_space<hbm>> -> memref<8x64xf32, #tpu.memory_space<hbm>>
      %dma_wait3A_127 = arith.constant 0 : i32
      %dma_wait3A_128 = tpu.memref_slice %arg13[%add3A_119, %dma_wait3A_127] : memref<10240x64xf32, #tpu.memory_space<vmem_shared>> -> memref<8x64xf32, #tpu.memory_space<vmem_shared>>
      tpu.wait_dma2 semaphore(%arg19 : memref<!tpu.dma_semaphore, #tpu.memory_space<semaphore_mem>>) src(%dma_wait3A_128 : memref<8x64xf32, #tpu.memory_space<vmem_shared>>) dst(%dma_wait3A_126 : memref<8x64xf32, #tpu.memory_space<hbm>>)
    }
    %scan3A_109 = arith.constant 80 : i32
    return
  }
}

#map = affine_map<(d0, d1) -> (0, 0, 0, 0)>
module attributes {stable_mosaic.version = 14 : i64} {
  func.func @deg_call(%arg0: i32, %arg1: i32, %arg2: memref<2x32x125x80xi32, #tpu.memory_space<hbm>>, %arg3: memref<2x1280x8x128xf32, #tpu.memory_space<hbm>>, %arg4: memref<125x80xi32, #tpu.memory_space<vmem>>, %arg5: memref<80x16xf32, #tpu.memory_space<vmem>>, %arg6: memref<128x16xf32, #tpu.memory_space<vmem>>, %arg7: memref<10240x16xf32, #tpu.memory_space<vmem_shared>>, %arg8: memref<!tpu.dma_semaphore, #tpu.memory_space<semaphore_mem>>, %arg9: memref<!tpu.dma_semaphore, #tpu.memory_space<semaphore_mem>>) attributes {dimension_semantics = [#tpu.dimension_semantics<core_parallel>, #tpu.dimension_semantics<subcore_parallel>], iteration_bounds = array<i64: 2, 16>, scalar_prefetch = 0 : i64, scratch_operands = 6 : i64, tpu.core_type = #tpu.core_type<sc_vector_subcore>, window_params = [{transform_indices = #map}, {transform_indices = #map}]} {
    %mul3A = arith.constant 2 : i32
    %mul3A_0 = arith.muli %arg1, %mul3A : i32
    %add3A = arith.addi %mul3A_0, %arg0 : i32
    %scan3A = arith.constant 0 : i32
    %scan3A_1 = arith.constant 80 : i32
    %scan3A_2 = arith.addi %scan3A, %scan3A_1 : i32
    %scan3A_3 = arith.constant 1 : i32
    scf.for %scan3A_67 = %scan3A to %scan3A_2 step %scan3A_3  : i32 {
      %mul3A_68 = arith.constant 1 : i32
      %mul3A_69 = arith.muli %scan3A_67, %mul3A_68 : i32
      %add3A_70 = arith.constant 0 : i32
      %add3A_71 = arith.addi %add3A_70, %mul3A_69 : i32
      %broadcast_in_dim3A = arith.constant 1.000000e+00 : f32
      %broadcast_in_dim3A_72 = vector.broadcast %broadcast_in_dim3A : f32 to vector<16xf32>
      %swap3A = arith.index_cast %add3A_71 : i32 to index
      %swap3A_73 = arith.constant 0 : index
      %swap3A_74 = tpu.vector_load %arg5[%swap3A, %swap3A_73] {strides = array<i32>} : memref<80x16xf32, #tpu.memory_space<vmem>>, vector<1x16xf32>,
      %swap3A_75 = vector.shape_cast %swap3A_74 : vector<1x16xf32> to vector<16xf32>
      %swap3A_76 = vector.shape_cast %broadcast_in_dim3A_72 : vector<16xf32> to vector<1x16xf32>
      tpu.vector_store %arg5[%swap3A, %swap3A_73], %swap3A_76 {strides = array<i32>} : memref<80x16xf32, #tpu.memory_space<vmem>>, vector<1x16xf32>,
    }
    %scan3A_4 = arith.constant 80 : i32
    %dma_start3A = arith.constant 1 : i32
    %dma_start3A_5 = arith.constant 0 : i32
    %dma_start3A_6 = arith.constant 0 : i32
    %dma_start3A_7 = tpu.memref_slice %arg2[%dma_start3A, %add3A, %dma_start3A_5, %dma_start3A_6] : memref<2x32x125x80xi32, #tpu.memory_space<hbm>> -> memref<1x1x125x80xi32, #tpu.memory_space<hbm>>
    %dma_start3A_8 = tpu.memref_squeeze %dma_start3A_7 : memref<1x1x125x80xi32, #tpu.memory_space<hbm>> -> memref<125x80xi32, #tpu.memory_space<hbm>>
    %dma_start3A_9 = arith.constant 0 : i32
    %dma_start3A_10 = arith.constant 0 : i32
    %dma_start3A_11 = tpu.memref_slice %arg2[%dma_start3A, %add3A, %dma_start3A_9, %dma_start3A_10] : memref<2x32x125x80xi32, #tpu.memory_space<hbm>> -> memref<1x1x125x80xi32, #tpu.memory_space<hbm>>
    %dma_start3A_12 = tpu.memref_squeeze %dma_start3A_11 : memref<1x1x125x80xi32, #tpu.memory_space<hbm>> -> memref<125x80xi32, #tpu.memory_space<hbm>>
    tpu.enqueue_dma source(%dma_start3A_12 : memref<125x80xi32, #tpu.memory_space<hbm>>) target(%arg4 : memref<125x80xi32, #tpu.memory_space<vmem>>) target_semaphore(%arg8 : memref<!tpu.dma_semaphore, #tpu.memory_space<semaphore_mem>>)
    %scan3A_13 = arith.constant 0 : i32
    %scan3A_14 = arith.constant 128 : i32
    %scan3A_15 = arith.addi %scan3A_13, %scan3A_14 : i32
    %scan3A_16 = arith.constant 1 : i32
    scf.for %scan3A_67 = %scan3A_13 to %scan3A_15 step %scan3A_16  : i32 {
      %mul3A_68 = arith.constant 1 : i32
      %mul3A_69 = arith.muli %scan3A_67, %mul3A_68 : i32
      %add3A_70 = arith.constant 0 : i32
      %add3A_71 = arith.addi %add3A_70, %mul3A_69 : i32
      %broadcast_in_dim3A = arith.constant 0.000000e+00 : f32
      %broadcast_in_dim3A_72 = vector.broadcast %broadcast_in_dim3A : f32 to vector<16xf32>
      %swap3A = arith.index_cast %add3A_71 : i32 to index
      %swap3A_73 = arith.constant 0 : index
      %swap3A_74 = tpu.vector_load %arg6[%swap3A, %swap3A_73] {strides = array<i32>} : memref<128x16xf32, #tpu.memory_space<vmem>>, vector<1x16xf32>,
      %swap3A_75 = vector.shape_cast %swap3A_74 : vector<1x16xf32> to vector<16xf32>
      %swap3A_76 = vector.shape_cast %broadcast_in_dim3A_72 : vector<16xf32> to vector<1x16xf32>
      tpu.vector_store %arg6[%swap3A, %swap3A_73], %swap3A_76 {strides = array<i32>} : memref<128x16xf32, #tpu.memory_space<vmem>>, vector<1x16xf32>,
    }
    %scan3A_17 = arith.constant 128 : i32
    %mul3A_18 = arith.constant 640 : i32
    %mul3A_19 = arith.muli %arg1, %mul3A_18 : i32
    %add3A_20 = arith.constant 0 : i32
    %add3A_21 = arith.addi %mul3A_19, %add3A_20 : i32
    "tpu.region"() ({
      %run_scoped3A = tpu.sem_alloc : memref<!tpu.dma_semaphore, #tpu.memory_space<semaphore_mem>>
      %dma_start3A_67 = arith.constant 0 : i32
      %dma_start3A_68 = tpu.memref_slice %arg7[%add3A_21, %dma_start3A_67] : memref<10240x16xf32, #tpu.memory_space<vmem_shared>> -> memref<128x16xf32, #tpu.memory_space<vmem_shared>>
      %dma_start3A_69 = arith.constant 0 : i32
      %dma_start3A_70 = tpu.memref_slice %arg7[%add3A_21, %dma_start3A_69] : memref<10240x16xf32, #tpu.memory_space<vmem_shared>> -> memref<128x16xf32, #tpu.memory_space<vmem_shared>>
      tpu.enqueue_dma source(%arg6 : memref<128x16xf32, #tpu.memory_space<vmem>>) target(%dma_start3A_70 : memref<128x16xf32, #tpu.memory_space<vmem_shared>>) target_semaphore(%run_scoped3A : memref<!tpu.dma_semaphore, #tpu.memory_space<semaphore_mem>>)
      %dma_wait3A_71 = arith.constant 0 : i32
      %dma_wait3A_72 = tpu.memref_slice %arg7[%add3A_21, %dma_wait3A_71] : memref<10240x16xf32, #tpu.memory_space<vmem_shared>> -> memref<128x16xf32, #tpu.memory_space<vmem_shared>>
      %dma_wait3A_73 = arith.constant 0 : i32
      %dma_wait3A_74 = tpu.memref_slice %arg7[%add3A_21, %dma_wait3A_73] : memref<10240x16xf32, #tpu.memory_space<vmem_shared>> -> memref<128x16xf32, #tpu.memory_space<vmem_shared>>
      tpu.wait_dma2 semaphore(%run_scoped3A : memref<!tpu.dma_semaphore, #tpu.memory_space<semaphore_mem>>) src(%arg6 : memref<128x16xf32, #tpu.memory_space<vmem>>) dst(%dma_wait3A_74 : memref<128x16xf32, #tpu.memory_space<vmem_shared>>)
      tpu.yield
    }) : () -> ()
    %mul3A_22 = arith.constant 640 : i32
    %mul3A_23 = arith.muli %arg1, %mul3A_22 : i32
    %add3A_24 = arith.constant 128 : i32
    %add3A_25 = arith.addi %mul3A_23, %add3A_24 : i32
    "tpu.region"() ({
      %run_scoped3A = tpu.sem_alloc : memref<!tpu.dma_semaphore, #tpu.memory_space<semaphore_mem>>
      %dma_start3A_67 = arith.constant 0 : i32
      %dma_start3A_68 = tpu.memref_slice %arg7[%add3A_25, %dma_start3A_67] : memref<10240x16xf32, #tpu.memory_space<vmem_shared>> -> memref<128x16xf32, #tpu.memory_space<vmem_shared>>
      %dma_start3A_69 = arith.constant 0 : i32
      %dma_start3A_70 = tpu.memref_slice %arg7[%add3A_25, %dma_start3A_69] : memref<10240x16xf32, #tpu.memory_space<vmem_shared>> -> memref<128x16xf32, #tpu.memory_space<vmem_shared>>
      tpu.enqueue_dma source(%arg6 : memref<128x16xf32, #tpu.memory_space<vmem>>) target(%dma_start3A_70 : memref<128x16xf32, #tpu.memory_space<vmem_shared>>) target_semaphore(%run_scoped3A : memref<!tpu.dma_semaphore, #tpu.memory_space<semaphore_mem>>)
      %dma_wait3A_71 = arith.constant 0 : i32
      %dma_wait3A_72 = tpu.memref_slice %arg7[%add3A_25, %dma_wait3A_71] : memref<10240x16xf32, #tpu.memory_space<vmem_shared>> -> memref<128x16xf32, #tpu.memory_space<vmem_shared>>
      %dma_wait3A_73 = arith.constant 0 : i32
      %dma_wait3A_74 = tpu.memref_slice %arg7[%add3A_25, %dma_wait3A_73] : memref<10240x16xf32, #tpu.memory_space<vmem_shared>> -> memref<128x16xf32, #tpu.memory_space<vmem_shared>>
      tpu.wait_dma2 semaphore(%run_scoped3A : memref<!tpu.dma_semaphore, #tpu.memory_space<semaphore_mem>>) src(%arg6 : memref<128x16xf32, #tpu.memory_space<vmem>>) dst(%dma_wait3A_74 : memref<128x16xf32, #tpu.memory_space<vmem_shared>>)
      tpu.yield
    }) : () -> ()
    %mul3A_26 = arith.constant 640 : i32
    %mul3A_27 = arith.muli %arg1, %mul3A_26 : i32
    %add3A_28 = arith.constant 256 : i32
    %add3A_29 = arith.addi %mul3A_27, %add3A_28 : i32
    "tpu.region"() ({
      %run_scoped3A = tpu.sem_alloc : memref<!tpu.dma_semaphore, #tpu.memory_space<semaphore_mem>>
      %dma_start3A_67 = arith.constant 0 : i32
      %dma_start3A_68 = tpu.memref_slice %arg7[%add3A_29, %dma_start3A_67] : memref<10240x16xf32, #tpu.memory_space<vmem_shared>> -> memref<128x16xf32, #tpu.memory_space<vmem_shared>>
      %dma_start3A_69 = arith.constant 0 : i32
      %dma_start3A_70 = tpu.memref_slice %arg7[%add3A_29, %dma_start3A_69] : memref<10240x16xf32, #tpu.memory_space<vmem_shared>> -> memref<128x16xf32, #tpu.memory_space<vmem_shared>>
      tpu.enqueue_dma source(%arg6 : memref<128x16xf32, #tpu.memory_space<vmem>>) target(%dma_start3A_70 : memref<128x16xf32, #tpu.memory_space<vmem_shared>>) target_semaphore(%run_scoped3A : memref<!tpu.dma_semaphore, #tpu.memory_space<semaphore_mem>>)
      %dma_wait3A_71 = arith.constant 0 : i32
      %dma_wait3A_72 = tpu.memref_slice %arg7[%add3A_29, %dma_wait3A_71] : memref<10240x16xf32, #tpu.memory_space<vmem_shared>> -> memref<128x16xf32, #tpu.memory_space<vmem_shared>>
      %dma_wait3A_73 = arith.constant 0 : i32
      %dma_wait3A_74 = tpu.memref_slice %arg7[%add3A_29, %dma_wait3A_73] : memref<10240x16xf32, #tpu.memory_space<vmem_shared>> -> memref<128x16xf32, #tpu.memory_space<vmem_shared>>
      tpu.wait_dma2 semaphore(%run_scoped3A : memref<!tpu.dma_semaphore, #tpu.memory_space<semaphore_mem>>) src(%arg6 : memref<128x16xf32, #tpu.memory_space<vmem>>) dst(%dma_wait3A_74 : memref<128x16xf32, #tpu.memory_space<vmem_shared>>)
      tpu.yield
    }) : () -> ()
    %mul3A_30 = arith.constant 640 : i32
    %mul3A_31 = arith.muli %arg1, %mul3A_30 : i32
    %add3A_32 = arith.constant 384 : i32
    %add3A_33 = arith.addi %mul3A_31, %add3A_32 : i32
    "tpu.region"() ({
      %run_scoped3A = tpu.sem_alloc : memref<!tpu.dma_semaphore, #tpu.memory_space<semaphore_mem>>
      %dma_start3A_67 = arith.constant 0 : i32
      %dma_start3A_68 = tpu.memref_slice %arg7[%add3A_33, %dma_start3A_67] : memref<10240x16xf32, #tpu.memory_space<vmem_shared>> -> memref<128x16xf32, #tpu.memory_space<vmem_shared>>
      %dma_start3A_69 = arith.constant 0 : i32
      %dma_start3A_70 = tpu.memref_slice %arg7[%add3A_33, %dma_start3A_69] : memref<10240x16xf32, #tpu.memory_space<vmem_shared>> -> memref<128x16xf32, #tpu.memory_space<vmem_shared>>
      tpu.enqueue_dma source(%arg6 : memref<128x16xf32, #tpu.memory_space<vmem>>) target(%dma_start3A_70 : memref<128x16xf32, #tpu.memory_space<vmem_shared>>) target_semaphore(%run_scoped3A : memref<!tpu.dma_semaphore, #tpu.memory_space<semaphore_mem>>)
      %dma_wait3A_71 = arith.constant 0 : i32
      %dma_wait3A_72 = tpu.memref_slice %arg7[%add3A_33, %dma_wait3A_71] : memref<10240x16xf32, #tpu.memory_space<vmem_shared>> -> memref<128x16xf32, #tpu.memory_space<vmem_shared>>
      %dma_wait3A_73 = arith.constant 0 : i32
      %dma_wait3A_74 = tpu.memref_slice %arg7[%add3A_33, %dma_wait3A_73] : memref<10240x16xf32, #tpu.memory_space<vmem_shared>> -> memref<128x16xf32, #tpu.memory_space<vmem_shared>>
      tpu.wait_dma2 semaphore(%run_scoped3A : memref<!tpu.dma_semaphore, #tpu.memory_space<semaphore_mem>>) src(%arg6 : memref<128x16xf32, #tpu.memory_space<vmem>>) dst(%dma_wait3A_74 : memref<128x16xf32, #tpu.memory_space<vmem_shared>>)
      tpu.yield
    }) : () -> ()
    %mul3A_34 = arith.constant 640 : i32
    %mul3A_35 = arith.muli %arg1, %mul3A_34 : i32
    %add3A_36 = arith.constant 512 : i32
    %add3A_37 = arith.addi %mul3A_35, %add3A_36 : i32
    "tpu.region"() ({
      %run_scoped3A = tpu.sem_alloc : memref<!tpu.dma_semaphore, #tpu.memory_space<semaphore_mem>>
      %dma_start3A_67 = arith.constant 0 : i32
      %dma_start3A_68 = tpu.memref_slice %arg7[%add3A_37, %dma_start3A_67] : memref<10240x16xf32, #tpu.memory_space<vmem_shared>> -> memref<128x16xf32, #tpu.memory_space<vmem_shared>>
      %dma_start3A_69 = arith.constant 0 : i32
      %dma_start3A_70 = tpu.memref_slice %arg7[%add3A_37, %dma_start3A_69] : memref<10240x16xf32, #tpu.memory_space<vmem_shared>> -> memref<128x16xf32, #tpu.memory_space<vmem_shared>>
      tpu.enqueue_dma source(%arg6 : memref<128x16xf32, #tpu.memory_space<vmem>>) target(%dma_start3A_70 : memref<128x16xf32, #tpu.memory_space<vmem_shared>>) target_semaphore(%run_scoped3A : memref<!tpu.dma_semaphore, #tpu.memory_space<semaphore_mem>>)
      %dma_wait3A_71 = arith.constant 0 : i32
      %dma_wait3A_72 = tpu.memref_slice %arg7[%add3A_37, %dma_wait3A_71] : memref<10240x16xf32, #tpu.memory_space<vmem_shared>> -> memref<128x16xf32, #tpu.memory_space<vmem_shared>>
      %dma_wait3A_73 = arith.constant 0 : i32
      %dma_wait3A_74 = tpu.memref_slice %arg7[%add3A_37, %dma_wait3A_73] : memref<10240x16xf32, #tpu.memory_space<vmem_shared>> -> memref<128x16xf32, #tpu.memory_space<vmem_shared>>
      tpu.wait_dma2 semaphore(%run_scoped3A : memref<!tpu.dma_semaphore, #tpu.memory_space<semaphore_mem>>) src(%arg6 : memref<128x16xf32, #tpu.memory_space<vmem>>) dst(%dma_wait3A_74 : memref<128x16xf32, #tpu.memory_space<vmem_shared>>)
      tpu.yield
    }) : () -> ()
    %dma_wait3A = arith.constant 1 : i32
    %dma_wait3A_38 = arith.constant 0 : i32
    %dma_wait3A_39 = arith.constant 0 : i32
    %dma_wait3A_40 = tpu.memref_slice %arg2[%dma_wait3A, %add3A, %dma_wait3A_38, %dma_wait3A_39] : memref<2x32x125x80xi32, #tpu.memory_space<hbm>> -> memref<1x1x125x80xi32, #tpu.memory_space<hbm>>
    %dma_wait3A_41 = tpu.memref_squeeze %dma_wait3A_40 : memref<1x1x125x80xi32, #tpu.memory_space<hbm>> -> memref<125x80xi32, #tpu.memory_space<hbm>>
    %dma_wait3A_42 = arith.constant 0 : i32
    %dma_wait3A_43 = arith.constant 0 : i32
    %dma_wait3A_44 = tpu.memref_slice %arg2[%dma_wait3A, %add3A, %dma_wait3A_42, %dma_wait3A_43] : memref<2x32x125x80xi32, #tpu.memory_space<hbm>> -> memref<1x1x125x80xi32, #tpu.memory_space<hbm>>
    %dma_wait3A_45 = tpu.memref_squeeze %dma_wait3A_44 : memref<1x1x125x80xi32, #tpu.memory_space<hbm>> -> memref<125x80xi32, #tpu.memory_space<hbm>>
    tpu.wait_dma2 semaphore(%arg8 : memref<!tpu.dma_semaphore, #tpu.memory_space<semaphore_mem>>) src(%dma_wait3A_45 : memref<125x80xi32, #tpu.memory_space<hbm>>) dst(%arg4 : memref<125x80xi32, #tpu.memory_space<vmem>>)
    %barrier3A = arith.constant 0 : index
    tpu.barrier barrier_id(%barrier3A)
    %scan3A_46 = arith.constant 0 : i32
    %scan3A_47 = arith.constant 125 : i32
    %scan3A_48 = arith.addi %scan3A_46, %scan3A_47 : i32
    %scan3A_49 = arith.constant 1 : i32
    scf.for %scan3A_67 = %scan3A_46 to %scan3A_48 step %scan3A_49  : i32 {
      %mul3A_68 = arith.constant 1 : i32
      %mul3A_69 = arith.muli %scan3A_67, %mul3A_68 : i32
      %add3A_70 = arith.constant 0 : i32
      %add3A_71 = arith.addi %add3A_70, %mul3A_69 : i32
      %dma_start3A_72 = arith.constant 0 : i32
      %dma_start3A_73 = tpu.memref_slice %arg4[%add3A_71, %dma_start3A_72] : memref<125x80xi32, #tpu.memory_space<vmem>> -> memref<1x80xi32, #tpu.memory_space<vmem>>
      %dma_start3A_74 = tpu.memref_squeeze %dma_start3A_73 : memref<1x80xi32, #tpu.memory_space<vmem>> -> memref<80xi32, #tpu.memory_space<vmem>>
      %dma_start3A_75 = arith.constant 0 : i32
      %dma_start3A_76 = arith.constant 0 : i32
      %dma_start3A_77 = tpu.memref_slice %arg7[%dma_start3A_75, %dma_start3A_76] : memref<10240x16xf32, #tpu.memory_space<vmem_shared>> -> memref<10240x16xf32, #tpu.memory_space<vmem_shared>>
      tpu.enqueue_indirect_dma source(%arg5 : memref<80x16xf32, #tpu.memory_space<vmem>>) target(%dma_start3A_77 : memref<10240x16xf32, #tpu.memory_space<vmem_shared>>) offsets(%dma_start3A_74 : memref<80xi32, #tpu.memory_space<vmem>>) semaphore(%arg9 : memref<!tpu.dma_semaphore, #tpu.memory_space<semaphore_mem>>) {add = true}
    }
    %scan3A_50 = arith.constant 125 : i32
    %scan3A_51 = arith.constant 0 : i32
    %scan3A_52 = arith.constant 125 : i32
    %scan3A_53 = arith.addi %scan3A_51, %scan3A_52 : i32
    %scan3A_54 = arith.constant 1 : i32
    scf.for %scan3A_67 = %scan3A_51 to %scan3A_53 step %scan3A_54  : i32 {
      %mul3A_68 = arith.constant 1 : i32
      %mul3A_69 = arith.muli %scan3A_67, %mul3A_68 : i32
      %add3A_70 = arith.constant 0 : i32
      %add3A_71 = arith.addi %add3A_70, %mul3A_69 : i32
      %dma_wait3A_72 = arith.constant 0 : i32
      %dma_wait3A_73 = tpu.memref_slice %arg4[%add3A_71, %dma_wait3A_72] : memref<125x80xi32, #tpu.memory_space<vmem>> -> memref<1x80xi32, #tpu.memory_space<vmem>>
      %dma_wait3A_74 = tpu.memref_squeeze %dma_wait3A_73 : memref<1x80xi32, #tpu.memory_space<vmem>> -> memref<80xi32, #tpu.memory_space<vmem>>
      %dma_wait3A_75 = arith.constant 0 : i32
      %dma_wait3A_76 = arith.constant 0 : i32
      %dma_wait3A_77 = tpu.memref_slice %arg7[%dma_wait3A_75, %dma_wait3A_76] : memref<10240x16xf32, #tpu.memory_space<vmem_shared>> -> memref<10240x16xf32, #tpu.memory_space<vmem_shared>>
      tpu.wait_indirect_dma semaphore(%arg9 : memref<!tpu.dma_semaphore, #tpu.memory_space<semaphore_mem>>) src(%arg5 : memref<80x16xf32, #tpu.memory_space<vmem>>) dst(%dma_wait3A_77 : memref<10240x16xf32, #tpu.memory_space<vmem_shared>>)
    }
    %scan3A_55 = arith.constant 125 : i32
    %barrier3A_56 = arith.constant 0 : index
    tpu.barrier barrier_id(%barrier3A_56)
    %scan3A_57 = arith.constant 0 : i32
    %scan3A_58 = arith.constant 80 : i32
    %scan3A_59 = arith.addi %scan3A_57, %scan3A_58 : i32
    %scan3A_60 = arith.constant 1 : i32
    scf.for %scan3A_67 = %scan3A_57 to %scan3A_59 step %scan3A_60  : i32 {
      %mul3A_68 = arith.constant 1 : i32
      %mul3A_69 = arith.muli %scan3A_67, %mul3A_68 : i32
      %add3A_70 = arith.constant 0 : i32
      %add3A_71 = arith.addi %add3A_70, %mul3A_69 : i32
      %mul3A_72 = arith.constant 640 : i32
      %mul3A_73 = arith.muli %arg1, %mul3A_72 : i32
      %mul3A_74 = arith.constant 8 : i32
      %mul3A_75 = arith.muli %add3A_71, %mul3A_74 : i32
      %add3A_76 = arith.addi %mul3A_73, %mul3A_75 : i32
      %mul3A_77 = arith.constant 80 : i32
      %mul3A_78 = arith.muli %arg1, %mul3A_77 : i32
      %add3A_79 = arith.addi %mul3A_78, %add3A_71 : i32
      %dma_start3A_80 = arith.constant 0 : i32
      %dma_start3A_81 = arith.constant 0 : i32
      %dma_start3A_82 = tpu.memref_slice %arg3[%arg0, %add3A_79, %dma_start3A_80, %dma_start3A_81] : memref<2x1280x8x128xf32, #tpu.memory_space<hbm>> -> memref<1x1x8x16xf32, #tpu.memory_space<hbm>>
      %dma_start3A_83 = tpu.memref_squeeze %dma_start3A_82 : memref<1x1x8x16xf32, #tpu.memory_space<hbm>> -> memref<8x16xf32, #tpu.memory_space<hbm>>
      %dma_start3A_84 = arith.constant 0 : i32
      %dma_start3A_85 = tpu.memref_slice %arg7[%add3A_76, %dma_start3A_84] : memref<10240x16xf32, #tpu.memory_space<vmem_shared>> -> memref<8x16xf32, #tpu.memory_space<vmem_shared>>
      tpu.enqueue_dma source(%dma_start3A_85 : memref<8x16xf32, #tpu.memory_space<vmem_shared>>) target(%dma_start3A_83 : memref<8x16xf32, #tpu.memory_space<hbm>>) target_semaphore(%arg8 : memref<!tpu.dma_semaphore, #tpu.memory_space<semaphore_mem>>)
    }
    %scan3A_61 = arith.constant 80 : i32
    %scan3A_62 = arith.constant 0 : i32
    %scan3A_63 = arith.constant 80 : i32
    %scan3A_64 = arith.addi %scan3A_62, %scan3A_63 : i32
    %scan3A_65 = arith.constant 1 : i32
    scf.for %scan3A_67 = %scan3A_62 to %scan3A_64 step %scan3A_65  : i32 {
      %mul3A_68 = arith.constant 1 : i32
      %mul3A_69 = arith.muli %scan3A_67, %mul3A_68 : i32
      %add3A_70 = arith.constant 0 : i32
      %add3A_71 = arith.addi %add3A_70, %mul3A_69 : i32
      %mul3A_72 = arith.constant 640 : i32
      %mul3A_73 = arith.muli %arg1, %mul3A_72 : i32
      %mul3A_74 = arith.constant 8 : i32
      %mul3A_75 = arith.muli %add3A_71, %mul3A_74 : i32
      %add3A_76 = arith.addi %mul3A_73, %mul3A_75 : i32
      %mul3A_77 = arith.constant 80 : i32
      %mul3A_78 = arith.muli %arg1, %mul3A_77 : i32
      %add3A_79 = arith.addi %mul3A_78, %add3A_71 : i32
      %dma_wait3A_80 = arith.constant 0 : i32
      %dma_wait3A_81 = arith.constant 0 : i32
      %dma_wait3A_82 = tpu.memref_slice %arg3[%arg0, %add3A_79, %dma_wait3A_80, %dma_wait3A_81] : memref<2x1280x8x128xf32, #tpu.memory_space<hbm>> -> memref<1x1x8x16xf32, #tpu.memory_space<hbm>>
      %dma_wait3A_83 = tpu.memref_squeeze %dma_wait3A_82 : memref<1x1x8x16xf32, #tpu.memory_space<hbm>> -> memref<8x16xf32, #tpu.memory_space<hbm>>
      %dma_wait3A_84 = arith.constant 0 : i32
      %dma_wait3A_85 = tpu.memref_slice %arg7[%add3A_76, %dma_wait3A_84] : memref<10240x16xf32, #tpu.memory_space<vmem_shared>> -> memref<8x16xf32, #tpu.memory_space<vmem_shared>>
      tpu.wait_dma2 semaphore(%arg8 : memref<!tpu.dma_semaphore, #tpu.memory_space<semaphore_mem>>) src(%dma_wait3A_85 : memref<8x16xf32, #tpu.memory_space<vmem_shared>>) dst(%dma_wait3A_83 : memref<8x16xf32, #tpu.memory_space<hbm>>)
    }
    %scan3A_66 = arith.constant 80 : i32
    return
  }
}

#map = affine_map<(d0, d1) -> (0, 0)>
#map1 = affine_map<(d0, d1) -> (0, 0, 0, 0)>
module attributes {stable_mosaic.version = 14 : i64} {
  func.func @edge_call(%arg0: i32, %arg1: i32, %arg2: memref<10240x64xf32, #tpu.memory_space<hbm>>, %arg3: memref<2x32x125x80xi32, #tpu.memory_space<hbm>>, %arg4: memref<2x1280x8x128xf32, #tpu.memory_space<hbm>>, %arg5: memref<125x80xi32, #tpu.memory_space<vmem>>, %arg6: memref<125x80xi32, #tpu.memory_space<vmem>>, %arg7: memref<80x64xf32, #tpu.memory_space<vmem>>, %arg8: memref<80x64xf32, #tpu.memory_space<vmem>>, %arg9: memref<80x64xf32, #tpu.memory_space<vmem>>, %arg10: memref<80x64xf32, #tpu.memory_space<vmem>>, %arg11: memref<80x64xf32, #tpu.memory_space<vmem>>, %arg12: memref<128x64xf32, #tpu.memory_space<vmem>>, %arg13: memref<10240x64xf32, #tpu.memory_space<vmem_shared>>, %arg14: memref<!tpu.dma_semaphore, #tpu.memory_space<semaphore_mem>>, %arg15: memref<!tpu.dma_semaphore, #tpu.memory_space<semaphore_mem>>, %arg16: memref<!tpu.dma_semaphore, #tpu.memory_space<semaphore_mem>>, %arg17: memref<!tpu.dma_semaphore, #tpu.memory_space<semaphore_mem>>, %arg18: memref<!tpu.dma_semaphore, #tpu.memory_space<semaphore_mem>>, %arg19: memref<!tpu.dma_semaphore, #tpu.memory_space<semaphore_mem>>) attributes {dimension_semantics = [#tpu.dimension_semantics<core_parallel>, #tpu.dimension_semantics<subcore_parallel>], iteration_bounds = array<i64: 2, 16>, scalar_prefetch = 0 : i64, scratch_operands = 15 : i64, tpu.core_type = #tpu.core_type<sc_vector_subcore>, window_params = [{transform_indices = #map}, {transform_indices = #map1}, {transform_indices = #map1}]} {
    %mul3A = arith.constant 2 : i32
    %mul3A_0 = arith.muli %arg1, %mul3A : i32
    %add3A = arith.addi %mul3A_0, %arg0 : i32
    %dma_start3A = arith.constant 0 : i32
    %dma_start3A_1 = arith.constant 0 : i32
    %dma_start3A_2 = arith.constant 0 : i32
    %dma_start3A_3 = tpu.memref_slice %arg3[%dma_start3A, %add3A, %dma_start3A_1, %dma_start3A_2] : memref<2x32x125x80xi32, #tpu.memory_space<hbm>> -> memref<1x1x125x80xi32, #tpu.memory_space<hbm>>
    %dma_start3A_4 = tpu.memref_squeeze %dma_start3A_3 : memref<1x1x125x80xi32, #tpu.memory_space<hbm>> -> memref<125x80xi32, #tpu.memory_space<hbm>>
    %dma_start3A_5 = arith.constant 0 : i32
    %dma_start3A_6 = arith.constant 0 : i32
    %dma_start3A_7 = tpu.memref_slice %arg3[%dma_start3A, %add3A, %dma_start3A_5, %dma_start3A_6] : memref<2x32x125x80xi32, #tpu.memory_space<hbm>> -> memref<1x1x125x80xi32, #tpu.memory_space<hbm>>
    %dma_start3A_8 = tpu.memref_squeeze %dma_start3A_7 : memref<1x1x125x80xi32, #tpu.memory_space<hbm>> -> memref<125x80xi32, #tpu.memory_space<hbm>>
    tpu.enqueue_dma source(%dma_start3A_8 : memref<125x80xi32, #tpu.memory_space<hbm>>) target(%arg5 : memref<125x80xi32, #tpu.memory_space<vmem>>) target_semaphore(%arg19 : memref<!tpu.dma_semaphore, #tpu.memory_space<semaphore_mem>>)
    %dma_start3A_9 = arith.constant 1 : i32
    %dma_start3A_10 = arith.constant 0 : i32
    %dma_start3A_11 = arith.constant 0 : i32
    %dma_start3A_12 = tpu.memref_slice %arg3[%dma_start3A_9, %add3A, %dma_start3A_10, %dma_start3A_11] : memref<2x32x125x80xi32, #tpu.memory_space<hbm>> -> memref<1x1x125x80xi32, #tpu.memory_space<hbm>>
    %dma_start3A_13 = tpu.memref_squeeze %dma_start3A_12 : memref<1x1x125x80xi32, #tpu.memory_space<hbm>> -> memref<125x80xi32, #tpu.memory_space<hbm>>
    %dma_start3A_14 = arith.constant 0 : i32
    %dma_start3A_15 = arith.constant 0 : i32
    %dma_start3A_16 = tpu.memref_slice %arg3[%dma_start3A_9, %add3A, %dma_start3A_14, %dma_start3A_15] : memref<2x32x125x80xi32, #tpu.memory_space<hbm>> -> memref<1x1x125x80xi32, #tpu.memory_space<hbm>>
    %dma_start3A_17 = tpu.memref_squeeze %dma_start3A_16 : memref<1x1x125x80xi32, #tpu.memory_space<hbm>> -> memref<125x80xi32, #tpu.memory_space<hbm>>
    tpu.enqueue_dma source(%dma_start3A_17 : memref<125x80xi32, #tpu.memory_space<hbm>>) target(%arg6 : memref<125x80xi32, #tpu.memory_space<vmem>>) target_semaphore(%arg19 : memref<!tpu.dma_semaphore, #tpu.memory_space<semaphore_mem>>)
    %scan3A = arith.constant 0 : i32
    %scan3A_18 = arith.constant 128 : i32
    %scan3A_19 = arith.addi %scan3A, %scan3A_18 : i32
    %scan3A_20 = arith.constant 1 : i32
    scf.for %scan3A_110 = %scan3A to %scan3A_19 step %scan3A_20  : i32 {
      %mul3A_111 = arith.constant 1 : i32
      %mul3A_112 = arith.muli %scan3A_110, %mul3A_111 : i32
      %add3A_113 = arith.constant 0 : i32
      %add3A_114 = arith.addi %add3A_113, %mul3A_112 : i32
      %broadcast_in_dim3A = arith.constant 0.000000e+00 : f32
      %broadcast_in_dim3A_115 = vector.broadcast %broadcast_in_dim3A : f32 to vector<16xf32>
      %swap3A = arith.index_cast %add3A_114 : i32 to index
      %swap3A_116 = arith.constant 0 : index
      %swap3A_117 = tpu.vector_load %arg12[%swap3A, %swap3A_116] {strides = array<i32>} : memref<128x64xf32, #tpu.memory_space<vmem>>, vector<1x16xf32>,
      %swap3A_118 = vector.shape_cast %swap3A_117 : vector<1x16xf32> to vector<16xf32>
      %swap3A_119 = vector.shape_cast %broadcast_in_dim3A_115 : vector<16xf32> to vector<1x16xf32>
      tpu.vector_store %arg12[%swap3A, %swap3A_116], %swap3A_119 {strides = array<i32>} : memref<128x64xf32, #tpu.memory_space<vmem>>, vector<1x16xf32>,
      %broadcast_in_dim3A_120 = arith.constant 0.000000e+00 : f32
      %broadcast_in_dim3A_121 = vector.broadcast %broadcast_in_dim3A_120 : f32 to vector<16xf32>
      %swap3A_122 = arith.index_cast %add3A_114 : i32 to index
      %swap3A_123 = arith.constant 16 : index
      %swap3A_124 = tpu.vector_load %arg12[%swap3A_122, %swap3A_123] {strides = array<i32>} : memref<128x64xf32, #tpu.memory_space<vmem>>, vector<1x16xf32>,
      %swap3A_125 = vector.shape_cast %swap3A_124 : vector<1x16xf32> to vector<16xf32>
      %swap3A_126 = vector.shape_cast %broadcast_in_dim3A_121 : vector<16xf32> to vector<1x16xf32>
      tpu.vector_store %arg12[%swap3A_122, %swap3A_123], %swap3A_126 {strides = array<i32>} : memref<128x64xf32, #tpu.memory_space<vmem>>, vector<1x16xf32>,
      %broadcast_in_dim3A_127 = arith.constant 0.000000e+00 : f32
      %broadcast_in_dim3A_128 = vector.broadcast %broadcast_in_dim3A_127 : f32 to vector<16xf32>
      %swap3A_129 = arith.index_cast %add3A_114 : i32 to index
      %swap3A_130 = arith.constant 32 : index
      %swap3A_131 = tpu.vector_load %arg12[%swap3A_129, %swap3A_130] {strides = array<i32>} : memref<128x64xf32, #tpu.memory_space<vmem>>, vector<1x16xf32>,
      %swap3A_132 = vector.shape_cast %swap3A_131 : vector<1x16xf32> to vector<16xf32>
      %swap3A_133 = vector.shape_cast %broadcast_in_dim3A_128 : vector<16xf32> to vector<1x16xf32>
      tpu.vector_store %arg12[%swap3A_129, %swap3A_130], %swap3A_133 {strides = array<i32>} : memref<128x64xf32, #tpu.memory_space<vmem>>, vector<1x16xf32>,
      %broadcast_in_dim3A_134 = arith.constant 0.000000e+00 : f32
      %broadcast_in_dim3A_135 = vector.broadcast %broadcast_in_dim3A_134 : f32 to vector<16xf32>
      %swap3A_136 = arith.index_cast %add3A_114 : i32 to index
      %swap3A_137 = arith.constant 48 : index
      %swap3A_138 = tpu.vector_load %arg12[%swap3A_136, %swap3A_137] {strides = array<i32>} : memref<128x64xf32, #tpu.memory_space<vmem>>, vector<1x16xf32>,
      %swap3A_139 = vector.shape_cast %swap3A_138 : vector<1x16xf32> to vector<16xf32>
      %swap3A_140 = vector.shape_cast %broadcast_in_dim3A_135 : vector<16xf32> to vector<1x16xf32>
      tpu.vector_store %arg12[%swap3A_136, %swap3A_137], %swap3A_140 {strides = array<i32>} : memref<128x64xf32, #tpu.memory_space<vmem>>, vector<1x16xf32>,
    }
    %scan3A_21 = arith.constant 128 : i32
    %mul3A_22 = arith.constant 640 : i32
    %mul3A_23 = arith.muli %arg1, %mul3A_22 : i32
    %add3A_24 = arith.constant 0 : i32
    %add3A_25 = arith.addi %mul3A_23, %add3A_24 : i32
    "tpu.region"() ({
      %run_scoped3A = tpu.sem_alloc : memref<!tpu.dma_semaphore, #tpu.memory_space<semaphore_mem>>
      %dma_start3A_110 = arith.constant 0 : i32
      %dma_start3A_111 = tpu.memref_slice %arg13[%add3A_25, %dma_start3A_110] : memref<10240x64xf32, #tpu.memory_space<vmem_shared>> -> memref<128x64xf32, #tpu.memory_space<vmem_shared>>
      %dma_start3A_112 = arith.constant 0 : i32
      %dma_start3A_113 = tpu.memref_slice %arg13[%add3A_25, %dma_start3A_112] : memref<10240x64xf32, #tpu.memory_space<vmem_shared>> -> memref<128x64xf32, #tpu.memory_space<vmem_shared>>
      tpu.enqueue_dma source(%arg12 : memref<128x64xf32, #tpu.memory_space<vmem>>) target(%dma_start3A_113 : memref<128x64xf32, #tpu.memory_space<vmem_shared>>) target_semaphore(%run_scoped3A : memref<!tpu.dma_semaphore, #tpu.memory_space<semaphore_mem>>)
      %dma_wait3A_114 = arith.constant 0 : i32
      %dma_wait3A_115 = tpu.memref_slice %arg13[%add3A_25, %dma_wait3A_114] : memref<10240x64xf32, #tpu.memory_space<vmem_shared>> -> memref<128x64xf32, #tpu.memory_space<vmem_shared>>
      %dma_wait3A_116 = arith.constant 0 : i32
      %dma_wait3A_117 = tpu.memref_slice %arg13[%add3A_25, %dma_wait3A_116] : memref<10240x64xf32, #tpu.memory_space<vmem_shared>> -> memref<128x64xf32, #tpu.memory_space<vmem_shared>>
      tpu.wait_dma2 semaphore(%run_scoped3A : memref<!tpu.dma_semaphore, #tpu.memory_space<semaphore_mem>>) src(%arg12 : memref<128x64xf32, #tpu.memory_space<vmem>>) dst(%dma_wait3A_117 : memref<128x64xf32, #tpu.memory_space<vmem_shared>>)
      tpu.yield
    }) : () -> ()
    %mul3A_26 = arith.constant 640 : i32
    %mul3A_27 = arith.muli %arg1, %mul3A_26 : i32
    %add3A_28 = arith.constant 128 : i32
    %add3A_29 = arith.addi %mul3A_27, %add3A_28 : i32
    "tpu.region"() ({
      %run_scoped3A = tpu.sem_alloc : memref<!tpu.dma_semaphore, #tpu.memory_space<semaphore_mem>>
      %dma_start3A_110 = arith.constant 0 : i32
      %dma_start3A_111 = tpu.memref_slice %arg13[%add3A_29, %dma_start3A_110] : memref<10240x64xf32, #tpu.memory_space<vmem_shared>> -> memref<128x64xf32, #tpu.memory_space<vmem_shared>>
      %dma_start3A_112 = arith.constant 0 : i32
      %dma_start3A_113 = tpu.memref_slice %arg13[%add3A_29, %dma_start3A_112] : memref<10240x64xf32, #tpu.memory_space<vmem_shared>> -> memref<128x64xf32, #tpu.memory_space<vmem_shared>>
      tpu.enqueue_dma source(%arg12 : memref<128x64xf32, #tpu.memory_space<vmem>>) target(%dma_start3A_113 : memref<128x64xf32, #tpu.memory_space<vmem_shared>>) target_semaphore(%run_scoped3A : memref<!tpu.dma_semaphore, #tpu.memory_space<semaphore_mem>>)
      %dma_wait3A_114 = arith.constant 0 : i32
      %dma_wait3A_115 = tpu.memref_slice %arg13[%add3A_29, %dma_wait3A_114] : memref<10240x64xf32, #tpu.memory_space<vmem_shared>> -> memref<128x64xf32, #tpu.memory_space<vmem_shared>>
      %dma_wait3A_116 = arith.constant 0 : i32
      %dma_wait3A_117 = tpu.memref_slice %arg13[%add3A_29, %dma_wait3A_116] : memref<10240x64xf32, #tpu.memory_space<vmem_shared>> -> memref<128x64xf32, #tpu.memory_space<vmem_shared>>
      tpu.wait_dma2 semaphore(%run_scoped3A : memref<!tpu.dma_semaphore, #tpu.memory_space<semaphore_mem>>) src(%arg12 : memref<128x64xf32, #tpu.memory_space<vmem>>) dst(%dma_wait3A_117 : memref<128x64xf32, #tpu.memory_space<vmem_shared>>)
      tpu.yield
    }) : () -> ()
    %mul3A_30 = arith.constant 640 : i32
    %mul3A_31 = arith.muli %arg1, %mul3A_30 : i32
    %add3A_32 = arith.constant 256 : i32
    %add3A_33 = arith.addi %mul3A_31, %add3A_32 : i32
    "tpu.region"() ({
      %run_scoped3A = tpu.sem_alloc : memref<!tpu.dma_semaphore, #tpu.memory_space<semaphore_mem>>
      %dma_start3A_110 = arith.constant 0 : i32
      %dma_start3A_111 = tpu.memref_slice %arg13[%add3A_33, %dma_start3A_110] : memref<10240x64xf32, #tpu.memory_space<vmem_shared>> -> memref<128x64xf32, #tpu.memory_space<vmem_shared>>
      %dma_start3A_112 = arith.constant 0 : i32
      %dma_start3A_113 = tpu.memref_slice %arg13[%add3A_33, %dma_start3A_112] : memref<10240x64xf32, #tpu.memory_space<vmem_shared>> -> memref<128x64xf32, #tpu.memory_space<vmem_shared>>
      tpu.enqueue_dma source(%arg12 : memref<128x64xf32, #tpu.memory_space<vmem>>) target(%dma_start3A_113 : memref<128x64xf32, #tpu.memory_space<vmem_shared>>) target_semaphore(%run_scoped3A : memref<!tpu.dma_semaphore, #tpu.memory_space<semaphore_mem>>)
      %dma_wait3A_114 = arith.constant 0 : i32
      %dma_wait3A_115 = tpu.memref_slice %arg13[%add3A_33, %dma_wait3A_114] : memref<10240x64xf32, #tpu.memory_space<vmem_shared>> -> memref<128x64xf32, #tpu.memory_space<vmem_shared>>
      %dma_wait3A_116 = arith.constant 0 : i32
      %dma_wait3A_117 = tpu.memref_slice %arg13[%add3A_33, %dma_wait3A_116] : memref<10240x64xf32, #tpu.memory_space<vmem_shared>> -> memref<128x64xf32, #tpu.memory_space<vmem_shared>>
      tpu.wait_dma2 semaphore(%run_scoped3A : memref<!tpu.dma_semaphore, #tpu.memory_space<semaphore_mem>>) src(%arg12 : memref<128x64xf32, #tpu.memory_space<vmem>>) dst(%dma_wait3A_117 : memref<128x64xf32, #tpu.memory_space<vmem_shared>>)
      tpu.yield
    }) : () -> ()
    %mul3A_34 = arith.constant 640 : i32
    %mul3A_35 = arith.muli %arg1, %mul3A_34 : i32
    %add3A_36 = arith.constant 384 : i32
    %add3A_37 = arith.addi %mul3A_35, %add3A_36 : i32
    "tpu.region"() ({
      %run_scoped3A = tpu.sem_alloc : memref<!tpu.dma_semaphore, #tpu.memory_space<semaphore_mem>>
      %dma_start3A_110 = arith.constant 0 : i32
      %dma_start3A_111 = tpu.memref_slice %arg13[%add3A_37, %dma_start3A_110] : memref<10240x64xf32, #tpu.memory_space<vmem_shared>> -> memref<128x64xf32, #tpu.memory_space<vmem_shared>>
      %dma_start3A_112 = arith.constant 0 : i32
      %dma_start3A_113 = tpu.memref_slice %arg13[%add3A_37, %dma_start3A_112] : memref<10240x64xf32, #tpu.memory_space<vmem_shared>> -> memref<128x64xf32, #tpu.memory_space<vmem_shared>>
      tpu.enqueue_dma source(%arg12 : memref<128x64xf32, #tpu.memory_space<vmem>>) target(%dma_start3A_113 : memref<128x64xf32, #tpu.memory_space<vmem_shared>>) target_semaphore(%run_scoped3A : memref<!tpu.dma_semaphore, #tpu.memory_space<semaphore_mem>>)
      %dma_wait3A_114 = arith.constant 0 : i32
      %dma_wait3A_115 = tpu.memref_slice %arg13[%add3A_37, %dma_wait3A_114] : memref<10240x64xf32, #tpu.memory_space<vmem_shared>> -> memref<128x64xf32, #tpu.memory_space<vmem_shared>>
      %dma_wait3A_116 = arith.constant 0 : i32
      %dma_wait3A_117 = tpu.memref_slice %arg13[%add3A_37, %dma_wait3A_116] : memref<10240x64xf32, #tpu.memory_space<vmem_shared>> -> memref<128x64xf32, #tpu.memory_space<vmem_shared>>
      tpu.wait_dma2 semaphore(%run_scoped3A : memref<!tpu.dma_semaphore, #tpu.memory_space<semaphore_mem>>) src(%arg12 : memref<128x64xf32, #tpu.memory_space<vmem>>) dst(%dma_wait3A_117 : memref<128x64xf32, #tpu.memory_space<vmem_shared>>)
      tpu.yield
    }) : () -> ()
    %mul3A_38 = arith.constant 640 : i32
    %mul3A_39 = arith.muli %arg1, %mul3A_38 : i32
    %add3A_40 = arith.constant 512 : i32
    %add3A_41 = arith.addi %mul3A_39, %add3A_40 : i32
    "tpu.region"() ({
      %run_scoped3A = tpu.sem_alloc : memref<!tpu.dma_semaphore, #tpu.memory_space<semaphore_mem>>
      %dma_start3A_110 = arith.constant 0 : i32
      %dma_start3A_111 = tpu.memref_slice %arg13[%add3A_41, %dma_start3A_110] : memref<10240x64xf32, #tpu.memory_space<vmem_shared>> -> memref<128x64xf32, #tpu.memory_space<vmem_shared>>
      %dma_start3A_112 = arith.constant 0 : i32
      %dma_start3A_113 = tpu.memref_slice %arg13[%add3A_41, %dma_start3A_112] : memref<10240x64xf32, #tpu.memory_space<vmem_shared>> -> memref<128x64xf32, #tpu.memory_space<vmem_shared>>
      tpu.enqueue_dma source(%arg12 : memref<128x64xf32, #tpu.memory_space<vmem>>) target(%dma_start3A_113 : memref<128x64xf32, #tpu.memory_space<vmem_shared>>) target_semaphore(%run_scoped3A : memref<!tpu.dma_semaphore, #tpu.memory_space<semaphore_mem>>)
      %dma_wait3A_114 = arith.constant 0 : i32
      %dma_wait3A_115 = tpu.memref_slice %arg13[%add3A_41, %dma_wait3A_114] : memref<10240x64xf32, #tpu.memory_space<vmem_shared>> -> memref<128x64xf32, #tpu.memory_space<vmem_shared>>
      %dma_wait3A_116 = arith.constant 0 : i32
      %dma_wait3A_117 = tpu.memref_slice %arg13[%add3A_41, %dma_wait3A_116] : memref<10240x64xf32, #tpu.memory_space<vmem_shared>> -> memref<128x64xf32, #tpu.memory_space<vmem_shared>>
      tpu.wait_dma2 semaphore(%run_scoped3A : memref<!tpu.dma_semaphore, #tpu.memory_space<semaphore_mem>>) src(%arg12 : memref<128x64xf32, #tpu.memory_space<vmem>>) dst(%dma_wait3A_117 : memref<128x64xf32, #tpu.memory_space<vmem_shared>>)
      tpu.yield
    }) : () -> ()
    %dma_wait3A = arith.constant 0 : i32
    %dma_wait3A_42 = arith.constant 0 : i32
    %dma_wait3A_43 = arith.constant 0 : i32
    %dma_wait3A_44 = tpu.memref_slice %arg3[%dma_wait3A, %add3A, %dma_wait3A_42, %dma_wait3A_43] : memref<2x32x125x80xi32, #tpu.memory_space<hbm>> -> memref<1x1x125x80xi32, #tpu.memory_space<hbm>>
    %dma_wait3A_45 = tpu.memref_squeeze %dma_wait3A_44 : memref<1x1x125x80xi32, #tpu.memory_space<hbm>> -> memref<125x80xi32, #tpu.memory_space<hbm>>
    %dma_wait3A_46 = arith.constant 0 : i32
    %dma_wait3A_47 = arith.constant 0 : i32
    %dma_wait3A_48 = tpu.memref_slice %arg3[%dma_wait3A, %add3A, %dma_wait3A_46, %dma_wait3A_47] : memref<2x32x125x80xi32, #tpu.memory_space<hbm>> -> memref<1x1x125x80xi32, #tpu.memory_space<hbm>>
    %dma_wait3A_49 = tpu.memref_squeeze %dma_wait3A_48 : memref<1x1x125x80xi32, #tpu.memory_space<hbm>> -> memref<125x80xi32, #tpu.memory_space<hbm>>
    tpu.wait_dma2 semaphore(%arg19 : memref<!tpu.dma_semaphore, #tpu.memory_space<semaphore_mem>>) src(%dma_wait3A_49 : memref<125x80xi32, #tpu.memory_space<hbm>>) dst(%arg5 : memref<125x80xi32, #tpu.memory_space<vmem>>)
    %dma_wait3A_50 = arith.constant 1 : i32
    %dma_wait3A_51 = arith.constant 0 : i32
    %dma_wait3A_52 = arith.constant 0 : i32
    %dma_wait3A_53 = tpu.memref_slice %arg3[%dma_wait3A_50, %add3A, %dma_wait3A_51, %dma_wait3A_52] : memref<2x32x125x80xi32, #tpu.memory_space<hbm>> -> memref<1x1x125x80xi32, #tpu.memory_space<hbm>>
    %dma_wait3A_54 = tpu.memref_squeeze %dma_wait3A_53 : memref<1x1x125x80xi32, #tpu.memory_space<hbm>> -> memref<125x80xi32, #tpu.memory_space<hbm>>
    %dma_wait3A_55 = arith.constant 0 : i32
    %dma_wait3A_56 = arith.constant 0 : i32
    %dma_wait3A_57 = tpu.memref_slice %arg3[%dma_wait3A_50, %add3A, %dma_wait3A_55, %dma_wait3A_56] : memref<2x32x125x80xi32, #tpu.memory_space<hbm>> -> memref<1x1x125x80xi32, #tpu.memory_space<hbm>>
    %dma_wait3A_58 = tpu.memref_squeeze %dma_wait3A_57 : memref<1x1x125x80xi32, #tpu.memory_space<hbm>> -> memref<125x80xi32, #tpu.memory_space<hbm>>
    tpu.wait_dma2 semaphore(%arg19 : memref<!tpu.dma_semaphore, #tpu.memory_space<semaphore_mem>>) src(%dma_wait3A_58 : memref<125x80xi32, #tpu.memory_space<hbm>>) dst(%arg6 : memref<125x80xi32, #tpu.memory_space<vmem>>)
    %dma_start3A_59 = arith.constant 0 : i32
    %dma_start3A_60 = arith.constant 0 : i32
    %dma_start3A_61 = tpu.memref_slice %arg5[%dma_start3A_59, %dma_start3A_60] : memref<125x80xi32, #tpu.memory_space<vmem>> -> memref<1x80xi32, #tpu.memory_space<vmem>>
    %dma_start3A_62 = tpu.memref_squeeze %dma_start3A_61 : memref<1x80xi32, #tpu.memory_space<vmem>> -> memref<80xi32, #tpu.memory_space<vmem>>
    %dma_start3A_63 = arith.constant 0 : i32
    %dma_start3A_64 = arith.constant 0 : i32
    %dma_start3A_65 = tpu.memref_slice %arg2[%dma_start3A_63, %dma_start3A_64] : memref<10240x64xf32, #tpu.memory_space<hbm>> -> memref<10240x64xf32, #tpu.memory_space<hbm>>
    tpu.enqueue_indirect_dma source(%dma_start3A_65 : memref<10240x64xf32, #tpu.memory_space<hbm>>) target(%arg7 : memref<80x64xf32, #tpu.memory_space<vmem>>) offsets(%dma_start3A_62 : memref<80xi32, #tpu.memory_space<vmem>>) semaphore(%arg14 : memref<!tpu.dma_semaphore, #tpu.memory_space<semaphore_mem>>)
    %dma_start3A_66 = arith.constant 1 : i32
    %dma_start3A_67 = arith.constant 0 : i32
    %dma_start3A_68 = tpu.memref_slice %arg5[%dma_start3A_66, %dma_start3A_67] : memref<125x80xi32, #tpu.memory_space<vmem>> -> memref<1x80xi32, #tpu.memory_space<vmem>>
    %dma_start3A_69 = tpu.memref_squeeze %dma_start3A_68 : memref<1x80xi32, #tpu.memory_space<vmem>> -> memref<80xi32, #tpu.memory_space<vmem>>
    %dma_start3A_70 = arith.constant 0 : i32
    %dma_start3A_71 = arith.constant 0 : i32
    %dma_start3A_72 = tpu.memref_slice %arg2[%dma_start3A_70, %dma_start3A_71] : memref<10240x64xf32, #tpu.memory_space<hbm>> -> memref<10240x64xf32, #tpu.memory_space<hbm>>
    tpu.enqueue_indirect_dma source(%dma_start3A_72 : memref<10240x64xf32, #tpu.memory_space<hbm>>) target(%arg8 : memref<80x64xf32, #tpu.memory_space<vmem>>) offsets(%dma_start3A_69 : memref<80xi32, #tpu.memory_space<vmem>>) semaphore(%arg15 : memref<!tpu.dma_semaphore, #tpu.memory_space<semaphore_mem>>)
    %dma_start3A_73 = arith.constant 2 : i32
    %dma_start3A_74 = arith.constant 0 : i32
    %dma_start3A_75 = tpu.memref_slice %arg5[%dma_start3A_73, %dma_start3A_74] : memref<125x80xi32, #tpu.memory_space<vmem>> -> memref<1x80xi32, #tpu.memory_space<vmem>>
    %dma_start3A_76 = tpu.memref_squeeze %dma_start3A_75 : memref<1x80xi32, #tpu.memory_space<vmem>> -> memref<80xi32, #tpu.memory_space<vmem>>
    %dma_start3A_77 = arith.constant 0 : i32
    %dma_start3A_78 = arith.constant 0 : i32
    %dma_start3A_79 = tpu.memref_slice %arg2[%dma_start3A_77, %dma_start3A_78] : memref<10240x64xf32, #tpu.memory_space<hbm>> -> memref<10240x64xf32, #tpu.memory_space<hbm>>
    tpu.enqueue_indirect_dma source(%dma_start3A_79 : memref<10240x64xf32, #tpu.memory_space<hbm>>) target(%arg9 : memref<80x64xf32, #tpu.memory_space<vmem>>) offsets(%dma_start3A_76 : memref<80xi32, #tpu.memory_space<vmem>>) semaphore(%arg16 : memref<!tpu.dma_semaphore, #tpu.memory_space<semaphore_mem>>)
    %dma_start3A_80 = arith.constant 3 : i32
    %dma_start3A_81 = arith.constant 0 : i32
    %dma_start3A_82 = tpu.memref_slice %arg5[%dma_start3A_80, %dma_start3A_81] : memref<125x80xi32, #tpu.memory_space<vmem>> -> memref<1x80xi32, #tpu.memory_space<vmem>>
    %dma_start3A_83 = tpu.memref_squeeze %dma_start3A_82 : memref<1x80xi32, #tpu.memory_space<vmem>> -> memref<80xi32, #tpu.memory_space<vmem>>
    %dma_start3A_84 = arith.constant 0 : i32
    %dma_start3A_85 = arith.constant 0 : i32
    %dma_start3A_86 = tpu.memref_slice %arg2[%dma_start3A_84, %dma_start3A_85] : memref<10240x64xf32, #tpu.memory_space<hbm>> -> memref<10240x64xf32, #tpu.memory_space<hbm>>
    tpu.enqueue_indirect_dma source(%dma_start3A_86 : memref<10240x64xf32, #tpu.memory_space<hbm>>) target(%arg10 : memref<80x64xf32, #tpu.memory_space<vmem>>) offsets(%dma_start3A_83 : memref<80xi32, #tpu.memory_space<vmem>>) semaphore(%arg17 : memref<!tpu.dma_semaphore, #tpu.memory_space<semaphore_mem>>)
    %dma_start3A_87 = arith.constant 4 : i32
    %dma_start3A_88 = arith.constant 0 : i32
    %dma_start3A_89 = tpu.memref_slice %arg5[%dma_start3A_87, %dma_start3A_88] : memref<125x80xi32, #tpu.memory_space<vmem>> -> memref<1x80xi32, #tpu.memory_space<vmem>>
    %dma_start3A_90 = tpu.memref_squeeze %dma_start3A_89 : memref<1x80xi32, #tpu.memory_space<vmem>> -> memref<80xi32, #tpu.memory_space<vmem>>
    %dma_start3A_91 = arith.constant 0 : i32
    %dma_start3A_92 = arith.constant 0 : i32
    %dma_start3A_93 = tpu.memref_slice %arg2[%dma_start3A_91, %dma_start3A_92] : memref<10240x64xf32, #tpu.memory_space<hbm>> -> memref<10240x64xf32, #tpu.memory_space<hbm>>
    tpu.enqueue_indirect_dma source(%dma_start3A_93 : memref<10240x64xf32, #tpu.memory_space<hbm>>) target(%arg11 : memref<80x64xf32, #tpu.memory_space<vmem>>) offsets(%dma_start3A_90 : memref<80xi32, #tpu.memory_space<vmem>>) semaphore(%arg18 : memref<!tpu.dma_semaphore, #tpu.memory_space<semaphore_mem>>)
    %barrier3A = arith.constant 0 : index
    tpu.barrier barrier_id(%barrier3A)
    %scan3A_94 = arith.constant 0 : i32
    %scan3A_95 = arith.constant 25 : i32
    %scan3A_96 = arith.addi %scan3A_94, %scan3A_95 : i32
    %scan3A_97 = arith.constant 1 : i32
    scf.for %scan3A_110 = %scan3A_94 to %scan3A_96 step %scan3A_97  : i32 {
      %mul3A_111 = arith.constant 5 : i32
      %mul3A_112 = arith.muli %scan3A_110, %mul3A_111 : i32
      %add3A_113 = arith.constant 0 : i32
      %add3A_114 = arith.addi %add3A_113, %mul3A_112 : i32
      %add3A_115 = arith.constant 0 : i32
      %add3A_116 = arith.addi %add3A_114, %add3A_115 : i32
      %dma_wait3A_117 = arith.constant 0 : i32
      %dma_wait3A_118 = tpu.memref_slice %arg5[%add3A_116, %dma_wait3A_117] : memref<125x80xi32, #tpu.memory_space<vmem>> -> memref<1x80xi32, #tpu.memory_space<vmem>>
      %dma_wait3A_119 = tpu.memref_squeeze %dma_wait3A_118 : memref<1x80xi32, #tpu.memory_space<vmem>> -> memref<80xi32, #tpu.memory_space<vmem>>
      %dma_wait3A_120 = arith.constant 0 : i32
      %dma_wait3A_121 = arith.constant 0 : i32
      %dma_wait3A_122 = tpu.memref_slice %arg2[%dma_wait3A_120, %dma_wait3A_121] : memref<10240x64xf32, #tpu.memory_space<hbm>> -> memref<10240x64xf32, #tpu.memory_space<hbm>>
      tpu.wait_indirect_dma semaphore(%arg14 : memref<!tpu.dma_semaphore, #tpu.memory_space<semaphore_mem>>) src(%dma_wait3A_122 : memref<10240x64xf32, #tpu.memory_space<hbm>>) dst(%arg7 : memref<80x64xf32, #tpu.memory_space<vmem>>)
      "tpu.region"() ({
        %run_scoped3A = tpu.sem_alloc : memref<!tpu.dma_semaphore, #tpu.memory_space<semaphore_mem>>
        %dma_start3A_187 = arith.constant 0 : i32
        %dma_start3A_188 = tpu.memref_slice %arg6[%add3A_116, %dma_start3A_187] : memref<125x80xi32, #tpu.memory_space<vmem>> -> memref<1x80xi32, #tpu.memory_space<vmem>>
        %dma_start3A_189 = tpu.memref_squeeze %dma_start3A_188 : memref<1x80xi32, #tpu.memory_space<vmem>> -> memref<80xi32, #tpu.memory_space<vmem>>
        %dma_start3A_190 = arith.constant 0 : i32
        %dma_start3A_191 = arith.constant 0 : i32
        %dma_start3A_192 = tpu.memref_slice %arg13[%dma_start3A_190, %dma_start3A_191] : memref<10240x64xf32, #tpu.memory_space<vmem_shared>> -> memref<10240x64xf32, #tpu.memory_space<vmem_shared>>
        tpu.enqueue_indirect_dma source(%arg7 : memref<80x64xf32, #tpu.memory_space<vmem>>) target(%dma_start3A_192 : memref<10240x64xf32, #tpu.memory_space<vmem_shared>>) offsets(%dma_start3A_189 : memref<80xi32, #tpu.memory_space<vmem>>) semaphore(%run_scoped3A : memref<!tpu.dma_semaphore, #tpu.memory_space<semaphore_mem>>) {add = true}
        %dma_wait3A_193 = arith.constant 0 : i32
        %dma_wait3A_194 = tpu.memref_slice %arg6[%add3A_116, %dma_wait3A_193] : memref<125x80xi32, #tpu.memory_space<vmem>> -> memref<1x80xi32, #tpu.memory_space<vmem>>
        %dma_wait3A_195 = tpu.memref_squeeze %dma_wait3A_194 : memref<1x80xi32, #tpu.memory_space<vmem>> -> memref<80xi32, #tpu.memory_space<vmem>>
        %dma_wait3A_196 = arith.constant 0 : i32
        %dma_wait3A_197 = arith.constant 0 : i32
        %dma_wait3A_198 = tpu.memref_slice %arg13[%dma_wait3A_196, %dma_wait3A_197] : memref<10240x64xf32, #tpu.memory_space<vmem_shared>> -> memref<10240x64xf32, #tpu.memory_space<vmem_shared>>
        tpu.wait_indirect_dma semaphore(%run_scoped3A : memref<!tpu.dma_semaphore, #tpu.memory_space<semaphore_mem>>) src(%arg7 : memref<80x64xf32, #tpu.memory_space<vmem>>) dst(%dma_wait3A_198 : memref<10240x64xf32, #tpu.memory_space<vmem_shared>>)
        tpu.yield
      }) : () -> ()
      %add3A_123 = arith.constant 5 : i32
      %add3A_124 = arith.addi %add3A_116, %add3A_123 : i32
      %lt3A = arith.constant 125 : i32
      %lt3A_125 = arith.cmpi slt, %add3A_124, %lt3A : i32
      %convert_element_type3A = arith.extui %lt3A_125 : i1 to i32
      %cond3A = arith.constant 0 : i32
      %cond3A_126 = arith.cmpi ne, %convert_element_type3A, %cond3A : i32
      scf.if %cond3A_126 {
        %dma_start3A_187 = arith.constant 0 : i32
        %dma_start3A_188 = tpu.memref_slice %arg5[%add3A_124, %dma_start3A_187] : memref<125x80xi32, #tpu.memory_space<vmem>> -> memref<1x80xi32, #tpu.memory_space<vmem>>
        %dma_start3A_189 = tpu.memref_squeeze %dma_start3A_188 : memref<1x80xi32, #tpu.memory_space<vmem>> -> memref<80xi32, #tpu.memory_space<vmem>>
        %dma_start3A_190 = arith.constant 0 : i32
        %dma_start3A_191 = arith.constant 0 : i32
        %dma_start3A_192 = tpu.memref_slice %arg2[%dma_start3A_190, %dma_start3A_191] : memref<10240x64xf32, #tpu.memory_space<hbm>> -> memref<10240x64xf32, #tpu.memory_space<hbm>>
        tpu.enqueue_indirect_dma source(%dma_start3A_192 : memref<10240x64xf32, #tpu.memory_space<hbm>>) target(%arg7 : memref<80x64xf32, #tpu.memory_space<vmem>>) offsets(%dma_start3A_189 : memref<80xi32, #tpu.memory_space<vmem>>) semaphore(%arg14 : memref<!tpu.dma_semaphore, #tpu.memory_space<semaphore_mem>>)
      } else {
      }
      %add3A_127 = arith.constant 1 : i32
      %add3A_128 = arith.addi %add3A_114, %add3A_127 : i32
      %dma_wait3A_129 = arith.constant 0 : i32
      %dma_wait3A_130 = tpu.memref_slice %arg5[%add3A_128, %dma_wait3A_129] : memref<125x80xi32, #tpu.memory_space<vmem>> -> memref<1x80xi32, #tpu.memory_space<vmem>>
      %dma_wait3A_131 = tpu.memref_squeeze %dma_wait3A_130 : memref<1x80xi32, #tpu.memory_space<vmem>> -> memref<80xi32, #tpu.memory_space<vmem>>
      %dma_wait3A_132 = arith.constant 0 : i32
      %dma_wait3A_133 = arith.constant 0 : i32
      %dma_wait3A_134 = tpu.memref_slice %arg2[%dma_wait3A_132, %dma_wait3A_133] : memref<10240x64xf32, #tpu.memory_space<hbm>> -> memref<10240x64xf32, #tpu.memory_space<hbm>>
      tpu.wait_indirect_dma semaphore(%arg15 : memref<!tpu.dma_semaphore, #tpu.memory_space<semaphore_mem>>) src(%dma_wait3A_134 : memref<10240x64xf32, #tpu.memory_space<hbm>>) dst(%arg8 : memref<80x64xf32, #tpu.memory_space<vmem>>)
      "tpu.region"() ({
        %run_scoped3A = tpu.sem_alloc : memref<!tpu.dma_semaphore, #tpu.memory_space<semaphore_mem>>
        %dma_start3A_187 = arith.constant 0 : i32
        %dma_start3A_188 = tpu.memref_slice %arg6[%add3A_128, %dma_start3A_187] : memref<125x80xi32, #tpu.memory_space<vmem>> -> memref<1x80xi32, #tpu.memory_space<vmem>>
        %dma_start3A_189 = tpu.memref_squeeze %dma_start3A_188 : memref<1x80xi32, #tpu.memory_space<vmem>> -> memref<80xi32, #tpu.memory_space<vmem>>
        %dma_start3A_190 = arith.constant 0 : i32
        %dma_start3A_191 = arith.constant 0 : i32
        %dma_start3A_192 = tpu.memref_slice %arg13[%dma_start3A_190, %dma_start3A_191] : memref<10240x64xf32, #tpu.memory_space<vmem_shared>> -> memref<10240x64xf32, #tpu.memory_space<vmem_shared>>
        tpu.enqueue_indirect_dma source(%arg8 : memref<80x64xf32, #tpu.memory_space<vmem>>) target(%dma_start3A_192 : memref<10240x64xf32, #tpu.memory_space<vmem_shared>>) offsets(%dma_start3A_189 : memref<80xi32, #tpu.memory_space<vmem>>) semaphore(%run_scoped3A : memref<!tpu.dma_semaphore, #tpu.memory_space<semaphore_mem>>) {add = true}
        %dma_wait3A_193 = arith.constant 0 : i32
        %dma_wait3A_194 = tpu.memref_slice %arg6[%add3A_128, %dma_wait3A_193] : memref<125x80xi32, #tpu.memory_space<vmem>> -> memref<1x80xi32, #tpu.memory_space<vmem>>
        %dma_wait3A_195 = tpu.memref_squeeze %dma_wait3A_194 : memref<1x80xi32, #tpu.memory_space<vmem>> -> memref<80xi32, #tpu.memory_space<vmem>>
        %dma_wait3A_196 = arith.constant 0 : i32
        %dma_wait3A_197 = arith.constant 0 : i32
        %dma_wait3A_198 = tpu.memref_slice %arg13[%dma_wait3A_196, %dma_wait3A_197] : memref<10240x64xf32, #tpu.memory_space<vmem_shared>> -> memref<10240x64xf32, #tpu.memory_space<vmem_shared>>
        tpu.wait_indirect_dma semaphore(%run_scoped3A : memref<!tpu.dma_semaphore, #tpu.memory_space<semaphore_mem>>) src(%arg8 : memref<80x64xf32, #tpu.memory_space<vmem>>) dst(%dma_wait3A_198 : memref<10240x64xf32, #tpu.memory_space<vmem_shared>>)
        tpu.yield
      }) : () -> ()
      %add3A_135 = arith.constant 5 : i32
      %add3A_136 = arith.addi %add3A_128, %add3A_135 : i32
      %lt3A_137 = arith.constant 125 : i32
      %lt3A_138 = arith.cmpi slt, %add3A_136, %lt3A_137 : i32
      %convert_element_type3A_139 = arith.extui %lt3A_138 : i1 to i32
      %cond3A_140 = arith.constant 0 : i32
      %cond3A_141 = arith.cmpi ne, %convert_element_type3A_139, %cond3A_140 : i32
      scf.if %cond3A_141 {
        %dma_start3A_187 = arith.constant 0 : i32
        %dma_start3A_188 = tpu.memref_slice %arg5[%add3A_136, %dma_start3A_187] : memref<125x80xi32, #tpu.memory_space<vmem>> -> memref<1x80xi32, #tpu.memory_space<vmem>>
        %dma_start3A_189 = tpu.memref_squeeze %dma_start3A_188 : memref<1x80xi32, #tpu.memory_space<vmem>> -> memref<80xi32, #tpu.memory_space<vmem>>
        %dma_start3A_190 = arith.constant 0 : i32
        %dma_start3A_191 = arith.constant 0 : i32
        %dma_start3A_192 = tpu.memref_slice %arg2[%dma_start3A_190, %dma_start3A_191] : memref<10240x64xf32, #tpu.memory_space<hbm>> -> memref<10240x64xf32, #tpu.memory_space<hbm>>
        tpu.enqueue_indirect_dma source(%dma_start3A_192 : memref<10240x64xf32, #tpu.memory_space<hbm>>) target(%arg8 : memref<80x64xf32, #tpu.memory_space<vmem>>) offsets(%dma_start3A_189 : memref<80xi32, #tpu.memory_space<vmem>>) semaphore(%arg15 : memref<!tpu.dma_semaphore, #tpu.memory_space<semaphore_mem>>)
      } else {
      }
      %add3A_142 = arith.constant 2 : i32
      %add3A_143 = arith.addi %add3A_114, %add3A_142 : i32
      %dma_wait3A_144 = arith.constant 0 : i32
      %dma_wait3A_145 = tpu.memref_slice %arg5[%add3A_143, %dma_wait3A_144] : memref<125x80xi32, #tpu.memory_space<vmem>> -> memref<1x80xi32, #tpu.memory_space<vmem>>
      %dma_wait3A_146 = tpu.memref_squeeze %dma_wait3A_145 : memref<1x80xi32, #tpu.memory_space<vmem>> -> memref<80xi32, #tpu.memory_space<vmem>>
      %dma_wait3A_147 = arith.constant 0 : i32
      %dma_wait3A_148 = arith.constant 0 : i32
      %dma_wait3A_149 = tpu.memref_slice %arg2[%dma_wait3A_147, %dma_wait3A_148] : memref<10240x64xf32, #tpu.memory_space<hbm>> -> memref<10240x64xf32, #tpu.memory_space<hbm>>
      tpu.wait_indirect_dma semaphore(%arg16 : memref<!tpu.dma_semaphore, #tpu.memory_space<semaphore_mem>>) src(%dma_wait3A_149 : memref<10240x64xf32, #tpu.memory_space<hbm>>) dst(%arg9 : memref<80x64xf32, #tpu.memory_space<vmem>>)
      "tpu.region"() ({
        %run_scoped3A = tpu.sem_alloc : memref<!tpu.dma_semaphore, #tpu.memory_space<semaphore_mem>>
        %dma_start3A_187 = arith.constant 0 : i32
        %dma_start3A_188 = tpu.memref_slice %arg6[%add3A_143, %dma_start3A_187] : memref<125x80xi32, #tpu.memory_space<vmem>> -> memref<1x80xi32, #tpu.memory_space<vmem>>
        %dma_start3A_189 = tpu.memref_squeeze %dma_start3A_188 : memref<1x80xi32, #tpu.memory_space<vmem>> -> memref<80xi32, #tpu.memory_space<vmem>>
        %dma_start3A_190 = arith.constant 0 : i32
        %dma_start3A_191 = arith.constant 0 : i32
        %dma_start3A_192 = tpu.memref_slice %arg13[%dma_start3A_190, %dma_start3A_191] : memref<10240x64xf32, #tpu.memory_space<vmem_shared>> -> memref<10240x64xf32, #tpu.memory_space<vmem_shared>>
        tpu.enqueue_indirect_dma source(%arg9 : memref<80x64xf32, #tpu.memory_space<vmem>>) target(%dma_start3A_192 : memref<10240x64xf32, #tpu.memory_space<vmem_shared>>) offsets(%dma_start3A_189 : memref<80xi32, #tpu.memory_space<vmem>>) semaphore(%run_scoped3A : memref<!tpu.dma_semaphore, #tpu.memory_space<semaphore_mem>>) {add = true}
        %dma_wait3A_193 = arith.constant 0 : i32
        %dma_wait3A_194 = tpu.memref_slice %arg6[%add3A_143, %dma_wait3A_193] : memref<125x80xi32, #tpu.memory_space<vmem>> -> memref<1x80xi32, #tpu.memory_space<vmem>>
        %dma_wait3A_195 = tpu.memref_squeeze %dma_wait3A_194 : memref<1x80xi32, #tpu.memory_space<vmem>> -> memref<80xi32, #tpu.memory_space<vmem>>
        %dma_wait3A_196 = arith.constant 0 : i32
        %dma_wait3A_197 = arith.constant 0 : i32
        %dma_wait3A_198 = tpu.memref_slice %arg13[%dma_wait3A_196, %dma_wait3A_197] : memref<10240x64xf32, #tpu.memory_space<vmem_shared>> -> memref<10240x64xf32, #tpu.memory_space<vmem_shared>>
        tpu.wait_indirect_dma semaphore(%run_scoped3A : memref<!tpu.dma_semaphore, #tpu.memory_space<semaphore_mem>>) src(%arg9 : memref<80x64xf32, #tpu.memory_space<vmem>>) dst(%dma_wait3A_198 : memref<10240x64xf32, #tpu.memory_space<vmem_shared>>)
        tpu.yield
      }) : () -> ()
      %add3A_150 = arith.constant 5 : i32
      %add3A_151 = arith.addi %add3A_143, %add3A_150 : i32
      %lt3A_152 = arith.constant 125 : i32
      %lt3A_153 = arith.cmpi slt, %add3A_151, %lt3A_152 : i32
      %convert_element_type3A_154 = arith.extui %lt3A_153 : i1 to i32
      %cond3A_155 = arith.constant 0 : i32
      %cond3A_156 = arith.cmpi ne, %convert_element_type3A_154, %cond3A_155 : i32
      scf.if %cond3A_156 {
        %dma_start3A_187 = arith.constant 0 : i32
        %dma_start3A_188 = tpu.memref_slice %arg5[%add3A_151, %dma_start3A_187] : memref<125x80xi32, #tpu.memory_space<vmem>> -> memref<1x80xi32, #tpu.memory_space<vmem>>
        %dma_start3A_189 = tpu.memref_squeeze %dma_start3A_188 : memref<1x80xi32, #tpu.memory_space<vmem>> -> memref<80xi32, #tpu.memory_space<vmem>>
        %dma_start3A_190 = arith.constant 0 : i32
        %dma_start3A_191 = arith.constant 0 : i32
        %dma_start3A_192 = tpu.memref_slice %arg2[%dma_start3A_190, %dma_start3A_191] : memref<10240x64xf32, #tpu.memory_space<hbm>> -> memref<10240x64xf32, #tpu.memory_space<hbm>>
        tpu.enqueue_indirect_dma source(%dma_start3A_192 : memref<10240x64xf32, #tpu.memory_space<hbm>>) target(%arg9 : memref<80x64xf32, #tpu.memory_space<vmem>>) offsets(%dma_start3A_189 : memref<80xi32, #tpu.memory_space<vmem>>) semaphore(%arg16 : memref<!tpu.dma_semaphore, #tpu.memory_space<semaphore_mem>>)
      } else {
      }
      %add3A_157 = arith.constant 3 : i32
      %add3A_158 = arith.addi %add3A_114, %add3A_157 : i32
      %dma_wait3A_159 = arith.constant 0 : i32
      %dma_wait3A_160 = tpu.memref_slice %arg5[%add3A_158, %dma_wait3A_159] : memref<125x80xi32, #tpu.memory_space<vmem>> -> memref<1x80xi32, #tpu.memory_space<vmem>>
      %dma_wait3A_161 = tpu.memref_squeeze %dma_wait3A_160 : memref<1x80xi32, #tpu.memory_space<vmem>> -> memref<80xi32, #tpu.memory_space<vmem>>
      %dma_wait3A_162 = arith.constant 0 : i32
      %dma_wait3A_163 = arith.constant 0 : i32
      %dma_wait3A_164 = tpu.memref_slice %arg2[%dma_wait3A_162, %dma_wait3A_163] : memref<10240x64xf32, #tpu.memory_space<hbm>> -> memref<10240x64xf32, #tpu.memory_space<hbm>>
      tpu.wait_indirect_dma semaphore(%arg17 : memref<!tpu.dma_semaphore, #tpu.memory_space<semaphore_mem>>) src(%dma_wait3A_164 : memref<10240x64xf32, #tpu.memory_space<hbm>>) dst(%arg10 : memref<80x64xf32, #tpu.memory_space<vmem>>)
      "tpu.region"() ({
        %run_scoped3A = tpu.sem_alloc : memref<!tpu.dma_semaphore, #tpu.memory_space<semaphore_mem>>
        %dma_start3A_187 = arith.constant 0 : i32
        %dma_start3A_188 = tpu.memref_slice %arg6[%add3A_158, %dma_start3A_187] : memref<125x80xi32, #tpu.memory_space<vmem>> -> memref<1x80xi32, #tpu.memory_space<vmem>>
        %dma_start3A_189 = tpu.memref_squeeze %dma_start3A_188 : memref<1x80xi32, #tpu.memory_space<vmem>> -> memref<80xi32, #tpu.memory_space<vmem>>
        %dma_start3A_190 = arith.constant 0 : i32
        %dma_start3A_191 = arith.constant 0 : i32
        %dma_start3A_192 = tpu.memref_slice %arg13[%dma_start3A_190, %dma_start3A_191] : memref<10240x64xf32, #tpu.memory_space<vmem_shared>> -> memref<10240x64xf32, #tpu.memory_space<vmem_shared>>
        tpu.enqueue_indirect_dma source(%arg10 : memref<80x64xf32, #tpu.memory_space<vmem>>) target(%dma_start3A_192 : memref<10240x64xf32, #tpu.memory_space<vmem_shared>>) offsets(%dma_start3A_189 : memref<80xi32, #tpu.memory_space<vmem>>) semaphore(%run_scoped3A : memref<!tpu.dma_semaphore, #tpu.memory_space<semaphore_mem>>) {add = true}
        %dma_wait3A_193 = arith.constant 0 : i32
        %dma_wait3A_194 = tpu.memref_slice %arg6[%add3A_158, %dma_wait3A_193] : memref<125x80xi32, #tpu.memory_space<vmem>> -> memref<1x80xi32, #tpu.memory_space<vmem>>
        %dma_wait3A_195 = tpu.memref_squeeze %dma_wait3A_194 : memref<1x80xi32, #tpu.memory_space<vmem>> -> memref<80xi32, #tpu.memory_space<vmem>>
        %dma_wait3A_196 = arith.constant 0 : i32
        %dma_wait3A_197 = arith.constant 0 : i32
        %dma_wait3A_198 = tpu.memref_slice %arg13[%dma_wait3A_196, %dma_wait3A_197] : memref<10240x64xf32, #tpu.memory_space<vmem_shared>> -> memref<10240x64xf32, #tpu.memory_space<vmem_shared>>
        tpu.wait_indirect_dma semaphore(%run_scoped3A : memref<!tpu.dma_semaphore, #tpu.memory_space<semaphore_mem>>) src(%arg10 : memref<80x64xf32, #tpu.memory_space<vmem>>) dst(%dma_wait3A_198 : memref<10240x64xf32, #tpu.memory_space<vmem_shared>>)
        tpu.yield
      }) : () -> ()
      %add3A_165 = arith.constant 5 : i32
      %add3A_166 = arith.addi %add3A_158, %add3A_165 : i32
      %lt3A_167 = arith.constant 125 : i32
      %lt3A_168 = arith.cmpi slt, %add3A_166, %lt3A_167 : i32
      %convert_element_type3A_169 = arith.extui %lt3A_168 : i1 to i32
      %cond3A_170 = arith.constant 0 : i32
      %cond3A_171 = arith.cmpi ne, %convert_element_type3A_169, %cond3A_170 : i32
      scf.if %cond3A_171 {
        %dma_start3A_187 = arith.constant 0 : i32
        %dma_start3A_188 = tpu.memref_slice %arg5[%add3A_166, %dma_start3A_187] : memref<125x80xi32, #tpu.memory_space<vmem>> -> memref<1x80xi32, #tpu.memory_space<vmem>>
        %dma_start3A_189 = tpu.memref_squeeze %dma_start3A_188 : memref<1x80xi32, #tpu.memory_space<vmem>> -> memref<80xi32, #tpu.memory_space<vmem>>
        %dma_start3A_190 = arith.constant 0 : i32
        %dma_start3A_191 = arith.constant 0 : i32
        %dma_start3A_192 = tpu.memref_slice %arg2[%dma_start3A_190, %dma_start3A_191] : memref<10240x64xf32, #tpu.memory_space<hbm>> -> memref<10240x64xf32, #tpu.memory_space<hbm>>
        tpu.enqueue_indirect_dma source(%dma_start3A_192 : memref<10240x64xf32, #tpu.memory_space<hbm>>) target(%arg10 : memref<80x64xf32, #tpu.memory_space<vmem>>) offsets(%dma_start3A_189 : memref<80xi32, #tpu.memory_space<vmem>>) semaphore(%arg17 : memref<!tpu.dma_semaphore, #tpu.memory_space<semaphore_mem>>)
      } else {
      }
      %add3A_172 = arith.constant 4 : i32
      %add3A_173 = arith.addi %add3A_114, %add3A_172 : i32
      %dma_wait3A_174 = arith.constant 0 : i32
      %dma_wait3A_175 = tpu.memref_slice %arg5[%add3A_173, %dma_wait3A_174] : memref<125x80xi32, #tpu.memory_space<vmem>> -> memref<1x80xi32, #tpu.memory_space<vmem>>
      %dma_wait3A_176 = tpu.memref_squeeze %dma_wait3A_175 : memref<1x80xi32, #tpu.memory_space<vmem>> -> memref<80xi32, #tpu.memory_space<vmem>>
      %dma_wait3A_177 = arith.constant 0 : i32
      %dma_wait3A_178 = arith.constant 0 : i32
      %dma_wait3A_179 = tpu.memref_slice %arg2[%dma_wait3A_177, %dma_wait3A_178] : memref<10240x64xf32, #tpu.memory_space<hbm>> -> memref<10240x64xf32, #tpu.memory_space<hbm>>
      tpu.wait_indirect_dma semaphore(%arg18 : memref<!tpu.dma_semaphore, #tpu.memory_space<semaphore_mem>>) src(%dma_wait3A_179 : memref<10240x64xf32, #tpu.memory_space<hbm>>) dst(%arg11 : memref<80x64xf32, #tpu.memory_space<vmem>>)
      "tpu.region"() ({
        %run_scoped3A = tpu.sem_alloc : memref<!tpu.dma_semaphore, #tpu.memory_space<semaphore_mem>>
        %dma_start3A_187 = arith.constant 0 : i32
        %dma_start3A_188 = tpu.memref_slice %arg6[%add3A_173, %dma_start3A_187] : memref<125x80xi32, #tpu.memory_space<vmem>> -> memref<1x80xi32, #tpu.memory_space<vmem>>
        %dma_start3A_189 = tpu.memref_squeeze %dma_start3A_188 : memref<1x80xi32, #tpu.memory_space<vmem>> -> memref<80xi32, #tpu.memory_space<vmem>>
        %dma_start3A_190 = arith.constant 0 : i32
        %dma_start3A_191 = arith.constant 0 : i32
        %dma_start3A_192 = tpu.memref_slice %arg13[%dma_start3A_190, %dma_start3A_191] : memref<10240x64xf32, #tpu.memory_space<vmem_shared>> -> memref<10240x64xf32, #tpu.memory_space<vmem_shared>>
        tpu.enqueue_indirect_dma source(%arg11 : memref<80x64xf32, #tpu.memory_space<vmem>>) target(%dma_start3A_192 : memref<10240x64xf32, #tpu.memory_space<vmem_shared>>) offsets(%dma_start3A_189 : memref<80xi32, #tpu.memory_space<vmem>>) semaphore(%run_scoped3A : memref<!tpu.dma_semaphore, #tpu.memory_space<semaphore_mem>>) {add = true}
        %dma_wait3A_193 = arith.constant 0 : i32
        %dma_wait3A_194 = tpu.memref_slice %arg6[%add3A_173, %dma_wait3A_193] : memref<125x80xi32, #tpu.memory_space<vmem>> -> memref<1x80xi32, #tpu.memory_space<vmem>>
        %dma_wait3A_195 = tpu.memref_squeeze %dma_wait3A_194 : memref<1x80xi32, #tpu.memory_space<vmem>> -> memref<80xi32, #tpu.memory_space<vmem>>
        %dma_wait3A_196 = arith.constant 0 : i32
        %dma_wait3A_197 = arith.constant 0 : i32
        %dma_wait3A_198 = tpu.memref_slice %arg13[%dma_wait3A_196, %dma_wait3A_197] : memref<10240x64xf32, #tpu.memory_space<vmem_shared>> -> memref<10240x64xf32, #tpu.memory_space<vmem_shared>>
        tpu.wait_indirect_dma semaphore(%run_scoped3A : memref<!tpu.dma_semaphore, #tpu.memory_space<semaphore_mem>>) src(%arg11 : memref<80x64xf32, #tpu.memory_space<vmem>>) dst(%dma_wait3A_198 : memref<10240x64xf32, #tpu.memory_space<vmem_shared>>)
        tpu.yield
      }) : () -> ()
      %add3A_180 = arith.constant 5 : i32
      %add3A_181 = arith.addi %add3A_173, %add3A_180 : i32
      %lt3A_182 = arith.constant 125 : i32
      %lt3A_183 = arith.cmpi slt, %add3A_181, %lt3A_182 : i32
      %convert_element_type3A_184 = arith.extui %lt3A_183 : i1 to i32
      %cond3A_185 = arith.constant 0 : i32
      %cond3A_186 = arith.cmpi ne, %convert_element_type3A_184, %cond3A_185 : i32
      scf.if %cond3A_186 {
        %dma_start3A_187 = arith.constant 0 : i32
        %dma_start3A_188 = tpu.memref_slice %arg5[%add3A_181, %dma_start3A_187] : memref<125x80xi32, #tpu.memory_space<vmem>> -> memref<1x80xi32, #tpu.memory_space<vmem>>
        %dma_start3A_189 = tpu.memref_squeeze %dma_start3A_188 : memref<1x80xi32, #tpu.memory_space<vmem>> -> memref<80xi32, #tpu.memory_space<vmem>>
        %dma_start3A_190 = arith.constant 0 : i32
        %dma_start3A_191 = arith.constant 0 : i32
        %dma_start3A_192 = tpu.memref_slice %arg2[%dma_start3A_190, %dma_start3A_191] : memref<10240x64xf32, #tpu.memory_space<hbm>> -> memref<10240x64xf32, #tpu.memory_space<hbm>>
        tpu.enqueue_indirect_dma source(%dma_start3A_192 : memref<10240x64xf32, #tpu.memory_space<hbm>>) target(%arg11 : memref<80x64xf32, #tpu.memory_space<vmem>>) offsets(%dma_start3A_189 : memref<80xi32, #tpu.memory_space<vmem>>) semaphore(%arg18 : memref<!tpu.dma_semaphore, #tpu.memory_space<semaphore_mem>>)
      } else {
      }
    }
    %scan3A_98 = arith.constant 25 : i32
    %barrier3A_99 = arith.constant 0 : index
    tpu.barrier barrier_id(%barrier3A_99)
    %scan3A_100 = arith.constant 0 : i32
    %scan3A_101 = arith.constant 80 : i32
    %scan3A_102 = arith.addi %scan3A_100, %scan3A_101 : i32
    %scan3A_103 = arith.constant 1 : i32
    scf.for %scan3A_110 = %scan3A_100 to %scan3A_102 step %scan3A_103  : i32 {
      %mul3A_111 = arith.constant 1 : i32
      %mul3A_112 = arith.muli %scan3A_110, %mul3A_111 : i32
      %add3A_113 = arith.constant 0 : i32
      %add3A_114 = arith.addi %add3A_113, %mul3A_112 : i32
      %mul3A_115 = arith.constant 640 : i32
      %mul3A_116 = arith.muli %arg1, %mul3A_115 : i32
      %mul3A_117 = arith.constant 8 : i32
      %mul3A_118 = arith.muli %add3A_114, %mul3A_117 : i32
      %add3A_119 = arith.addi %mul3A_116, %mul3A_118 : i32
      %mul3A_120 = arith.constant 80 : i32
      %mul3A_121 = arith.muli %arg1, %mul3A_120 : i32
      %add3A_122 = arith.addi %mul3A_121, %add3A_114 : i32
      %dma_start3A_123 = arith.constant 0 : i32
      %dma_start3A_124 = arith.constant 0 : i32
      %dma_start3A_125 = tpu.memref_slice %arg4[%arg0, %add3A_122, %dma_start3A_123, %dma_start3A_124] : memref<2x1280x8x128xf32, #tpu.memory_space<hbm>> -> memref<1x1x8x64xf32, #tpu.memory_space<hbm>>
      %dma_start3A_126 = tpu.memref_squeeze %dma_start3A_125 : memref<1x1x8x64xf32, #tpu.memory_space<hbm>> -> memref<8x64xf32, #tpu.memory_space<hbm>>
      %dma_start3A_127 = arith.constant 0 : i32
      %dma_start3A_128 = tpu.memref_slice %arg13[%add3A_119, %dma_start3A_127] : memref<10240x64xf32, #tpu.memory_space<vmem_shared>> -> memref<8x64xf32, #tpu.memory_space<vmem_shared>>
      tpu.enqueue_dma source(%dma_start3A_128 : memref<8x64xf32, #tpu.memory_space<vmem_shared>>) target(%dma_start3A_126 : memref<8x64xf32, #tpu.memory_space<hbm>>) target_semaphore(%arg19 : memref<!tpu.dma_semaphore, #tpu.memory_space<semaphore_mem>>)
    }
    %scan3A_104 = arith.constant 80 : i32
    %scan3A_105 = arith.constant 0 : i32
    %scan3A_106 = arith.constant 80 : i32
    %scan3A_107 = arith.addi %scan3A_105, %scan3A_106 : i32
    %scan3A_108 = arith.constant 1 : i32
    scf.for %scan3A_110 = %scan3A_105 to %scan3A_107 step %scan3A_108  : i32 {
      %mul3A_111 = arith.constant 1 : i32
      %mul3A_112 = arith.muli %scan3A_110, %mul3A_111 : i32
      %add3A_113 = arith.constant 0 : i32
      %add3A_114 = arith.addi %add3A_113, %mul3A_112 : i32
      %mul3A_115 = arith.constant 640 : i32
      %mul3A_116 = arith.muli %arg1, %mul3A_115 : i32
      %mul3A_117 = arith.constant 8 : i32
      %mul3A_118 = arith.muli %add3A_114, %mul3A_117 : i32
      %add3A_119 = arith.addi %mul3A_116, %mul3A_118 : i32
      %mul3A_120 = arith.constant 80 : i32
      %mul3A_121 = arith.muli %arg1, %mul3A_120 : i32
      %add3A_122 = arith.addi %mul3A_121, %add3A_114 : i32
      %dma_wait3A_123 = arith.constant 0 : i32
      %dma_wait3A_124 = arith.constant 0 : i32
      %dma_wait3A_125 = tpu.memref_slice %arg4[%arg0, %add3A_122, %dma_wait3A_123, %dma_wait3A_124] : memref<2x1280x8x128xf32, #tpu.memory_space<hbm>> -> memref<1x1x8x64xf32, #tpu.memory_space<hbm>>
      %dma_wait3A_126 = tpu.memref_squeeze %dma_wait3A_125 : memref<1x1x8x64xf32, #tpu.memory_space<hbm>> -> memref<8x64xf32, #tpu.memory_space<hbm>>
      %dma_wait3A_127 = arith.constant 0 : i32
      %dma_wait3A_128 = tpu.memref_slice %arg13[%add3A_119, %dma_wait3A_127] : memref<10240x64xf32, #tpu.memory_space<vmem_shared>> -> memref<8x64xf32, #tpu.memory_space<vmem_shared>>
      tpu.wait_dma2 semaphore(%arg19 : memref<!tpu.dma_semaphore, #tpu.memory_space<semaphore_mem>>) src(%dma_wait3A_128 : memref<8x64xf32, #tpu.memory_space<vmem_shared>>) dst(%dma_wait3A_126 : memref<8x64xf32, #tpu.memory_space<hbm>>)
    }
    %scan3A_109 = arith.constant 80 : i32
    return
  }
}

module attributes {stable_mosaic.version = 14 : i64} {
  func.func @_ksc_body(%arg0: i32, %arg1: memref<2x128x8x128xf32, #tpu.memory_space<vmem>>, %arg2: memref<1024x64xf32, #tpu.memory_space<vmem>>, %arg3: memref<1024x64xf32, #tpu.memory_space<vmem>>, %arg4: memref<1024x64xf32, #tpu.memory_space<vmem>>) attributes {dimension_semantics = [#tpu.dimension_semantics<parallel>], iteration_bounds = array<i64: 10>, scalar_prefetch = 0 : i64, scratch_operands = 0 : i64, tpu.core_type = #tpu.core_type<tc>, window_params = [{transform_indices = @transform_0, window_bounds = array<i64: 2, 128, 8, 128>}, {transform_indices = @transform_1, window_bounds = array<i64: 1024, 64>}, {transform_indices = @transform_2, window_bounds = array<i64: 1024, 64>}, {transform_indices = @transform_3, window_bounds = array<i64: 1024, 64>}]} {
    %get3A = arith.constant 0 : index
    %get3A_0 = arith.constant 0 : index
    %get3A_1 = arith.constant 0 : index
    %get3A_2 = arith.constant 0 : index
    %get3A_3 = vector.load %arg1[%get3A, %get3A_0, %get3A_1, %get3A_2] : memref<2x128x8x128xf32, #tpu.memory_space<vmem>>, vector<2x128x8x1xf32>
    %reshape3A = vector.shape_cast %get3A_3 : vector<2x128x8x1xf32> to vector<2x1024x1xf32>
    %slice3A = vector.extract_strided_slice %reshape3A {offsets = [0, 0, 0], sizes = [1, 1024, 1], strides = [1, 1, 1]} : vector<2x1024x1xf32> to vector<1x1024x1xf32>
    %squeeze3A = vector.shape_cast %slice3A : vector<1x1024x1xf32> to vector<1024x1xf32>
    %slice3A_4 = vector.extract_strided_slice %reshape3A {offsets = [1, 0, 0], sizes = [1, 1024, 1], strides = [1, 1, 1]} : vector<2x1024x1xf32> to vector<1x1024x1xf32>
    %squeeze3A_5 = vector.shape_cast %slice3A_4 : vector<1x1024x1xf32> to vector<1024x1xf32>
    %add3A = arith.addf %squeeze3A, %squeeze3A_5 : vector<1024x1xf32>
    %add3A_6 = arith.constant 1.000000e+00 : f32
    %add3A_7 = vector.broadcast %add3A_6 : f32 to vector<1024x1xf32>
    %add3A_8 = arith.addf %add3A, %add3A_7 : vector<1024x1xf32>
    %rsqrt3A = math.rsqrt %add3A_8 : vector<1024x1xf32>
    %get3A_9 = arith.constant 0 : index
    %get3A_10 = arith.constant 0 : index
    %get3A_11 = vector.load %arg2[%get3A_9, %get3A_10] : memref<1024x64xf32, #tpu.memory_space<vmem>>, vector<1024x64xf32>
    %mul3A = vector.broadcast %rsqrt3A : vector<1024x1xf32> to vector<1024x64xf32>
    %mul3A_12 = arith.mulf %get3A_11, %mul3A : vector<1024x64xf32>
    %swap3A = arith.constant 0 : index
    %swap3A_13 = arith.constant 0 : index
    %swap3A_14 = vector.load %arg3[%swap3A, %swap3A_13] : memref<1024x64xf32, #tpu.memory_space<vmem>>, vector<1024x64xf32>
    tpu.vector_store %arg3[%swap3A, %swap3A_13], %mul3A_12 {strides = array<i32>} : memref<1024x64xf32, #tpu.memory_space<vmem>>, vector<1024x64xf32>,
    %broadcast_in_dim3A = vector.shape_cast %rsqrt3A : vector<1024x1xf32> to vector<1024x1xf32>
    %broadcast_in_dim3A_15 = vector.broadcast %broadcast_in_dim3A : vector<1024x1xf32> to vector<1024x64xf32>
    %swap3A_16 = arith.constant 0 : index
    %swap3A_17 = arith.constant 0 : index
    %swap3A_18 = vector.load %arg4[%swap3A_16, %swap3A_17] : memref<1024x64xf32, #tpu.memory_space<vmem>>, vector<1024x64xf32>
    tpu.vector_store %arg4[%swap3A_16, %swap3A_17], %broadcast_in_dim3A_15 {strides = array<i32>} : memref<1024x64xf32, #tpu.memory_space<vmem>>, vector<1024x64xf32>,
    return
  }
  func.func @transform_0(%arg0: i32) -> (i32, i32, i32, i32) {
    %c0_i32 = arith.constant 0 : i32
    %c0_i32_0 = arith.constant 0 : i32
    %c0_i32_1 = arith.constant 0 : i32
    %c0_i32_2 = arith.constant 0 : i32
    return %c0_i32, %arg0, %c0_i32_0, %c0_i32_1 : i32, i32, i32, i32
  }
  func.func @transform_1(%arg0: i32) -> (i32, i32) {
    %c0_i32 = arith.constant 0 : i32
    %c0_i32_0 = arith.constant 0 : i32
    return %arg0, %c0_i32 : i32, i32
  }
  func.func @transform_2(%arg0: i32) -> (i32, i32) {
    %c0_i32 = arith.constant 0 : i32
    %c0_i32_0 = arith.constant 0 : i32
    return %arg0, %c0_i32 : i32, i32
  }
  func.func @transform_3(%arg0: i32) -> (i32, i32) {
    %c0_i32 = arith.constant 0 : i32
    %c0_i32_0 = arith.constant 0 : i32
    return %arg0, %c0_i32 : i32, i32
  }
}

module attributes {stable_mosaic.version = 14 : i64} {
  func.func @_kmm_body(%arg0: i32, %arg1: memref<1024x128xf32, #tpu.memory_space<vmem>>, %arg2: memref<128x64xf32, #tpu.memory_space<vmem>>, %arg3: memref<1024x64xf32, #tpu.memory_space<vmem>>) attributes {dimension_semantics = [#tpu.dimension_semantics<parallel>], iteration_bounds = array<i64: 10>, scalar_prefetch = 0 : i64, scratch_operands = 0 : i64, tpu.core_type = #tpu.core_type<tc>, window_params = [{transform_indices = @transform_0, window_bounds = array<i64: 1024, 128>}, {pipeline_mode = #tpu.pipeline_mode<synchronous>, transform_indices = @transform_1, window_bounds = array<i64: 128, 64>}, {transform_indices = @transform_2, window_bounds = array<i64: 1024, 64>}]} {
    %get3A = arith.constant 0 : index
    %get3A_0 = arith.constant 0 : index
    %get3A_1 = vector.load %arg1[%get3A, %get3A_0] : memref<1024x128xf32, #tpu.memory_space<vmem>>, vector<1024x128xf32>
    %get3A_2 = arith.constant 0 : index
    %get3A_3 = arith.constant 0 : index
    %get3A_4 = vector.load %arg2[%get3A_2, %get3A_3] : memref<128x64xf32, #tpu.memory_space<vmem>>, vector<128x64xf32>
    %dot_general3A = arith.constant dense<0.000000e+00> : vector<1024x64xf32>
    %dot_general3A_5 = tpu.matmul %get3A_1, %get3A_4, %dot_general3A {dimension_numbers = #tpu.dot_dimension_numbers<[1], [0], [0], [1], [0, 0, 1, 1], [], []>, transpose_lhs_hint = false} : vector<1024x128xf32>, vector<128x64xf32>, vector<1024x64xf32> -> vector<1024x64xf32>
    %swap3A = arith.constant 0 : index
    %swap3A_6 = arith.constant 0 : index
    %swap3A_7 = vector.load %arg3[%swap3A, %swap3A_6] : memref<1024x64xf32, #tpu.memory_space<vmem>>, vector<1024x64xf32>
    tpu.vector_store %arg3[%swap3A, %swap3A_6], %dot_general3A_5 {strides = array<i32>} : memref<1024x64xf32, #tpu.memory_space<vmem>>, vector<1024x64xf32>,
    return
  }
  func.func @transform_0(%arg0: i32) -> (i32, i32) {
    %c0_i32 = arith.constant 0 : i32
    %c0_i32_0 = arith.constant 0 : i32
    return %arg0, %c0_i32 : i32, i32
  }
  func.func @transform_1(%arg0: i32) -> (i32, i32) {
    %c0_i32 = arith.constant 0 : i32
    %c0_i32_0 = arith.constant 0 : i32
    %c0_i32_1 = arith.constant 0 : i32
    return %c0_i32, %c0_i32_0 : i32, i32
  }
  func.func @transform_2(%arg0: i32) -> (i32, i32) {
    %c0_i32 = arith.constant 0 : i32
    %c0_i32_0 = arith.constant 0 : i32
    return %arg0, %c0_i32 : i32, i32
  }
}

module attributes {stable_mosaic.version = 14 : i64} {
  func.func @_k2_body(%arg0: i32, %arg1: memref<1024x64xf32, #tpu.memory_space<vmem>>, %arg2: memref<2x128x8x128xf32, #tpu.memory_space<vmem>>, %arg3: memref<1024x64xf32, #tpu.memory_space<vmem>>, %arg4: memref<64x64xf32, #tpu.memory_space<vmem>>, %arg5: memref<1x64xf32, #tpu.memory_space<vmem>>, %arg6: memref<1024x64xf32, #tpu.memory_space<vmem>>) attributes {dimension_semantics = [#tpu.dimension_semantics<parallel>], iteration_bounds = array<i64: 10>, scalar_prefetch = 0 : i64, scratch_operands = 0 : i64, tpu.core_type = #tpu.core_type<tc>, window_params = [{transform_indices = @transform_0, window_bounds = array<i64: 1024, 64>}, {transform_indices = @transform_1, window_bounds = array<i64: 2, 128, 8, 128>}, {transform_indices = @transform_2, window_bounds = array<i64: 1024, 64>}, {pipeline_mode = #tpu.pipeline_mode<synchronous>, transform_indices = @transform_3, window_bounds = array<i64: 64, 64>}, {pipeline_mode = #tpu.pipeline_mode<synchronous>, transform_indices = @transform_4, window_bounds = array<i64: 1, 64>}, {transform_indices = @transform_5, window_bounds = array<i64: 1024, 64>}]} {
    %get3A = arith.constant 0 : index
    %get3A_0 = arith.constant 0 : index
    %get3A_1 = vector.load %arg1[%get3A, %get3A_0] : memref<1024x64xf32, #tpu.memory_space<vmem>>, vector<1024x64xf32>
    %get3A_2 = arith.constant 0 : index
    %get3A_3 = arith.constant 0 : index
    %get3A_4 = arith.constant 0 : index
    %get3A_5 = arith.constant 0 : index
    %get3A_6 = vector.load %arg2[%get3A_2, %get3A_3, %get3A_4, %get3A_5] : memref<2x128x8x128xf32, #tpu.memory_space<vmem>>, vector<2x128x8x64xf32>
    %reshape3A = vector.shape_cast %get3A_6 : vector<2x128x8x64xf32> to vector<2x1024x64xf32>
    %slice3A = vector.extract_strided_slice %reshape3A {offsets = [0, 0, 0], sizes = [1, 1024, 64], strides = [1, 1, 1]} : vector<2x1024x64xf32> to vector<1x1024x64xf32>
    %squeeze3A = vector.shape_cast %slice3A : vector<1x1024x64xf32> to vector<1024x64xf32>
    %slice3A_7 = vector.extract_strided_slice %reshape3A {offsets = [1, 0, 0], sizes = [1, 1024, 64], strides = [1, 1, 1]} : vector<2x1024x64xf32> to vector<1x1024x64xf32>
    %squeeze3A_8 = vector.shape_cast %slice3A_7 : vector<1x1024x64xf32> to vector<1024x64xf32>
    %add3A = arith.addf %squeeze3A, %squeeze3A_8 : vector<1024x64xf32>
    %get3A_9 = arith.constant 0 : index
    %get3A_10 = arith.constant 0 : index
    %get3A_11 = vector.load %arg3[%get3A_9, %get3A_10] : memref<1024x64xf32, #tpu.memory_space<vmem>>, vector<1024x64xf32>
    %add3A_12 = arith.addf %add3A, %get3A_11 : vector<1024x64xf32>
    %mul3A = arith.mulf %get3A_1, %add3A_12 : vector<1024x64xf32>
    %get3A_13 = arith.constant 0 : index
    %get3A_14 = arith.constant 0 : index
    %get3A_15 = vector.load %arg5[%get3A_13, %get3A_14] : memref<1x64xf32, #tpu.memory_space<vmem>>, vector<1x64xf32>
    %add3A_16 = vector.broadcast %get3A_15 : vector<1x64xf32> to vector<1024x64xf32>
    %add3A_17 = arith.addf %mul3A, %add3A_16 : vector<1024x64xf32>
    %ge3A = arith.constant 0.000000e+00 : f32
    %ge3A_18 = vector.broadcast %ge3A : f32 to vector<1024x64xf32>
    %ge3A_19 = arith.cmpf oge, %add3A_17, %ge3A_18 : vector<1024x64xf32>
    %mul3A_20 = arith.constant 0.00999999977 : f32
    %mul3A_21 = vector.broadcast %mul3A_20 : f32 to vector<1024x64xf32>
    %mul3A_22 = arith.mulf %mul3A_21, %add3A_17 : vector<1024x64xf32>
    %select_n3A = arith.select %ge3A_19, %add3A_17, %mul3A_22 : vector<1024x64xi1>, vector<1024x64xf32>
    %get3A_23 = arith.constant 0 : index
    %get3A_24 = arith.constant 0 : index
    %get3A_25 = vector.load %arg4[%get3A_23, %get3A_24] : memref<64x64xf32, #tpu.memory_space<vmem>>, vector<64x64xf32>
    %dot_general3A = arith.constant dense<0.000000e+00> : vector<1024x64xf32>
    %dot_general3A_26 = tpu.matmul %select_n3A, %get3A_25, %dot_general3A {dimension_numbers = #tpu.dot_dimension_numbers<[1], [0], [0], [1], [0, 0, 1, 1], [], []>, transpose_lhs_hint = false} : vector<1024x64xf32>, vector<64x64xf32>, vector<1024x64xf32> -> vector<1024x64xf32>
    %mul3A_27 = arith.mulf %dot_general3A_26, %get3A_1 : vector<1024x64xf32>
    %swap3A = arith.constant 0 : index
    %swap3A_28 = arith.constant 0 : index
    %swap3A_29 = vector.load %arg6[%swap3A, %swap3A_28] : memref<1024x64xf32, #tpu.memory_space<vmem>>, vector<1024x64xf32>
    tpu.vector_store %arg6[%swap3A, %swap3A_28], %mul3A_27 {strides = array<i32>} : memref<1024x64xf32, #tpu.memory_space<vmem>>, vector<1024x64xf32>,
    return
  }
  func.func @transform_0(%arg0: i32) -> (i32, i32) {
    %c0_i32 = arith.constant 0 : i32
    %c0_i32_0 = arith.constant 0 : i32
    return %arg0, %c0_i32 : i32, i32
  }
  func.func @transform_1(%arg0: i32) -> (i32, i32, i32, i32) {
    %c0_i32 = arith.constant 0 : i32
    %c0_i32_0 = arith.constant 0 : i32
    %c0_i32_1 = arith.constant 0 : i32
    %c0_i32_2 = arith.constant 0 : i32
    return %c0_i32, %arg0, %c0_i32_0, %c0_i32_1 : i32, i32, i32, i32
  }
  func.func @transform_2(%arg0: i32) -> (i32, i32) {
    %c0_i32 = arith.constant 0 : i32
    %c0_i32_0 = arith.constant 0 : i32
    return %arg0, %c0_i32 : i32, i32
  }
  func.func @transform_3(%arg0: i32) -> (i32, i32) {
    %c0_i32 = arith.constant 0 : i32
    %c0_i32_0 = arith.constant 0 : i32
    %c0_i32_1 = arith.constant 0 : i32
    return %c0_i32, %c0_i32_0 : i32, i32
  }
  func.func @transform_4(%arg0: i32) -> (i32, i32) {
    %c0_i32 = arith.constant 0 : i32
    %c0_i32_0 = arith.constant 0 : i32
    %c0_i32_1 = arith.constant 0 : i32
    return %c0_i32, %c0_i32_0 : i32, i32
  }
  func.func @transform_5(%arg0: i32) -> (i32, i32) {
    %c0_i32 = arith.constant 0 : i32
    %c0_i32_0 = arith.constant 0 : i32
    return %arg0, %c0_i32 : i32, i32
  }
}

module attributes {stable_mosaic.version = 14 : i64} {
  func.func @_k3_body(%arg0: i32, %arg1: memref<1024x64xf32, #tpu.memory_space<vmem>>, %arg2: memref<2x128x8x128xf32, #tpu.memory_space<vmem>>, %arg3: memref<1024x64xf32, #tpu.memory_space<vmem>>, %arg4: memref<1x64xf32, #tpu.memory_space<vmem>>, %arg5: memref<1024x64xf32, #tpu.memory_space<vmem>>) attributes {dimension_semantics = [#tpu.dimension_semantics<parallel>], iteration_bounds = array<i64: 10>, scalar_prefetch = 0 : i64, scratch_operands = 0 : i64, tpu.core_type = #tpu.core_type<tc>, window_params = [{transform_indices = @transform_0, window_bounds = array<i64: 1024, 64>}, {transform_indices = @transform_1, window_bounds = array<i64: 2, 128, 8, 128>}, {transform_indices = @transform_2, window_bounds = array<i64: 1024, 64>}, {pipeline_mode = #tpu.pipeline_mode<synchronous>, transform_indices = @transform_3, window_bounds = array<i64: 1, 64>}, {transform_indices = @transform_4, window_bounds = array<i64: 1024, 64>}]} {
    %get3A = arith.constant 0 : index
    %get3A_0 = arith.constant 0 : index
    %get3A_1 = vector.load %arg1[%get3A, %get3A_0] : memref<1024x64xf32, #tpu.memory_space<vmem>>, vector<1024x64xf32>
    %get3A_2 = arith.constant 0 : index
    %get3A_3 = arith.constant 0 : index
    %get3A_4 = arith.constant 0 : index
    %get3A_5 = arith.constant 0 : index
    %get3A_6 = vector.load %arg2[%get3A_2, %get3A_3, %get3A_4, %get3A_5] : memref<2x128x8x128xf32, #tpu.memory_space<vmem>>, vector<2x128x8x64xf32>
    %reshape3A = vector.shape_cast %get3A_6 : vector<2x128x8x64xf32> to vector<2x1024x64xf32>
    %slice3A = vector.extract_strided_slice %reshape3A {offsets = [0, 0, 0], sizes = [1, 1024, 64], strides = [1, 1, 1]} : vector<2x1024x64xf32> to vector<1x1024x64xf32>
    %squeeze3A = vector.shape_cast %slice3A : vector<1x1024x64xf32> to vector<1024x64xf32>
    %slice3A_7 = vector.extract_strided_slice %reshape3A {offsets = [1, 0, 0], sizes = [1, 1024, 64], strides = [1, 1, 1]} : vector<2x1024x64xf32> to vector<1x1024x64xf32>
    %squeeze3A_8 = vector.shape_cast %slice3A_7 : vector<1x1024x64xf32> to vector<1024x64xf32>
    %add3A = arith.addf %squeeze3A, %squeeze3A_8 : vector<1024x64xf32>
    %get3A_9 = arith.constant 0 : index
    %get3A_10 = arith.constant 0 : index
    %get3A_11 = vector.load %arg3[%get3A_9, %get3A_10] : memref<1024x64xf32, #tpu.memory_space<vmem>>, vector<1024x64xf32>
    %add3A_12 = arith.addf %add3A, %get3A_11 : vector<1024x64xf32>
    %mul3A = arith.mulf %get3A_1, %add3A_12 : vector<1024x64xf32>
    %get3A_13 = arith.constant 0 : index
    %get3A_14 = arith.constant 0 : index
    %get3A_15 = vector.load %arg4[%get3A_13, %get3A_14] : memref<1x64xf32, #tpu.memory_space<vmem>>, vector<1x64xf32>
    %add3A_16 = vector.broadcast %get3A_15 : vector<1x64xf32> to vector<1024x64xf32>
    %add3A_17 = arith.addf %mul3A, %add3A_16 : vector<1024x64xf32>
    %ge3A = arith.constant 0.000000e+00 : f32
    %ge3A_18 = vector.broadcast %ge3A : f32 to vector<1024x64xf32>
    %ge3A_19 = arith.cmpf oge, %add3A_17, %ge3A_18 : vector<1024x64xf32>
    %mul3A_20 = arith.constant 0.00999999977 : f32
    %mul3A_21 = vector.broadcast %mul3A_20 : f32 to vector<1024x64xf32>
    %mul3A_22 = arith.mulf %mul3A_21, %add3A_17 : vector<1024x64xf32>
    %select_n3A = arith.select %ge3A_19, %add3A_17, %mul3A_22 : vector<1024x64xi1>, vector<1024x64xf32>
    %swap3A = arith.constant 0 : index
    %swap3A_23 = arith.constant 0 : index
    %swap3A_24 = vector.load %arg5[%swap3A, %swap3A_23] : memref<1024x64xf32, #tpu.memory_space<vmem>>, vector<1024x64xf32>
    tpu.vector_store %arg5[%swap3A, %swap3A_23], %select_n3A {strides = array<i32>} : memref<1024x64xf32, #tpu.memory_space<vmem>>, vector<1024x64xf32>,
    return
  }
  func.func @transform_0(%arg0: i32) -> (i32, i32) {
    %c0_i32 = arith.constant 0 : i32
    %c0_i32_0 = arith.constant 0 : i32
    return %arg0, %c0_i32 : i32, i32
  }
  func.func @transform_1(%arg0: i32) -> (i32, i32, i32, i32) {
    %c0_i32 = arith.constant 0 : i32
    %c0_i32_0 = arith.constant 0 : i32
    %c0_i32_1 = arith.constant 0 : i32
    %c0_i32_2 = arith.constant 0 : i32
    return %c0_i32, %arg0, %c0_i32_0, %c0_i32_1 : i32, i32, i32, i32
  }
  func.func @transform_2(%arg0: i32) -> (i32, i32) {
    %c0_i32 = arith.constant 0 : i32
    %c0_i32_0 = arith.constant 0 : i32
    return %arg0, %c0_i32 : i32, i32
  }
  func.func @transform_3(%arg0: i32) -> (i32, i32) {
    %c0_i32 = arith.constant 0 : i32
    %c0_i32_0 = arith.constant 0 : i32
    %c0_i32_1 = arith.constant 0 : i32
    return %c0_i32, %c0_i32_0 : i32, i32
  }
  func.func @transform_4(%arg0: i32) -> (i32, i32) {
    %c0_i32 = arith.constant 0 : i32
    %c0_i32_0 = arith.constant 0 : i32
    return %arg0, %c0_i32 : i32, i32
  }
}

</mosaic_0001>

<sc_bundles>
// kernel: kernel.12.cloned.1.call-start
scs
__scs_entry_jumppad:
0x0: {  	(pc) =	sbr.rel $0x88, $3  }
0x1: {  	(tag) =	ssettag $0x0;
	lr =	simm.s32 $0x1  }
0x2: {  	[smem:$0x3F9B] =	sst lr;
	_ =	strace $0xD0000000  }
0x3: {  	_ = 	snop  }
0x4: {  	_ = 	snop  }
0x5: {  	_ = 	snop  }
0x6: {  	_ = 	snop  }
0x7: {  	_ = 	snop  }
__scs_overlays_trampoline_lowered:
0x8: {  	[smem:$0x3FAA] =	sst s0  }
0x9: {  	[smem:$0x3FAB] =	sst s1  }
0xa: {  	[smem:$0x3FAC] =	sst s2  }
0xb: {  	[smem:$0x3FAD] =	sst s3  }
0xc: {  	[smem:$0x3FAE] =	sst s4  }
0xd: {  	[smem:$0x3FAF] =	sst s5  }
0xe: {  	[smem:$0x3FB0] =	sst s6  }
0xf: {  	[smem:$0x3FB1] =	sst s7  }
0x10: {  	[smem:$0x3FB2] =	sst s8  }
0x11: {  	[smem:$0x3FB3] =	sst s9;
	s0 =	simm.s32 @!p0 $0x0  }
0x12: {  	s1 =	sld [smem:$0x3F99];
	s0 =	simm.s32 @p0 $0x1  }
0x13: {  	[smem:$0x3FB4] =	sst s0;
	s0 =	simm.s32 @!p1 $0x0  }
0x14: {  	s2 =	sld [smem:$0x3F98];
	s0 =	simm.s32 @p1 $0x1  }
0x15: {  	[smem:$0x3FB5] =	sst s0;
	s0 =	simm.s32 @!p2 $0x0  }
0x16: {  	s3 =	sld [smem:$0x3FDB];
	s0 =	simm.s32 @p2 $0x1  }
0x17: {  	s4 =	simm.s32 $0x1BF5;
	[smem:$0x3FB7] =	sst s0  }
0x18: {  	s0 =	sld [smem:$0x3F9A];
	_ =	swait.ge [sflag:s4], $0x0  }
0x19: {  	s7 =	sld [smem:$0x3F9B]  }
0x1a: {  	s8 =	sadd.s32 $0xFFFFE003, lr  }
0x1b: {  	s9 =	sadd.s32 $0xFFFFFEF7, lr;
	s5 =	simm.s32 $0xFFFFFFFF;
	p2 =	slt.u32 s8, $0xFFFFF086  }
0x1c: {  	p1 =	slt.u32 s9, $0xF7A;
	s5 =	simm.s32 @!p2 $0x0  }
0x1d: {  	s5 =	simm.s32 @p1 $0x1;
	p0 =	seq.s32 s7, s2  }
0x1e: {  	s7 =	smul.u32 @!p0 $0xF7A, s2;
	p2 =	seq.s32 @!p0 s5, $0x0  }
0x1f: {  	s9 =	smul.u32 $0xF7A, s1;
	s8 =	simm.s32 @!p0 $0x1BF5;
	p2 =	por !p2, p0  }
0x20: {  	[sflag:s8] =	ssyncset.s32 @!p0 $0xFFFFF086;
	s6 =	sadd.s32 @!p0 s3, s7;
	s7 =	simm.s32 @!p0 $0x108  }
0x21: {  	s3 =	sadd.s32 s3, s9;
	s6 =	sadd.s32 @!p0 $0x88, s6;
	s7 =	simm.s32 @p2 $0x1082  }
0x22: {  	[simem:s7], [sflag:s8] =	dma.local @!p0 [hbm:s6], $0xF7A  }
0x23: {  	s9 =	sor.u32 $0xD0000000, s2;
	s6 =	simm.s32 $0x108;
	_ =	swait.ge @!p0 [sflag:s8], $0x0  }
0x24: {  	s3 =	sadd.s32 $0x88, s3;
	s6 =	simm.s32 @!p1 $0x1082;
	[sflag:s4] =	ssyncset.s32 $0xFFFFF086  }
0x25: {  	[simem:s6], [sflag:s4] =	dma.local [hbm:s3], $0xF7A  }
0x26: {  	[smem:$0x3F9B] =	sst s1;
	(tag) =	ssettag s2;
	_ =	strace s9  }
0x27: {  	s1 =	sld [smem:$0x3FAB]  }
0x28: {  	s2 =	sld [smem:$0x3FAC]  }
0x29: {  	s4 =	sld [smem:$0x3FAE]  }
0x2a: {  	p0 =	seq.s32 s5, $0x0;
	s5 =	sld [smem:$0x3FAF]  }
0x2b: {  	s6 =	sld [smem:$0x3FB0]  }
0x2c: {  	s7 =	sld [smem:$0x3FB1]  }
0x2d: {  	s3 =	simm.s32 $0x108;
	s8 =	sld [smem:$0x3FB2]  }
0x2e: {  	s3 =	simm.s32 @!p0 $0x1082;
	s9 =	sld [smem:$0x3FB3]  }
0x2f: {  	lr =	sadd.s32 s0, s3;
	s0 =	sld [smem:$0x3FAA]  }
0x30: {  	s3 =	sld [smem:$0x3FAD]  }
0x31: {  	[smem:$0x3FB6] =	sst s10  }
0x32: {  	s10 =	sld [smem:$0x3FB4];
	_ =	sdelay $0x3  }
0x33: {  	p0 =	seq.s32 s10, $0x1;
	s10 =	sld [smem:$0x3FB6];
	_ =	sdelay $0x3  }
0x34: {  	[smem:$0x3FB6] =	sst s10  }
0x35: {  	s10 =	sld [smem:$0x3FB5];
	_ =	sdelay $0x3  }
0x36: {  	p1 =	seq.s32 s10, $0x1;
	s10 =	sld [smem:$0x3FB6];
	_ =	sdelay $0x3  }
0x37: {  	[smem:$0x3FB6] =	sst s10  }
0x38: {  	s10 =	sld [smem:$0x3FB7]  }
0x39: {  	_ = 	snop;
	(pc) =	sbr.ind lr, $3  }
0x3a: {  	_ = 	snop  }
0x3b: {  	_ = 	snop  }
0x3c: {  	p2 =	seq.s32 s10, $0x1;
	s10 =	sld [smem:$0x3FB6]  }
0x3d: {  	_ =	shalt  }
0x3e: {  	_ =	shalt  }
0x3f: {  	_ =	shalt  }
0x40: {  	_ =	shalt  }
0x41: {  	_ =	shalt  }
0x42: {  	_ =	shalt  }
0x43: {  	_ =	shalt  }
0x44: {  	_ =	shalt  }
0x45: {  	_ =	shalt  }
0x46: {  	_ =	shalt  }
0x47: {  	_ =	shalt  }
0x48: {  	_ =	shalt  }
0x49: {  	_ =	shalt  }
0x4a: {  	_ =	shalt  }
0x4b: {  	_ =	shalt  }
0x4c: {  	_ =	shalt  }
0x4d: {  	_ =	shalt  }
0x4e: {  	_ =	shalt  }
0x4f: {  	_ =	shalt  }
0x50: {  	_ =	shalt  }
0x51: {  	_ =	shalt  }
0x52: {  	_ =	shalt  }
0x53: {  	_ =	shalt  }
0x54: {  	_ =	shalt  }
0x55: {  	_ =	shalt  }
0x56: {  	_ =	shalt  }
0x57: {  	_ =	shalt  }
0x58: {  	_ =	shalt  }
0x59: {  	_ =	shalt  }
0x5a: {  	_ =	shalt  }
0x5b: {  	_ =	shalt  }
0x5c: {  	_ =	shalt  }
0x5d: {  	_ =	shalt  }
0x5e: {  	_ =	shalt  }
0x5f: {  	_ =	shalt  }
0x60: {  	_ =	shalt  }
0x61: {  	_ =	shalt  }
0x62: {  	_ =	shalt  }
0x63: {  	_ =	shalt  }
0x64: {  	_ =	shalt  }
0x65: {  	_ =	shalt  }
0x66: {  	_ =	shalt  }
0x67: {  	_ =	shalt  }
0x68: {  	_ =	shalt  }
0x69: {  	_ =	shalt  }
0x6a: {  	_ =	shalt  }
0x6b: {  	_ =	shalt  }
0x6c: {  	_ =	shalt  }
0x6d: {  	_ =	shalt  }
0x6e: {  	_ =	shalt  }
0x6f: {  	_ =	shalt  }
0x70: {  	_ =	shalt  }
0x71: {  	_ =	shalt  }
0x72: {  	_ =	shalt  }
0x73: {  	_ =	shalt  }
0x74: {  	_ =	shalt  }
0x75: {  	_ =	shalt  }
0x76: {  	_ =	shalt  }
0x77: {  	_ =	shalt  }
0x78: {  	_ =	shalt  }
0x79: {  	_ =	shalt  }
0x7a: {  	_ =	shalt  }
0x7b: {  	_ =	shalt  }
0x7c: {  	_ =	shalt  }
0x7d: {  	_ =	shalt  }
0x7e: {  	_ =	shalt  }
0x7f: {  	_ =	shalt  }
0x80: {  	_ =	shalt  }
0x81: {  	_ =	shalt  }
0x82: {  	_ =	shalt  }
0x83: {  	_ =	shalt  }
0x84: {  	_ =	shalt  }
0x85: {  	_ =	shalt  }
0x86: {  	_ =	shalt  }
0x87: {  	_ =	shalt  }
.Lfunc_end0:
.L_simem_size_0:
called_computation.1_lowered:
.L_overlay_start_0:
0x88: {  	s2 =	sld [smem:$0x3FD9]  }
0x89: {  	s3 =	sld [smem:$0x3FFE];
	_ =	sdelay $0x1  }
0x8a: {  	s1 =	srdreg.scid  }
0x8b: {  	s0 =	sand.u32 $0x1, s1  }
0x8c: {  	s17 =	sshll.u32 s0, $0xA;
	s2 =	sadd.s32 s3, s2  }
0x8d: {  	s2 =	sadd.s32 s2, s17  }
0x8e: {  	[smem:$0x3FC2] =	sst s2  }
0x8f: {  	_ = 	snop  }
0x90: {  	s2 =	sld [smem:$0x3FD0];
	(tm) =	ssettm $0x1  }
0x91: {  	s18 =	sld [smem:$0x3FFB];
	_ =	sdelay $0x3  }
0x92: {  	_ =	strace s18  }
0x93: {  	s3 =	sld [smem:$0x3FFC];
	_ =	sdelay $0x3  }
0x94: {  	_ =	strace s3  }
0x95: {  	s3 =	sld [smem:$0x3FFD];
	_ =	sdelay $0x3  }
0x96: {  	_ =	strace s3  }
0x97: {  	_ =	strace $0x8FFFFFFF  }
0x98: {  	s19 =	sld [smem:$0x3FDB];
	_ =	sdelay $0x1  }
0x99: {  	s4 =	simm.s32 $_scs_section_size  }
0x9a: {  	s5 =	simm.s32 $_size__tile_overlayer_lowered;
	s6 =	simm.s32 $_tile_overlayer_lowered  }
0x9b: {  	s22 =	simm.s32 $0x1BFF;
	s21 =	sshll.u32 s6, $0x1;
	s3 =	sadd.s32 s4, s19  }
0x9c: {  	s7 =	simm.s32 $0x0;
	s20 =	sshll.u32 s5, $0x1;
	s5 =	sadd.s32 s21, s3  }
0x9d: {  	[timem:s7], [sflag:s22] =	dma.local [hbm:s5], s20  }
0x9e: {  	_ =	swait.ge [sflag:s22], s20  }
0x9f: {  	s4 =	ssub.s32 $0x0, s20;
	[sflag:s22] =	ssyncset.done $0x0  }
0xa0: {  	[sflag:s22] =	ssyncadd.s32 s4;
	_ =	sdelay $0x1  }
0xa1: {  	s23 =	simm.s32 $0x1B8B  }
0xa2: {  	_ =	swait.ge [sflag:s23], $0x1  }
0xa3: {  	[sflag:s23] =	ssyncset.done $0x0  }
0xa4: {  	s25 =	simm.s32 $0x1B8E;
	s24 =	sld [smem:$0x3FFE];
	[sflag:s23] =	ssyncadd.s32 $0xFFFFFFFF  }
0xa5: {  	s26 =	simm.s32 $execute0_lowered;
	[smem:$0x3FD2] =	sst s25  }
0xa6: {  	s5 =	sshll.u32 s26, $0x1;
	_ =	strace $0x80000049;
	[dreg:$0x1] =	wrdreg $0xFFFFFFFF  }
0xa7: {  	s28 =	simm.s32 $_size_execute0_lowered;
	s3 =	sadd.s32 s3, s5;
	[dreg:$0x0] =	wrdreg $0x0  }
0xa8: {  	s5 =	sshll.u32 s28, $0x1;
	[dreg:$0x2] =	wrdreg s3  }
0xa9: {  	[dreg:$0x3] =	wrdreg s5  }
0xaa: {  	[dreg:$0x4] =	wrdreg $0xC0  }
0xab: {  	_ =	task [dreg:s7], $0x5FFFF  }
0xac: {  	[dreg:$0x1] =	wrdreg $0xFFFFFFFF  }
0xad: {  	[dreg:$0x0] =	wrdreg $0x60  }
0xae: {  	[dreg:$0x2] =	wrdreg s24  }
0xaf: {  	[dreg:$0x3] =	wrdreg s2  }
0xb0: {  	[dreg:$0x4] =	wrdreg $0xD2200  }
0xb1: {  	[dreg:$0x5] =	wrdreg $0x9  }
0xb2: {  	_ =	task.clear_ibuf [dreg:s7], $0x6FFFF;
	_ =	strace $0x90000049  }
0xb3: {  	s29 =	simm.s32 $0x9;
	_ =	strace $0x8000004B  }
0xb4: {  	_ =	swait.ge [sflag:s29], $0x1  }
0xb5: {  	[sflag:s29] =	ssyncadd.s32 $0xFFFFFFFF  }
0xb6: {  	_ =	strace $0x9000004B  }
0xb7: {  	_ =	sfence  }
0xb8: {  	s30 =	sld [smem:$0x0];
	_ =	sdelay $0x2  }
0xb9: {  	s31 =	sshll.u32 s1, $0xD;
	s1 =	sshrl.u32 s1, $0x2  }
0xba: {  	s3 =	sand.u32 $0x4000, s31;
	s1 =	sadd.s32 s1, s30  }
0xbb: {  	s0 =	sor.u32 s3, s0;
	s1 =	sshll.u32 s1, $0x11  }
0xbc: {  	s0 =	sor.u32 s1, s0  }
0xbd: {  	s0 =	sadd.s32 $0x8F2B, s0  }
0xbe: {  	[sflag:s0] =	ssyncadd.remote.s32 $0x1  }
0xbf: {  	_ =	sfence.sel $0xFFFF  }
0xc0: {  	[dreg:$0x0] =	wrdreg $0xFFFFFFFF;
	(pc) =	sbr.abs _section_cstart, $3  }
0xc1: {  	[dreg:$0x1] =	wrdreg $0xFFFFFFFF  }
0xc2: {  	_ =	task.clear_ibuf [dreg:s7], $0x2FFFF;
	_ =	strace $0x9FFFFFFF  }
0xc3: {  	(tm) =	ssettm $0x7FFFFFFF  }
tec
execute0_lowered:
.L_overlay_start_1:
0x0: {  	(tag) =	ssettag $0x1  }
0x1: {  	s1 =	rddreg [dreg:$0x0]  }
0x2: {  	s3 =	rddreg [dreg:$0x1]  }
0x3: {  	s0 =	srdreg.scid;
	s2 =	rddreg [dreg:$0x2];
	s8 =	simm.s32 $0x0  }
0x4: {  	s15 =	simm.s32 $0xB220;
	s16 =	simm.s32 $0x7;
	s17 =	simm.s32 $0x6  }
0x5: {  	s18 =	simm.s32 $0x50;
	s19 =	simm.s32 $0x4E20;
	s20 =	simm.s32 $0x6220  }
0x6: {  	s28 =	simm.s32 $0x1;
	s29 =	simm.s32 $0x2;
	s5 =	sand.u32 $0x1, s0  }
0x7: {  	s30 =	simm.s32 $0x3;
	s0 =	stileid.u32;
	s4 =	smul.u32 $0x140000, s5  }
0x8: {  	s31 =	simm.s32 $0x4;
	[smem:$0x7FF] =	sst s8;
	s6 =	smul.u32 $0x14000, s0  }
0x9: {  	s7 =	sshll.u32 s0, $0x1;
	_ =	strace $0x8000004A;
	s23 =	smul.u32 $0x28000, s0  }
0xa: {  	s7 =	sor.u32 s5, s7;
	s5 =	ssub.s32 $0x2, s5;
	s4 =	sadd.s32 s6, s4  }
0xb: {  	s21 =	smul.u32 $0x2710, s7;
	s24 =	sshrl.u32 s5, $0x1;
	s8 =	sshrl.u32 s23, $0x2  }
0xc: {  	s23 =	simm.s32 $0x8;
	s22 =	sshrl.u32 s4, $0x3;
	s4 =	sadd.s32 $0x1E00, s1  }
0xd: {  	s12 =	ssub.s32 s5, s24;
	s24 =	simm.s32 $0x8A20;
	s1 =	sadd.s32 s22, s1  }
0xe: {  	s6 =	sshrl.u32 s21, $0x3;
	s12 =	smax.u32 s12, $0x1;
	s22 =	simm.s32 $0x7620  }
0xf: {  	s21 =	simm.s32 $0x10;
	s5 =	sadd.s32 s3, s6;
	s6 =	sadd.s32 s8, s2  }
0x10: {  	s13 =	sadd.s32 $0x15E00, s1;
	s1 =	simm.s32 $0x5;
	s3 =	sadd.s32 $0x9C40, s5  }
0x11: {  	s25 =	sadd.s32 $0x2000, s6;
	s26 =	sadd.s32 $0x4000, s6;
	[dreg:$0x4] =	wrdreg s3  }
0x12: {  	s10 =	sadd.s32 $0x6000, s6;
	s11 =	sadd.s32 $0x8000, s6;
	[dreg:$0x5] =	wrdreg s25  }
0x13: {  	v0 =	vimm.f32 $0.0e+00;
	[dreg:$0x6] =	wrdreg s26;
	s26 =	simm.s32 $0x9E20;
	s25 =	simm.s32 $0x0  }
.LBB2_1:
0x14: {  	s3 =	simm.s32 $0x0  }
0x15: {  	[tilespmem:s3], [sflag:$0x6] =	stream.linear.gather [hbm4b:s5+s3], $0x2710, $0x38;
	[tilespmem:$0x17220] =	vst v63  }
0x16: {  	s7 =	rddreg [dreg:$0x4];
	s8 =	simm.s32 $0x2710  }
0x17: {  	[tilespmem:s8], [sflag:$0x6] =	stream.linear.gather [hbm4b:s7+s3], $0x2710, $0x38;
	[tilespmem:$0x17220] =	vst v63  }
0x18: {  	s14 =	simm.s32 $0x100;
	s3 =	simm.s32 $0x0  }
.LBB2_2:
0x19: {  	p0 =	sne.s32 s14, $0x7F00;
	[tilespmem:s3+$0xB250] =	vst v0;
	s7 =	smov.u32 s14;
	s14 =	sadd.s32 $0x100, s14  }
.Ltmp0:
0x1a: {  	[tilespmem:s3+$0xB240] =	vst v0;
	(pc) =	sbr.rel @p0 .LBB2_2-.Ltmp0, $3  }
0x1b: {  	[tilespmem:s3+$0xB220] =	vst v0  }
0x1c: {  	[tilespmem:s3+$0xB230] =	vst v0;
	_ =	sdelay $0x1  }
0x1d: {  	s3 =	sshra.s32 s7, $0x2  }
0x1e: {  	[tilespmem:s3+$0xB250] =	vst v0  }
0x1f: {  	[tilespmem:s3+$0xB240] =	vst v0  }
0x20: {  	[tilespmem:s3+$0xB220] =	vst v0  }
0x21: {  	[tilespmem:s3+$0xB230] =	vst v0  }
0x22: {  	[spmem:s6] =	stream.linear.scatter [tilespmem:s15], [sflag:$0x7], $0x2000, $0x38;
	[tilespmem:$0x17220] =	vst v63  }
0x23: {  	_ =	swait.ge [sflag:s16], $0x2000  }
0x24: {  	[sflag:s16] =	ssyncset.done $0x0  }
0x25: {  	s8 =	rddreg [dreg:$0x5];
	[sflag:s16] =	ssyncadd.s32 $0xFFFFE000  }
0x26: {  	[spmem:s8] =	stream.linear.scatter [tilespmem:s15], [sflag:$0x7], $0x2000, $0x38;
	[tilespmem:$0x17220] =	vst v63  }
0x27: {  	_ =	swait.ge [sflag:s16], $0x2000  }
0x28: {  	[sflag:s16] =	ssyncset.done $0x0  }
0x29: {  	s9 =	rddreg [dreg:$0x6];
	[sflag:s16] =	ssyncadd.s32 $0xFFFFE000  }
0x2a: {  	[spmem:s9] =	stream.linear.scatter [tilespmem:s15], [sflag:$0x7], $0x2000, $0x38;
	[tilespmem:$0x17220] =	vst v63  }
0x2b: {  	_ =	swait.ge [sflag:s16], $0x2000  }
0x2c: {  	[sflag:s16] =	ssyncset.done $0x0  }
0x2d: {  	[sflag:s16] =	ssyncadd.s32 $0xFFFFE000  }
0x2e: {  	[spmem:s10] =	stream.linear.scatter [tilespmem:s15], [sflag:$0x7], $0x2000, $0x38;
	[tilespmem:$0x17220] =	vst v63  }
0x2f: {  	_ =	swait.ge [sflag:s16], $0x2000  }
0x30: {  	[sflag:s16] =	ssyncset.done $0x0  }
0x31: {  	[sflag:s16] =	ssyncadd.s32 $0xFFFFE000  }
0x32: {  	[spmem:s11] =	stream.linear.scatter [tilespmem:s15], [sflag:$0x7], $0x2000, $0x38;
	[tilespmem:$0x17220] =	vst v63  }
0x33: {  	_ =	swait.ge [sflag:s16], $0x2000  }
0x34: {  	[sflag:s16] =	ssyncset.done $0x0  }
0x35: {  	[sflag:s16] =	ssyncadd.s32 $0xFFFFE000  }
0x36: {  	_ =	swait.ge [sflag:s17], $0x2710  }
0x37: {  	[sflag:s17] =	ssyncset.done $0x0  }
0x38: {  	[sflag:s17] =	ssyncadd.s32 $0xFFFFD8F0  }
0x39: {  	_ =	swait.ge [sflag:s17], $0x2710  }
0x3a: {  	[sflag:s17] =	ssyncset.done $0x0  }
0x3b: {  	s14 =	simm.s32 $0x0;
	[sflag:s17] =	ssyncadd.s32 $0xFFFFD8F0  }
0x3c: {  	[tilespmem:s19], [sflag:$0x1] =	stream.indirect.gather [hbm4b:s4+s18], $0x40, s14, s18, $0xb8;
	[tilespmem:$0x17220] =	vst v63  }
0x3d: {  	_ = 	snop  }
0x3e: {  	[tilespmem:s20], [sflag:$0x2] =	stream.indirect.gather [hbm4b:s4+s18], $0x40, s18, s18, $0xb8;
	[tilespmem:$0x17220] =	vst v63  }
0x3f: {  	s7 =	simm.s32 $0xA0  }
0x40: {  	[tilespmem:s22], [sflag:$0x3] =	stream.indirect.gather [hbm4b:s4+s18], $0x40, s7, s18, $0xb8;
	[tilespmem:$0x17220] =	vst v63  }
0x41: {  	s8 =	simm.s32 $0xF0  }
0x42: {  	[tilespmem:s24], [sflag:$0x4] =	stream.indirect.gather [hbm4b:s4+s18], $0x40, s8, s18, $0xb8;
	[tilespmem:$0x17220] =	vst v63  }
0x43: {  	s9 =	simm.s32 $0x140  }
0x44: {  	[tilespmem:s26], [sflag:$0x5] =	stream.indirect.gather [hbm4b:s4+s18], $0x40, s9, s18, $0xb8;
	[tilespmem:$0x17220] =	vst v63  }
0x45: {  	[bflag:$0x0] =	sbarrier.arrive $0xFFFF  }
0x46: {  	_ =	swait.ge [sflag:s28], $0x1400  }
0x47: {  	[sflag:s28] =	ssyncset.done $0x0  }
0x48: {  	s14 =	simm.s32 $0x2710;
	[sflag:s28] =	ssyncadd.s32 $0xFFFFEC00  }
0x49: {  	[spmem:s2] =	stream.indirect.scatter.add.f32 [tilespmem:s19], [sflag:$0x7], $0x40, s14, s18, $0xb8;
	[tilespmem:$0x17220] =	vst v63  }
0x4a: {  	_ =	swait.ge [sflag:s16], $0x1400  }
0x4b: {  	[sflag:s16] =	ssyncset.done $0x0  }
0x4c: {  	s7 =	simm.s32 $0x190;
	[sflag:s16] =	ssyncadd.s32 $0xFFFFEC00  }
0x4d: {  	[tilespmem:s19], [sflag:$0x1] =	stream.indirect.gather [hbm4b:s4+s18], $0x40, s7, s18, $0xb8;
	[tilespmem:$0x17220] =	vst v63  }
0x4e: {  	_ =	swait.ge [sflag:s29], $0x1400  }
0x4f: {  	[sflag:s29] =	ssyncset.done $0x0  }
0x50: {  	s8 =	simm.s32 $0x2760;
	[sflag:s29] =	ssyncadd.s32 $0xFFFFEC00  }
0x51: {  	[spmem:s2] =	stream.indirect.scatter.add.f32 [tilespmem:s20], [sflag:$0x7], $0x40, s8, s18, $0xb8;
	[tilespmem:$0x17220] =	vst v63  }
0x52: {  	_ =	swait.ge [sflag:s16], $0x1400  }
0x53: {  	[sflag:s16] =	ssyncset.done $0x0  }
0x54: {  	s9 =	simm.s32 $0x1E0;
	[sflag:s16] =	ssyncadd.s32 $0xFFFFEC00  }
0x55: {  	[tilespmem:s20], [sflag:$0x2] =	stream.indirect.gather [hbm4b:s4+s18], $0x40, s9, s18, $0xb8;
	[tilespmem:$0x17220] =	vst v63  }
0x56: {  	_ =	swait.ge [sflag:s30], $0x1400  }
0x57: {  	[sflag:s30] =	ssyncset.done $0x0  }
0x58: {  	s14 =	simm.s32 $0x27B0;
	[sflag:s30] =	ssyncadd.s32 $0xFFFFEC00  }
0x59: {  	[spmem:s2] =	stream.indirect.scatter.add.f32 [tilespmem:s22], [sflag:$0x7], $0x40, s14, s18, $0xb8;
	[tilespmem:$0x17220] =	vst v63  }
0x5a: {  	_ =	swait.ge [sflag:s16], $0x1400  }
0x5b: {  	[sflag:s16] =	ssyncset.done $0x0  }
0x5c: {  	s7 =	simm.s32 $0x230;
	[sflag:s16] =	ssyncadd.s32 $0xFFFFEC00  }
0x5d: {  	[tilespmem:s22], [sflag:$0x3] =	stream.indirect.gather [hbm4b:s4+s18], $0x40, s7, s18, $0xb8;
	[tilespmem:$0x17220] =	vst v63  }
0x5e: {  	_ =	swait.ge [sflag:s31], $0x1400  }
0x5f: {  	[sflag:s31] =	ssyncset.done $0x0  }
0x60: {  	s8 =	simm.s32 $0x2800;
	[sflag:s31] =	ssyncadd.s32 $0xFFFFEC00  }
0x61: {  	[spmem:s2] =	stream.indirect.scatter.add.f32 [tilespmem:s24], [sflag:$0x7], $0x40, s8, s18, $0xb8;
	[tilespmem:$0x17220] =	vst v63  }
0x62: {  	_ =	swait.ge [sflag:s16], $0x1400  }
0x63: {  	[sflag:s16] =	ssyncset.done $0x0  }
0x64: {  	s9 =	simm.s32 $0x280;
	[sflag:s16] =	ssyncadd.s32 $0xFFFFEC00  }
0x65: {  	[tilespmem:s24], [sflag:$0x4] =	stream.indirect.gather [hbm4b:s4+s18], $0x40, s9, s18, $0xb8;
	[tilespmem:$0x17220] =	vst v63  }
0x66: {  	_ =	swait.ge [sflag:s1], $0x1400  }
0x67: {  	[sflag:s1] =	ssyncset.done $0x0  }
0x68: {  	s14 =	simm.s32 $0x2850;
	[sflag:s1] =	ssyncadd.s32 $0xFFFFEC00  }
0x69: {  	[spmem:s2] =	stream.indirect.scatter.add.f32 [tilespmem:s26], [sflag:$0x7], $0x40, s14, s18, $0xb8;
	[tilespmem:$0x17220] =	vst v63  }
0x6a: {  	_ =	swait.ge [sflag:s16], $0x1400  }
0x6b: {  	[sflag:s16] =	ssyncset.done $0x0  }
0x6c: {  	s3 =	simm.s32 $0x2D0;
	s14 =	simm.s32 $0x640;
	[sflag:s16] =	ssyncadd.s32 $0xFFFFEC00  }
.LBB2_4:
0x6d: {  	[tilespmem:s26], [sflag:$0x5] =	stream.indirect.gather [hbm4b:s4+s18], $0x40, s3, s18, $0xb8;
	[tilespmem:$0x17220] =	vst v63  }
0x6e: {  	s3 =	smov.u32 s14  }
0x6f: {  	p0 =	sne.s32 s14, $0x8FC0;
	s14 =	sadd.s32 $0x640, s14;
	_ =	swait.ge [sflag:s28], $0x1400  }
0x70: {  	s3 =	sshra.s32 s3, $0x2;
	[sflag:s28] =	ssyncset.done $0x0  }
0x71: {  	s7 =	sadd.s32 $0x2710, s3;
	[sflag:s28] =	ssyncadd.s32 $0xFFFFEC00  }
0x72: {  	[spmem:s2] =	stream.indirect.scatter.add.f32 [tilespmem:s19], [sflag:$0x7], $0x40, s7, s18, $0xb8;
	[tilespmem:$0x17220] =	vst v63  }
0x73: {  	_ =	swait.ge [sflag:s16], $0x1400  }
0x74: {  	[sflag:s16] =	ssyncset.done $0x0  }
0x75: {  	s7 =	sadd.s32 $0x190, s3;
	[sflag:s16] =	ssyncadd.s32 $0xFFFFEC00  }
0x76: {  	[tilespmem:s19], [sflag:$0x1] =	stream.indirect.gather [hbm4b:s4+s18], $0x40, s7, s18, $0xb8;
	[tilespmem:$0x17220] =	vst v63  }
0x77: {  	_ =	swait.ge [sflag:s29], $0x1400  }
0x78: {  	[sflag:s29] =	ssyncset.done $0x0  }
0x79: {  	s7 =	sadd.s32 $0x2760, s3;
	[sflag:s29] =	ssyncadd.s32 $0xFFFFEC00  }
0x7a: {  	[spmem:s2] =	stream.indirect.scatter.add.f32 [tilespmem:s20], [sflag:$0x7], $0x40, s7, s18, $0xb8;
	[tilespmem:$0x17220] =	vst v63  }
0x7b: {  	_ =	swait.ge [sflag:s16], $0x1400  }
0x7c: {  	[sflag:s16] =	ssyncset.done $0x0  }
0x7d: {  	s7 =	sadd.s32 $0x1E0, s3;
	[sflag:s16] =	ssyncadd.s32 $0xFFFFEC00  }
0x7e: {  	[tilespmem:s20], [sflag:$0x2] =	stream.indirect.gather [hbm4b:s4+s18], $0x40, s7, s18, $0xb8;
	[tilespmem:$0x17220] =	vst v63  }
0x7f: {  	_ =	swait.ge [sflag:s30], $0x1400  }
0x80: {  	[sflag:s30] =	ssyncset.done $0x0  }
0x81: {  	s7 =	sadd.s32 $0x27B0, s3;
	[sflag:s30] =	ssyncadd.s32 $0xFFFFEC00  }
0x82: {  	[spmem:s2] =	stream.indirect.scatter.add.f32 [tilespmem:s22], [sflag:$0x7], $0x40, s7, s18, $0xb8;
	[tilespmem:$0x17220] =	vst v63  }
0x83: {  	_ =	swait.ge [sflag:s16], $0x1400  }
0x84: {  	[sflag:s16] =	ssyncset.done $0x0  }
0x85: {  	s7 =	sadd.s32 $0x230, s3;
	[sflag:s16] =	ssyncadd.s32 $0xFFFFEC00  }
0x86: {  	[tilespmem:s22], [sflag:$0x3] =	stream.indirect.gather [hbm4b:s4+s18], $0x40, s7, s18, $0xb8;
	[tilespmem:$0x17220] =	vst v63  }
0x87: {  	_ =	swait.ge [sflag:s31], $0x1400  }
0x88: {  	[sflag:s31] =	ssyncset.done $0x0  }
0x89: {  	s7 =	sadd.s32 $0x2800, s3;
	[sflag:s31] =	ssyncadd.s32 $0xFFFFEC00  }
0x8a: {  	[spmem:s2] =	stream.indirect.scatter.add.f32 [tilespmem:s24], [sflag:$0x7], $0x40, s7, s18, $0xb8;
	[tilespmem:$0x17220] =	vst v63  }
0x8b: {  	_ =	swait.ge [sflag:s16], $0x1400  }
0x8c: {  	[sflag:s16] =	ssyncset.done $0x0  }
0x8d: {  	s7 =	sadd.s32 $0x280, s3;
	[sflag:s16] =	ssyncadd.s32 $0xFFFFEC00  }
0x8e: {  	[tilespmem:s24], [sflag:$0x4] =	stream.indirect.gather [hbm4b:s4+s18], $0x40, s7, s18, $0xb8;
	[tilespmem:$0x17220] =	vst v63  }
0x8f: {  	_ =	swait.ge [sflag:s1], $0x1400  }
0x90: {  	[sflag:s1] =	ssyncset.done $0x0  }
.Ltmp1:
0x91: {  	s7 =	sadd.s32 $0x2850, s3;
	[sflag:s1] =	ssyncadd.s32 $0xFFFFEC00;
	(pc) =	sbr.rel @p0 .LBB2_4-.Ltmp1, $4  }
0x92: {  	[spmem:s2] =	stream.indirect.scatter.add.f32 [tilespmem:s26], [sflag:$0x7], $0x40, s7, s18, $0xb8;
	[tilespmem:$0x17220] =	vst v63  }
0x93: {  	_ =	swait.ge [sflag:s16], $0x1400  }
0x94: {  	[sflag:s16] =	ssyncset.done $0x0  }
0x95: {  	s3 =	sadd.s32 $0x2D0, s3;
	[sflag:s16] =	ssyncadd.s32 $0xFFFFEC00  }
0x96: {  	[tilespmem:s26], [sflag:$0x5] =	stream.indirect.gather [hbm4b:s4+s18], $0x40, s3, s18, $0xb8;
	[tilespmem:$0x17220] =	vst v63  }
0x97: {  	_ =	swait.ge [sflag:s28], $0x1400  }
0x98: {  	[sflag:s28] =	ssyncset.done $0x0  }
0x99: {  	s14 =	simm.s32 $0x4C90;
	[sflag:s28] =	ssyncadd.s32 $0xFFFFEC00  }
0x9a: {  	[spmem:s2] =	stream.indirect.scatter.add.f32 [tilespmem:s19], [sflag:$0x7], $0x40, s14, s18, $0xb8;
	[tilespmem:$0x17220] =	vst v63  }
0x9b: {  	_ =	swait.ge [sflag:s16], $0x1400  }
0x9c: {  	[sflag:s16] =	ssyncset.done $0x0  }
0x9d: {  	[sflag:s16] =	ssyncadd.s32 $0xFFFFEC00  }
0x9e: {  	_ =	swait.ge [sflag:s29], $0x1400  }
0x9f: {  	[sflag:s29] =	ssyncset.done $0x0  }
0xa0: {  	s7 =	simm.s32 $0x4CE0;
	[sflag:s29] =	ssyncadd.s32 $0xFFFFEC00  }
0xa1: {  	[spmem:s2] =	stream.indirect.scatter.add.f32 [tilespmem:s20], [sflag:$0x7], $0x40, s7, s18, $0xb8;
	[tilespmem:$0x17220] =	vst v63  }
0xa2: {  	_ =	swait.ge [sflag:s16], $0x1400  }
0xa3: {  	[sflag:s16] =	ssyncset.done $0x0  }
0xa4: {  	[sflag:s16] =	ssyncadd.s32 $0xFFFFEC00  }
0xa5: {  	_ =	swait.ge [sflag:s30], $0x1400  }
0xa6: {  	[sflag:s30] =	ssyncset.done $0x0  }
0xa7: {  	s8 =	simm.s32 $0x4D30;
	[sflag:s30] =	ssyncadd.s32 $0xFFFFEC00  }
0xa8: {  	[spmem:s2] =	stream.indirect.scatter.add.f32 [tilespmem:s22], [sflag:$0x7], $0x40, s8, s18, $0xb8;
	[tilespmem:$0x17220] =	vst v63  }
0xa9: {  	_ =	swait.ge [sflag:s16], $0x1400  }
0xaa: {  	[sflag:s16] =	ssyncset.done $0x0  }
0xab: {  	[sflag:s16] =	ssyncadd.s32 $0xFFFFEC00  }
0xac: {  	_ =	swait.ge [sflag:s31], $0x1400  }
0xad: {  	[sflag:s31] =	ssyncset.done $0x0  }
0xae: {  	s9 =	simm.s32 $0x4D80;
	[sflag:s31] =	ssyncadd.s32 $0xFFFFEC00  }
0xaf: {  	[spmem:s2] =	stream.indirect.scatter.add.f32 [tilespmem:s24], [sflag:$0x7], $0x40, s9, s18, $0xb8;
	[tilespmem:$0x17220] =	vst v63  }
0xb0: {  	_ =	swait.ge [sflag:s16], $0x1400  }
0xb1: {  	[sflag:s16] =	ssyncset.done $0x0  }
0xb2: {  	[sflag:s16] =	ssyncadd.s32 $0xFFFFEC00  }
0xb3: {  	_ =	swait.ge [sflag:s1], $0x1400  }
0xb4: {  	[sflag:s1] =	ssyncset.done $0x0  }
0xb5: {  	s14 =	simm.s32 $0x4DD0;
	[sflag:s1] =	ssyncadd.s32 $0xFFFFEC00  }
0xb6: {  	[spmem:s2] =	stream.indirect.scatter.add.f32 [tilespmem:s26], [sflag:$0x7], $0x40, s14, s18, $0xb8;
	[tilespmem:$0x17220] =	vst v63  }
0xb7: {  	_ =	swait.ge [sflag:s16], $0x1400  }
0xb8: {  	[sflag:s16] =	ssyncset.done $0x0  }
0xb9: {  	[sflag:s16] =	ssyncadd.s32 $0xFFFFEC00  }
0xba: {  	s3 =	simm.s32 $0x0;
	s14 =	smov.u32 s6;
	[bflag:$0x0] =	sbarrier.arrive $0xFFFF  }
.LBB2_6:
0xbb: {  	p0 =	sne.s32 s3, $0x2780  }
.Ltmp2:
0xbc: {  	_ = 	snop;
	(pc) =	sbr.rel @p0 .LBB2_6-.Ltmp2, $4  }
0xbd: {  	_ = 	snop  }
0xbe: {  	s7 =	sshll.u32 s0, $0x6;
	s8 =	sadd.s32 s3, s13;
	s9 =	sshrl.u32 s14, $0x3  }
0xbf: {  	s14 =	sadd.s32 $0x200, s14;
	s3 =	sadd.s32 $0x80, s3;
	s7 =	sor.u32 $0x1C06, s7  }
0xc0: {  	[hbm:s8@s21], [sflag:s7] =	dma.strided [spmem:s9@s23], $0x40, s28, $0x8   }
0xc1: {  	_ =	swait.ge [sflag:s17], $0x40  }
0xc2: {  	s3 =	simm.s32 $0x4F;
	[sflag:s17] =	ssyncset.done $0x0  }
.LBB2_8:
0xc3: {  	p0 =	sne.s32 s3, $0x1;
	s3 =	sadd.s32 $0xFFFFFFFF, s3;
	[sflag:s17] =	ssyncadd.s32 $0xFFFFFFC0  }
.Ltmp3:
0xc4: {  	(pc) =	sbr.rel @p0 .LBB2_8-.Ltmp3, $3  }
0xc5: {  	_ =	sdelay $0x1  }
0xc6: {  	_ =	swait.ge [sflag:s17], $0x40  }
0xc7: {  	[sflag:s17] =	ssyncset.done $0x0  }
0xc8: {  	s25 =	sadd.s32 $0x1, s25  }
0xc9: {  	p0 =	sne.s32 s25, s12  }
.Ltmp4:
0xca: {  	_ = 	snop;
	(pc) =	sbr.rel @p0 .LBB2_1-.Ltmp4, $2  }
0xcb: {  	_ =	sdelay $0x2  }
0xcc: {  	[sflag:s17] =	ssyncadd.s32 $0xFFFFFFC0  }
0xcd: {  	_ =	sfence.sel $0x180000  }
0xce: {  	[bflag:$0x0] =	sbarrier.arrive $0xFFFF  }
0xcf: {  	_ =	strace $0x9000004A  }
0xd0: {  	[bflag:$0x2] =	sbarrier.arrive $0xFFFF  }
0xd1: {  	p0 =	sne.s32 s0, $0x0;
	s0 =	rddreg [dreg:$0x3]  }
0xd2: {  	s0 =	sadd.s32 @!p0 $0x100000, s0  }
0xd3: {  	[sflag:s0] =	ssyncadd.tile.s32 @!p0 $0x1;
	_ =	shalt  }
.Lfunc_end2:
_tile_overlayer_lowered:
.L_overlay_start_2:
0xd4: {  	(tag) =	ssettag $0x2  }
0xd5: {  	s0 =	rddreg [dreg:$0x0];
	s2 =	stileid.u32  }
0xd6: {  	s1 =	rddreg [dreg:$0x1];
	p0 =	sne.s32 s2, $0x0  }
0xd7: {  	s3 =	rddreg [dreg:$0x2];
	[bflag:$0x3] =	sbarrier.arrive $0xFFFF;
	s2 =	simm.s32 @!p0 $0x1C07  }
0xd8: {  	[timem:s3], [sflag:s2] =	dma.local @!p0 [hbm:s0], s1  }
0xd9: {  	s0 =	simm.s32 @!p0 $0x7  }
0xda: {  	_ =	swait.ge @!p0 [sflag:s0], s1  }
0xdb: {  	s1 =	ssub.s32 @!p0 $0x0, s1;
	[sflag:s0] =	ssyncset.done @!p0 $0x0  }
0xdc: {  	[sflag:s0] =	ssyncadd.s32 @!p0 s1  }
0xdd: {  	[bflag:$0x3] =	sbarrier.arrive $0xFFFF  }
0xde: {  	_ =	shalt  }

// kernel: kernel.15.cloned.1.call-start
scs
__scs_entry_jumppad:
0x0: {  	(pc) =	sbr.rel $0x88, $3  }
0x1: {  	(tag) =	ssettag $0x0;
	lr =	simm.s32 $0x1  }
0x2: {  	[smem:$0x3F9B] =	sst lr;
	_ =	strace $0xD0000000  }
0x3: {  	_ = 	snop  }
0x4: {  	_ = 	snop  }
0x5: {  	_ = 	snop  }
0x6: {  	_ = 	snop  }
0x7: {  	_ = 	snop  }
__scs_overlays_trampoline_lowered:
0x8: {  	[smem:$0x3FAA] =	sst s0  }
0x9: {  	[smem:$0x3FAB] =	sst s1  }
0xa: {  	[smem:$0x3FAC] =	sst s2  }
0xb: {  	[smem:$0x3FAD] =	sst s3  }
0xc: {  	[smem:$0x3FAE] =	sst s4  }
0xd: {  	[smem:$0x3FAF] =	sst s5  }
0xe: {  	[smem:$0x3FB0] =	sst s6  }
0xf: {  	[smem:$0x3FB1] =	sst s7  }
0x10: {  	[smem:$0x3FB2] =	sst s8  }
0x11: {  	[smem:$0x3FB3] =	sst s9;
	s0 =	simm.s32 @!p0 $0x0  }
0x12: {  	s1 =	sld [smem:$0x3F99];
	s0 =	simm.s32 @p0 $0x1  }
0x13: {  	[smem:$0x3FB4] =	sst s0;
	s0 =	simm.s32 @!p1 $0x0  }
0x14: {  	s2 =	sld [smem:$0x3F98];
	s0 =	simm.s32 @p1 $0x1  }
0x15: {  	[smem:$0x3FB5] =	sst s0;
	s0 =	simm.s32 @!p2 $0x0  }
0x16: {  	s3 =	sld [smem:$0x3FDB];
	s0 =	simm.s32 @p2 $0x1  }
0x17: {  	s4 =	simm.s32 $0x1BF5;
	[smem:$0x3FB7] =	sst s0  }
0x18: {  	s0 =	sld [smem:$0x3F9A];
	_ =	swait.ge [sflag:s4], $0x0  }
0x19: {  	s7 =	sld [smem:$0x3F9B]  }
0x1a: {  	s8 =	sadd.s32 $0xFFFFE003, lr  }
0x1b: {  	s9 =	sadd.s32 $0xFFFFFEF7, lr;
	s5 =	simm.s32 $0xFFFFFFFF;
	p2 =	slt.u32 s8, $0xFFFFF086  }
0x1c: {  	p1 =	slt.u32 s9, $0xF7A;
	s5 =	simm.s32 @!p2 $0x0  }
0x1d: {  	s5 =	simm.s32 @p1 $0x1;
	p0 =	seq.s32 s7, s2  }
0x1e: {  	s7 =	smul.u32 @!p0 $0xF7A, s2;
	p2 =	seq.s32 @!p0 s5, $0x0  }
0x1f: {  	s9 =	smul.u32 $0xF7A, s1;
	s8 =	simm.s32 @!p0 $0x1BF5;
	p2 =	por !p2, p0  }
0x20: {  	[sflag:s8] =	ssyncset.s32 @!p0 $0xFFFFF086;
	s6 =	sadd.s32 @!p0 s3, s7;
	s7 =	simm.s32 @!p0 $0x108  }
0x21: {  	s3 =	sadd.s32 s3, s9;
	s6 =	sadd.s32 @!p0 $0x88, s6;
	s7 =	simm.s32 @p2 $0x1082  }
0x22: {  	[simem:s7], [sflag:s8] =	dma.local @!p0 [hbm:s6], $0xF7A  }
0x23: {  	s9 =	sor.u32 $0xD0000000, s2;
	s6 =	simm.s32 $0x108;
	_ =	swait.ge @!p0 [sflag:s8], $0x0  }
0x24: {  	s3 =	sadd.s32 $0x88, s3;
	s6 =	simm.s32 @!p1 $0x1082;
	[sflag:s4] =	ssyncset.s32 $0xFFFFF086  }
0x25: {  	[simem:s6], [sflag:s4] =	dma.local [hbm:s3], $0xF7A  }
0x26: {  	[smem:$0x3F9B] =	sst s1;
	(tag) =	ssettag s2;
	_ =	strace s9  }
0x27: {  	s1 =	sld [smem:$0x3FAB]  }
0x28: {  	s2 =	sld [smem:$0x3FAC]  }
0x29: {  	s4 =	sld [smem:$0x3FAE]  }
0x2a: {  	p0 =	seq.s32 s5, $0x0;
	s5 =	sld [smem:$0x3FAF]  }
0x2b: {  	s6 =	sld [smem:$0x3FB0]  }
0x2c: {  	s7 =	sld [smem:$0x3FB1]  }
0x2d: {  	s3 =	simm.s32 $0x108;
	s8 =	sld [smem:$0x3FB2]  }
0x2e: {  	s3 =	simm.s32 @!p0 $0x1082;
	s9 =	sld [smem:$0x3FB3]  }
0x2f: {  	lr =	sadd.s32 s0, s3;
	s0 =	sld [smem:$0x3FAA]  }
0x30: {  	s3 =	sld [smem:$0x3FAD]  }
0x31: {  	[smem:$0x3FB6] =	sst s10  }
0x32: {  	s10 =	sld [smem:$0x3FB4];
	_ =	sdelay $0x3  }
0x33: {  	p0 =	seq.s32 s10, $0x1;
	s10 =	sld [smem:$0x3FB6];
	_ =	sdelay $0x3  }
0x34: {  	[smem:$0x3FB6] =	sst s10  }
0x35: {  	s10 =	sld [smem:$0x3FB5];
	_ =	sdelay $0x3  }
0x36: {  	p1 =	seq.s32 s10, $0x1;
	s10 =	sld [smem:$0x3FB6];
	_ =	sdelay $0x3  }
0x37: {  	[smem:$0x3FB6] =	sst s10  }
0x38: {  	s10 =	sld [smem:$0x3FB7]  }
0x39: {  	_ = 	snop;
	(pc) =	sbr.ind lr, $3  }
0x3a: {  	_ = 	snop  }
0x3b: {  	_ = 	snop  }
0x3c: {  	p2 =	seq.s32 s10, $0x1;
	s10 =	sld [smem:$0x3FB6]  }
0x3d: {  	_ =	shalt  }
0x3e: {  	_ =	shalt  }
0x3f: {  	_ =	shalt  }
0x40: {  	_ =	shalt  }
0x41: {  	_ =	shalt  }
0x42: {  	_ =	shalt  }
0x43: {  	_ =	shalt  }
0x44: {  	_ =	shalt  }
0x45: {  	_ =	shalt  }
0x46: {  	_ =	shalt  }
0x47: {  	_ =	shalt  }
0x48: {  	_ =	shalt  }
0x49: {  	_ =	shalt  }
0x4a: {  	_ =	shalt  }
0x4b: {  	_ =	shalt  }
0x4c: {  	_ =	shalt  }
0x4d: {  	_ =	shalt  }
0x4e: {  	_ =	shalt  }
0x4f: {  	_ =	shalt  }
0x50: {  	_ =	shalt  }
0x51: {  	_ =	shalt  }
0x52: {  	_ =	shalt  }
0x53: {  	_ =	shalt  }
0x54: {  	_ =	shalt  }
0x55: {  	_ =	shalt  }
0x56: {  	_ =	shalt  }
0x57: {  	_ =	shalt  }
0x58: {  	_ =	shalt  }
0x59: {  	_ =	shalt  }
0x5a: {  	_ =	shalt  }
0x5b: {  	_ =	shalt  }
0x5c: {  	_ =	shalt  }
0x5d: {  	_ =	shalt  }
0x5e: {  	_ =	shalt  }
0x5f: {  	_ =	shalt  }
0x60: {  	_ =	shalt  }
0x61: {  	_ =	shalt  }
0x62: {  	_ =	shalt  }
0x63: {  	_ =	shalt  }
0x64: {  	_ =	shalt  }
0x65: {  	_ =	shalt  }
0x66: {  	_ =	shalt  }
0x67: {  	_ =	shalt  }
0x68: {  	_ =	shalt  }
0x69: {  	_ =	shalt  }
0x6a: {  	_ =	shalt  }
0x6b: {  	_ =	shalt  }
0x6c: {  	_ =	shalt  }
0x6d: {  	_ =	shalt  }
0x6e: {  	_ =	shalt  }
0x6f: {  	_ =	shalt  }
0x70: {  	_ =	shalt  }
0x71: {  	_ =	shalt  }
0x72: {  	_ =	shalt  }
0x73: {  	_ =	shalt  }
0x74: {  	_ =	shalt  }
0x75: {  	_ =	shalt  }
0x76: {  	_ =	shalt  }
0x77: {  	_ =	shalt  }
0x78: {  	_ =	shalt  }
0x79: {  	_ =	shalt  }
0x7a: {  	_ =	shalt  }
0x7b: {  	_ =	shalt  }
0x7c: {  	_ =	shalt  }
0x7d: {  	_ =	shalt  }
0x7e: {  	_ =	shalt  }
0x7f: {  	_ =	shalt  }
0x80: {  	_ =	shalt  }
0x81: {  	_ =	shalt  }
0x82: {  	_ =	shalt  }
0x83: {  	_ =	shalt  }
0x84: {  	_ =	shalt  }
0x85: {  	_ =	shalt  }
0x86: {  	_ =	shalt  }
0x87: {  	_ =	shalt  }
.Lfunc_end0:
.L_simem_size_0:
called_computation.2_lowered:
.L_overlay_start_0:
0x88: {  	s2 =	sld [smem:$0x3FD9]  }
0x89: {  	s3 =	sld [smem:$0x3FFE];
	_ =	sdelay $0x1  }
0x8a: {  	s1 =	srdreg.scid  }
0x8b: {  	s0 =	sand.u32 $0x1, s1  }
0x8c: {  	s17 =	sshll.u32 s0, $0xA;
	s2 =	sadd.s32 s3, s2  }
0x8d: {  	s2 =	sadd.s32 s2, s17  }
0x8e: {  	[smem:$0x3FC2] =	sst s2  }
0x8f: {  	_ = 	snop  }
0x90: {  	s2 =	sld [smem:$0x3FD0];
	(tm) =	ssettm $0x1  }
0x91: {  	s18 =	sld [smem:$0x3FFB];
	_ =	sdelay $0x3  }
0x92: {  	_ =	strace s18  }
0x93: {  	s3 =	sld [smem:$0x3FFC];
	_ =	sdelay $0x3  }
0x94: {  	_ =	strace s3  }
0x95: {  	s3 =	sld [smem:$0x3FFD];
	_ =	sdelay $0x3  }
0x96: {  	_ =	strace s3  }
0x97: {  	_ =	strace $0x8FFFFFFF  }
0x98: {  	s19 =	sld [smem:$0x3FDB];
	_ =	sdelay $0x1  }
0x99: {  	s4 =	simm.s32 $_scs_section_size  }
0x9a: {  	s5 =	simm.s32 $_size__tile_overlayer_lowered;
	s6 =	simm.s32 $_tile_overlayer_lowered  }
0x9b: {  	s22 =	simm.s32 $0x1BFF;
	s21 =	sshll.u32 s6, $0x1;
	s3 =	sadd.s32 s4, s19  }
0x9c: {  	s7 =	simm.s32 $0x0;
	s20 =	sshll.u32 s5, $0x1;
	s5 =	sadd.s32 s21, s3  }
0x9d: {  	[timem:s7], [sflag:s22] =	dma.local [hbm:s5], s20  }
0x9e: {  	_ =	swait.ge [sflag:s22], s20  }
0x9f: {  	s4 =	ssub.s32 $0x0, s20;
	[sflag:s22] =	ssyncset.done $0x0  }
0xa0: {  	[sflag:s22] =	ssyncadd.s32 s4;
	_ =	sdelay $0x1  }
0xa1: {  	s23 =	simm.s32 $0x1B8B  }
0xa2: {  	_ =	swait.ge [sflag:s23], $0x1  }
0xa3: {  	[sflag:s23] =	ssyncset.done $0x0  }
0xa4: {  	s25 =	simm.s32 $0x1B8E;
	s24 =	sld [smem:$0x3FFE];
	[sflag:s23] =	ssyncadd.s32 $0xFFFFFFFF  }
0xa5: {  	s26 =	simm.s32 $execute0_lowered;
	[smem:$0x3FD2] =	sst s25  }
0xa6: {  	s5 =	sshll.u32 s26, $0x1;
	_ =	strace $0x8000004C;
	[dreg:$0x1] =	wrdreg $0xFFFFFFFF  }
0xa7: {  	s28 =	simm.s32 $_size_execute0_lowered;
	s3 =	sadd.s32 s3, s5;
	[dreg:$0x0] =	wrdreg $0x0  }
0xa8: {  	s5 =	sshll.u32 s28, $0x1;
	[dreg:$0x2] =	wrdreg s3  }
0xa9: {  	[dreg:$0x3] =	wrdreg s5  }
0xaa: {  	[dreg:$0x4] =	wrdreg $0xC0  }
0xab: {  	_ =	task [dreg:s7], $0x5FFFF  }
0xac: {  	[dreg:$0x1] =	wrdreg $0xFFFFFFFF  }
0xad: {  	[dreg:$0x0] =	wrdreg $0x60  }
0xae: {  	[dreg:$0x2] =	wrdreg s24  }
0xaf: {  	[dreg:$0x3] =	wrdreg s2  }
0xb0: {  	[dreg:$0x4] =	wrdreg $0xD2200  }
0xb1: {  	[dreg:$0x5] =	wrdreg $0x9  }
0xb2: {  	_ =	task.clear_ibuf [dreg:s7], $0x6FFFF;
	_ =	strace $0x9000004C  }
0xb3: {  	s29 =	simm.s32 $0x9;
	_ =	strace $0x8000004E  }
0xb4: {  	_ =	swait.ge [sflag:s29], $0x1  }
0xb5: {  	[sflag:s29] =	ssyncadd.s32 $0xFFFFFFFF  }
0xb6: {  	_ =	strace $0x9000004E  }
0xb7: {  	_ =	sfence  }
0xb8: {  	s30 =	sld [smem:$0x0];
	_ =	sdelay $0x2  }
0xb9: {  	s31 =	sshll.u32 s1, $0xD;
	s1 =	sshrl.u32 s1, $0x2  }
0xba: {  	s3 =	sand.u32 $0x4000, s31;
	s1 =	sadd.s32 s1, s30  }
0xbb: {  	s0 =	sor.u32 s3, s0;
	s1 =	sshll.u32 s1, $0x11  }
0xbc: {  	s0 =	sor.u32 s1, s0  }
0xbd: {  	s0 =	sadd.s32 $0x8F2B, s0  }
0xbe: {  	[sflag:s0] =	ssyncadd.remote.s32 $0x1  }
0xbf: {  	_ =	sfence.sel $0xFFFF  }
0xc0: {  	[dreg:$0x0] =	wrdreg $0xFFFFFFFF;
	(pc) =	sbr.abs _section_cstart, $3  }
0xc1: {  	[dreg:$0x1] =	wrdreg $0xFFFFFFFF  }
0xc2: {  	_ =	task.clear_ibuf [dreg:s7], $0x2FFFF;
	_ =	strace $0x9FFFFFFF  }
0xc3: {  	(tm) =	ssettm $0x7FFFFFFF  }
tec
execute0_lowered:
.L_overlay_start_1:
0x0: {  	(tag) =	ssettag $0x1  }
0x1: {  	s1 =	rddreg [dreg:$0x0]  }
0x2: {  	s3 =	rddreg [dreg:$0x1]  }
0x3: {  	s0 =	srdreg.scid;
	s2 =	rddreg [dreg:$0x2];
	s8 =	simm.s32 $0x0  }
0x4: {  	s15 =	simm.s32 $0xB220;
	s16 =	simm.s32 $0x7;
	s17 =	simm.s32 $0x6  }
0x5: {  	s18 =	simm.s32 $0x50;
	s19 =	simm.s32 $0x4E20;
	s20 =	simm.s32 $0x6220  }
0x6: {  	s28 =	simm.s32 $0x1;
	s29 =	simm.s32 $0x2;
	s5 =	sand.u32 $0x1, s0  }
0x7: {  	s30 =	simm.s32 $0x3;
	s0 =	stileid.u32;
	s4 =	smul.u32 $0x140000, s5  }
0x8: {  	s31 =	simm.s32 $0x4;
	[smem:$0x7FF] =	sst s8;
	s6 =	smul.u32 $0x14000, s0  }
0x9: {  	s7 =	sshll.u32 s0, $0x1;
	_ =	strace $0x8000004D;
	s23 =	smul.u32 $0x28000, s0  }
0xa: {  	s7 =	sor.u32 s5, s7;
	s5 =	ssub.s32 $0x2, s5;
	s4 =	sadd.s32 s6, s4  }
0xb: {  	s21 =	smul.u32 $0x2710, s7;
	s24 =	sshrl.u32 s5, $0x1;
	s8 =	sshrl.u32 s23, $0x2  }
0xc: {  	s23 =	simm.s32 $0x8;
	s22 =	sshrl.u32 s4, $0x3;
	s4 =	sadd.s32 $0x1E00, s1  }
0xd: {  	s12 =	ssub.s32 s5, s24;
	s24 =	simm.s32 $0x8A20;
	s1 =	sadd.s32 s22, s1  }
0xe: {  	s6 =	sshrl.u32 s21, $0x3;
	s12 =	smax.u32 s12, $0x1;
	s22 =	simm.s32 $0x7620  }
0xf: {  	s21 =	simm.s32 $0x10;
	s5 =	sadd.s32 s3, s6;
	s6 =	sadd.s32 s8, s2  }
0x10: {  	s13 =	sadd.s32 $0x15E00, s1;
	s1 =	simm.s32 $0x5;
	s3 =	sadd.s32 $0x9C40, s5  }
0x11: {  	s25 =	sadd.s32 $0x2000, s6;
	s26 =	sadd.s32 $0x4000, s6;
	[dreg:$0x4] =	wrdreg s3  }
0x12: {  	s10 =	sadd.s32 $0x6000, s6;
	s11 =	sadd.s32 $0x8000, s6;
	[dreg:$0x5] =	wrdreg s25  }
0x13: {  	v0 =	vimm.f32 $0.0e+00;
	[dreg:$0x6] =	wrdreg s26;
	s26 =	simm.s32 $0x9E20;
	s25 =	simm.s32 $0x0  }
.LBB2_1:
0x14: {  	s3 =	simm.s32 $0x0  }
0x15: {  	[tilespmem:s3], [sflag:$0x6] =	stream.linear.gather [hbm4b:s5+s3], $0x2710, $0x38;
	[tilespmem:$0x17220] =	vst v63  }
0x16: {  	s7 =	rddreg [dreg:$0x4];
	s8 =	simm.s32 $0x2710  }
0x17: {  	[tilespmem:s8], [sflag:$0x6] =	stream.linear.gather [hbm4b:s7+s3], $0x2710, $0x38;
	[tilespmem:$0x17220] =	vst v63  }
0x18: {  	s14 =	simm.s32 $0x100;
	s3 =	simm.s32 $0x0  }
.LBB2_2:
0x19: {  	p0 =	sne.s32 s14, $0x7F00;
	[tilespmem:s3+$0xB250] =	vst v0;
	s7 =	smov.u32 s14;
	s14 =	sadd.s32 $0x100, s14  }
.Ltmp0:
0x1a: {  	[tilespmem:s3+$0xB240] =	vst v0;
	(pc) =	sbr.rel @p0 .LBB2_2-.Ltmp0, $3  }
0x1b: {  	[tilespmem:s3+$0xB220] =	vst v0  }
0x1c: {  	[tilespmem:s3+$0xB230] =	vst v0;
	_ =	sdelay $0x1  }
0x1d: {  	s3 =	sshra.s32 s7, $0x2  }
0x1e: {  	[tilespmem:s3+$0xB250] =	vst v0  }
0x1f: {  	[tilespmem:s3+$0xB240] =	vst v0  }
0x20: {  	[tilespmem:s3+$0xB220] =	vst v0  }
0x21: {  	[tilespmem:s3+$0xB230] =	vst v0  }
0x22: {  	[spmem:s6] =	stream.linear.scatter [tilespmem:s15], [sflag:$0x7], $0x2000, $0x38;
	[tilespmem:$0x17220] =	vst v63  }
0x23: {  	_ =	swait.ge [sflag:s16], $0x2000  }
0x24: {  	[sflag:s16] =	ssyncset.done $0x0  }
0x25: {  	s8 =	rddreg [dreg:$0x5];
	[sflag:s16] =	ssyncadd.s32 $0xFFFFE000  }
0x26: {  	[spmem:s8] =	stream.linear.scatter [tilespmem:s15], [sflag:$0x7], $0x2000, $0x38;
	[tilespmem:$0x17220] =	vst v63  }
0x27: {  	_ =	swait.ge [sflag:s16], $0x2000  }
0x28: {  	[sflag:s16] =	ssyncset.done $0x0  }
0x29: {  	s9 =	rddreg [dreg:$0x6];
	[sflag:s16] =	ssyncadd.s32 $0xFFFFE000  }
0x2a: {  	[spmem:s9] =	stream.linear.scatter [tilespmem:s15], [sflag:$0x7], $0x2000, $0x38;
	[tilespmem:$0x17220] =	vst v63  }
0x2b: {  	_ =	swait.ge [sflag:s16], $0x2000  }
0x2c: {  	[sflag:s16] =	ssyncset.done $0x0  }
0x2d: {  	[sflag:s16] =	ssyncadd.s32 $0xFFFFE000  }
0x2e: {  	[spmem:s10] =	stream.linear.scatter [tilespmem:s15], [sflag:$0x7], $0x2000, $0x38;
	[tilespmem:$0x17220] =	vst v63  }
0x2f: {  	_ =	swait.ge [sflag:s16], $0x2000  }
0x30: {  	[sflag:s16] =	ssyncset.done $0x0  }
0x31: {  	[sflag:s16] =	ssyncadd.s32 $0xFFFFE000  }
0x32: {  	[spmem:s11] =	stream.linear.scatter [tilespmem:s15], [sflag:$0x7], $0x2000, $0x38;
	[tilespmem:$0x17220] =	vst v63  }
0x33: {  	_ =	swait.ge [sflag:s16], $0x2000  }
0x34: {  	[sflag:s16] =	ssyncset.done $0x0  }
0x35: {  	[sflag:s16] =	ssyncadd.s32 $0xFFFFE000  }
0x36: {  	_ =	swait.ge [sflag:s17], $0x2710  }
0x37: {  	[sflag:s17] =	ssyncset.done $0x0  }
0x38: {  	[sflag:s17] =	ssyncadd.s32 $0xFFFFD8F0  }
0x39: {  	_ =	swait.ge [sflag:s17], $0x2710  }
0x3a: {  	[sflag:s17] =	ssyncset.done $0x0  }
0x3b: {  	s14 =	simm.s32 $0x0;
	[sflag:s17] =	ssyncadd.s32 $0xFFFFD8F0  }
0x3c: {  	[tilespmem:s19], [sflag:$0x1] =	stream.indirect.gather [hbm4b:s4+s18], $0x40, s14, s18, $0xb8;
	[tilespmem:$0x17220] =	vst v63  }
0x3d: {  	_ = 	snop  }
0x3e: {  	[tilespmem:s20], [sflag:$0x2] =	stream.indirect.gather [hbm4b:s4+s18], $0x40, s18, s18, $0xb8;
	[tilespmem:$0x17220] =	vst v63  }
0x3f: {  	s7 =	simm.s32 $0xA0  }
0x40: {  	[tilespmem:s22], [sflag:$0x3] =	stream.indirect.gather [hbm4b:s4+s18], $0x40, s7, s18, $0xb8;
	[tilespmem:$0x17220] =	vst v63  }
0x41: {  	s8 =	simm.s32 $0xF0  }
0x42: {  	[tilespmem:s24], [sflag:$0x4] =	stream.indirect.gather [hbm4b:s4+s18], $0x40, s8, s18, $0xb8;
	[tilespmem:$0x17220] =	vst v63  }
0x43: {  	s9 =	simm.s32 $0x140  }
0x44: {  	[tilespmem:s26], [sflag:$0x5] =	stream.indirect.gather [hbm4b:s4+s18], $0x40, s9, s18, $0xb8;
	[tilespmem:$0x17220] =	vst v63  }
0x45: {  	[bflag:$0x0] =	sbarrier.arrive $0xFFFF  }
0x46: {  	_ =	swait.ge [sflag:s28], $0x1400  }
0x47: {  	[sflag:s28] =	ssyncset.done $0x0  }
0x48: {  	s14 =	simm.s32 $0x2710;
	[sflag:s28] =	ssyncadd.s32 $0xFFFFEC00  }
0x49: {  	[spmem:s2] =	stream.indirect.scatter.add.f32 [tilespmem:s19], [sflag:$0x7], $0x40, s14, s18, $0xb8;
	[tilespmem:$0x17220] =	vst v63  }
0x4a: {  	_ =	swait.ge [sflag:s16], $0x1400  }
0x4b: {  	[sflag:s16] =	ssyncset.done $0x0  }
0x4c: {  	s7 =	simm.s32 $0x190;
	[sflag:s16] =	ssyncadd.s32 $0xFFFFEC00  }
0x4d: {  	[tilespmem:s19], [sflag:$0x1] =	stream.indirect.gather [hbm4b:s4+s18], $0x40, s7, s18, $0xb8;
	[tilespmem:$0x17220] =	vst v63  }
0x4e: {  	_ =	swait.ge [sflag:s29], $0x1400  }
0x4f: {  	[sflag:s29] =	ssyncset.done $0x0  }
0x50: {  	s8 =	simm.s32 $0x2760;
	[sflag:s29] =	ssyncadd.s32 $0xFFFFEC00  }
0x51: {  	[spmem:s2] =	stream.indirect.scatter.add.f32 [tilespmem:s20], [sflag:$0x7], $0x40, s8, s18, $0xb8;
	[tilespmem:$0x17220] =	vst v63  }
0x52: {  	_ =	swait.ge [sflag:s16], $0x1400  }
0x53: {  	[sflag:s16] =	ssyncset.done $0x0  }
0x54: {  	s9 =	simm.s32 $0x1E0;
	[sflag:s16] =	ssyncadd.s32 $0xFFFFEC00  }
0x55: {  	[tilespmem:s20], [sflag:$0x2] =	stream.indirect.gather [hbm4b:s4+s18], $0x40, s9, s18, $0xb8;
	[tilespmem:$0x17220] =	vst v63  }
0x56: {  	_ =	swait.ge [sflag:s30], $0x1400  }
0x57: {  	[sflag:s30] =	ssyncset.done $0x0  }
0x58: {  	s14 =	simm.s32 $0x27B0;
	[sflag:s30] =	ssyncadd.s32 $0xFFFFEC00  }
0x59: {  	[spmem:s2] =	stream.indirect.scatter.add.f32 [tilespmem:s22], [sflag:$0x7], $0x40, s14, s18, $0xb8;
	[tilespmem:$0x17220] =	vst v63  }
0x5a: {  	_ =	swait.ge [sflag:s16], $0x1400  }
0x5b: {  	[sflag:s16] =	ssyncset.done $0x0  }
0x5c: {  	s7 =	simm.s32 $0x230;
	[sflag:s16] =	ssyncadd.s32 $0xFFFFEC00  }
0x5d: {  	[tilespmem:s22], [sflag:$0x3] =	stream.indirect.gather [hbm4b:s4+s18], $0x40, s7, s18, $0xb8;
	[tilespmem:$0x17220] =	vst v63  }
0x5e: {  	_ =	swait.ge [sflag:s31], $0x1400  }
0x5f: {  	[sflag:s31] =	ssyncset.done $0x0  }
0x60: {  	s8 =	simm.s32 $0x2800;
	[sflag:s31] =	ssyncadd.s32 $0xFFFFEC00  }
0x61: {  	[spmem:s2] =	stream.indirect.scatter.add.f32 [tilespmem:s24], [sflag:$0x7], $0x40, s8, s18, $0xb8;
	[tilespmem:$0x17220] =	vst v63  }
0x62: {  	_ =	swait.ge [sflag:s16], $0x1400  }
0x63: {  	[sflag:s16] =	ssyncset.done $0x0  }
0x64: {  	s9 =	simm.s32 $0x280;
	[sflag:s16] =	ssyncadd.s32 $0xFFFFEC00  }
0x65: {  	[tilespmem:s24], [sflag:$0x4] =	stream.indirect.gather [hbm4b:s4+s18], $0x40, s9, s18, $0xb8;
	[tilespmem:$0x17220] =	vst v63  }
0x66: {  	_ =	swait.ge [sflag:s1], $0x1400  }
0x67: {  	[sflag:s1] =	ssyncset.done $0x0  }
0x68: {  	s14 =	simm.s32 $0x2850;
	[sflag:s1] =	ssyncadd.s32 $0xFFFFEC00  }
0x69: {  	[spmem:s2] =	stream.indirect.scatter.add.f32 [tilespmem:s26], [sflag:$0x7], $0x40, s14, s18, $0xb8;
	[tilespmem:$0x17220] =	vst v63  }
0x6a: {  	_ =	swait.ge [sflag:s16], $0x1400  }
0x6b: {  	[sflag:s16] =	ssyncset.done $0x0  }
0x6c: {  	s3 =	simm.s32 $0x2D0;
	s14 =	simm.s32 $0x640;
	[sflag:s16] =	ssyncadd.s32 $0xFFFFEC00  }
.LBB2_4:
0x6d: {  	[tilespmem:s26], [sflag:$0x5] =	stream.indirect.gather [hbm4b:s4+s18], $0x40, s3, s18, $0xb8;
	[tilespmem:$0x17220] =	vst v63  }
0x6e: {  	s3 =	smov.u32 s14  }
0x6f: {  	p0 =	sne.s32 s14, $0x8FC0;
	s14 =	sadd.s32 $0x640, s14;
	_ =	swait.ge [sflag:s28], $0x1400  }
0x70: {  	s3 =	sshra.s32 s3, $0x2;
	[sflag:s28] =	ssyncset.done $0x0  }
0x71: {  	s7 =	sadd.s32 $0x2710, s3;
	[sflag:s28] =	ssyncadd.s32 $0xFFFFEC00  }
0x72: {  	[spmem:s2] =	stream.indirect.scatter.add.f32 [tilespmem:s19], [sflag:$0x7], $0x40, s7, s18, $0xb8;
	[tilespmem:$0x17220] =	vst v63  }
0x73: {  	_ =	swait.ge [sflag:s16], $0x1400  }
0x74: {  	[sflag:s16] =	ssyncset.done $0x0  }
0x75: {  	s7 =	sadd.s32 $0x190, s3;
	[sflag:s16] =	ssyncadd.s32 $0xFFFFEC00  }
0x76: {  	[tilespmem:s19], [sflag:$0x1] =	stream.indirect.gather [hbm4b:s4+s18], $0x40, s7, s18, $0xb8;
	[tilespmem:$0x17220] =	vst v63  }
0x77: {  	_ =	swait.ge [sflag:s29], $0x1400  }
0x78: {  	[sflag:s29] =	ssyncset.done $0x0  }
0x79: {  	s7 =	sadd.s32 $0x2760, s3;
	[sflag:s29] =	ssyncadd.s32 $0xFFFFEC00  }
0x7a: {  	[spmem:s2] =	stream.indirect.scatter.add.f32 [tilespmem:s20], [sflag:$0x7], $0x40, s7, s18, $0xb8;
	[tilespmem:$0x17220] =	vst v63  }
0x7b: {  	_ =	swait.ge [sflag:s16], $0x1400  }
0x7c: {  	[sflag:s16] =	ssyncset.done $0x0  }
0x7d: {  	s7 =	sadd.s32 $0x1E0, s3;
	[sflag:s16] =	ssyncadd.s32 $0xFFFFEC00  }
0x7e: {  	[tilespmem:s20], [sflag:$0x2] =	stream.indirect.gather [hbm4b:s4+s18], $0x40, s7, s18, $0xb8;
	[tilespmem:$0x17220] =	vst v63  }
0x7f: {  	_ =	swait.ge [sflag:s30], $0x1400  }
0x80: {  	[sflag:s30] =	ssyncset.done $0x0  }
0x81: {  	s7 =	sadd.s32 $0x27B0, s3;
	[sflag:s30] =	ssyncadd.s32 $0xFFFFEC00  }
0x82: {  	[spmem:s2] =	stream.indirect.scatter.add.f32 [tilespmem:s22], [sflag:$0x7], $0x40, s7, s18, $0xb8;
	[tilespmem:$0x17220] =	vst v63  }
0x83: {  	_ =	swait.ge [sflag:s16], $0x1400  }
0x84: {  	[sflag:s16] =	ssyncset.done $0x0  }
0x85: {  	s7 =	sadd.s32 $0x230, s3;
	[sflag:s16] =	ssyncadd.s32 $0xFFFFEC00  }
0x86: {  	[tilespmem:s22], [sflag:$0x3] =	stream.indirect.gather [hbm4b:s4+s18], $0x40, s7, s18, $0xb8;
	[tilespmem:$0x17220] =	vst v63  }
0x87: {  	_ =	swait.ge [sflag:s31], $0x1400  }
0x88: {  	[sflag:s31] =	ssyncset.done $0x0  }
0x89: {  	s7 =	sadd.s32 $0x2800, s3;
	[sflag:s31] =	ssyncadd.s32 $0xFFFFEC00  }
0x8a: {  	[spmem:s2] =	stream.indirect.scatter.add.f32 [tilespmem:s24], [sflag:$0x7], $0x40, s7, s18, $0xb8;
	[tilespmem:$0x17220] =	vst v63  }
0x8b: {  	_ =	swait.ge [sflag:s16], $0x1400  }
0x8c: {  	[sflag:s16] =	ssyncset.done $0x0  }
0x8d: {  	s7 =	sadd.s32 $0x280, s3;
	[sflag:s16] =	ssyncadd.s32 $0xFFFFEC00  }
0x8e: {  	[tilespmem:s24], [sflag:$0x4] =	stream.indirect.gather [hbm4b:s4+s18], $0x40, s7, s18, $0xb8;
	[tilespmem:$0x17220] =	vst v63  }
0x8f: {  	_ =	swait.ge [sflag:s1], $0x1400  }
0x90: {  	[sflag:s1] =	ssyncset.done $0x0  }
.Ltmp1:
0x91: {  	s7 =	sadd.s32 $0x2850, s3;
	[sflag:s1] =	ssyncadd.s32 $0xFFFFEC00;
	(pc) =	sbr.rel @p0 .LBB2_4-.Ltmp1, $4  }
0x92: {  	[spmem:s2] =	stream.indirect.scatter.add.f32 [tilespmem:s26], [sflag:$0x7], $0x40, s7, s18, $0xb8;
	[tilespmem:$0x17220] =	vst v63  }
0x93: {  	_ =	swait.ge [sflag:s16], $0x1400  }
0x94: {  	[sflag:s16] =	ssyncset.done $0x0  }
0x95: {  	s3 =	sadd.s32 $0x2D0, s3;
	[sflag:s16] =	ssyncadd.s32 $0xFFFFEC00  }
0x96: {  	[tilespmem:s26], [sflag:$0x5] =	stream.indirect.gather [hbm4b:s4+s18], $0x40, s3, s18, $0xb8;
	[tilespmem:$0x17220] =	vst v63  }
0x97: {  	_ =	swait.ge [sflag:s28], $0x1400  }
0x98: {  	[sflag:s28] =	ssyncset.done $0x0  }
0x99: {  	s14 =	simm.s32 $0x4C90;
	[sflag:s28] =	ssyncadd.s32 $0xFFFFEC00  }
0x9a: {  	[spmem:s2] =	stream.indirect.scatter.add.f32 [tilespmem:s19], [sflag:$0x7], $0x40, s14, s18, $0xb8;
	[tilespmem:$0x17220] =	vst v63  }
0x9b: {  	_ =	swait.ge [sflag:s16], $0x1400  }
0x9c: {  	[sflag:s16] =	ssyncset.done $0x0  }
0x9d: {  	[sflag:s16] =	ssyncadd.s32 $0xFFFFEC00  }
0x9e: {  	_ =	swait.ge [sflag:s29], $0x1400  }
0x9f: {  	[sflag:s29] =	ssyncset.done $0x0  }
0xa0: {  	s7 =	simm.s32 $0x4CE0;
	[sflag:s29] =	ssyncadd.s32 $0xFFFFEC00  }
0xa1: {  	[spmem:s2] =	stream.indirect.scatter.add.f32 [tilespmem:s20], [sflag:$0x7], $0x40, s7, s18, $0xb8;
	[tilespmem:$0x17220] =	vst v63  }
0xa2: {  	_ =	swait.ge [sflag:s16], $0x1400  }
0xa3: {  	[sflag:s16] =	ssyncset.done $0x0  }
0xa4: {  	[sflag:s16] =	ssyncadd.s32 $0xFFFFEC00  }
0xa5: {  	_ =	swait.ge [sflag:s30], $0x1400  }
0xa6: {  	[sflag:s30] =	ssyncset.done $0x0  }
0xa7: {  	s8 =	simm.s32 $0x4D30;
	[sflag:s30] =	ssyncadd.s32 $0xFFFFEC00  }
0xa8: {  	[spmem:s2] =	stream.indirect.scatter.add.f32 [tilespmem:s22], [sflag:$0x7], $0x40, s8, s18, $0xb8;
	[tilespmem:$0x17220] =	vst v63  }
0xa9: {  	_ =	swait.ge [sflag:s16], $0x1400  }
0xaa: {  	[sflag:s16] =	ssyncset.done $0x0  }
0xab: {  	[sflag:s16] =	ssyncadd.s32 $0xFFFFEC00  }
0xac: {  	_ =	swait.ge [sflag:s31], $0x1400  }
0xad: {  	[sflag:s31] =	ssyncset.done $0x0  }
0xae: {  	s9 =	simm.s32 $0x4D80;
	[sflag:s31] =	ssyncadd.s32 $0xFFFFEC00  }
0xaf: {  	[spmem:s2] =	stream.indirect.scatter.add.f32 [tilespmem:s24], [sflag:$0x7], $0x40, s9, s18, $0xb8;
	[tilespmem:$0x17220] =	vst v63  }
0xb0: {  	_ =	swait.ge [sflag:s16], $0x1400  }
0xb1: {  	[sflag:s16] =	ssyncset.done $0x0  }
0xb2: {  	[sflag:s16] =	ssyncadd.s32 $0xFFFFEC00  }
0xb3: {  	_ =	swait.ge [sflag:s1], $0x1400  }
0xb4: {  	[sflag:s1] =	ssyncset.done $0x0  }
0xb5: {  	s14 =	simm.s32 $0x4DD0;
	[sflag:s1] =	ssyncadd.s32 $0xFFFFEC00  }
0xb6: {  	[spmem:s2] =	stream.indirect.scatter.add.f32 [tilespmem:s26], [sflag:$0x7], $0x40, s14, s18, $0xb8;
	[tilespmem:$0x17220] =	vst v63  }
0xb7: {  	_ =	swait.ge [sflag:s16], $0x1400  }
0xb8: {  	[sflag:s16] =	ssyncset.done $0x0  }
0xb9: {  	[sflag:s16] =	ssyncadd.s32 $0xFFFFEC00  }
0xba: {  	s3 =	simm.s32 $0x0;
	s14 =	smov.u32 s6;
	[bflag:$0x0] =	sbarrier.arrive $0xFFFF  }
.LBB2_6:
0xbb: {  	p0 =	sne.s32 s3, $0x2780  }
.Ltmp2:
0xbc: {  	_ = 	snop;
	(pc) =	sbr.rel @p0 .LBB2_6-.Ltmp2, $4  }
0xbd: {  	_ = 	snop  }
0xbe: {  	s7 =	sshll.u32 s0, $0x6;
	s8 =	sadd.s32 s3, s13;
	s9 =	sshrl.u32 s14, $0x3  }
0xbf: {  	s14 =	sadd.s32 $0x200, s14;
	s3 =	sadd.s32 $0x80, s3;
	s7 =	sor.u32 $0x1C06, s7  }
0xc0: {  	[hbm:s8@s21], [sflag:s7] =	dma.strided [spmem:s9@s23], $0x40, s28, $0x8   }
0xc1: {  	_ =	swait.ge [sflag:s17], $0x40  }
0xc2: {  	s3 =	simm.s32 $0x4F;
	[sflag:s17] =	ssyncset.done $0x0  }
.LBB2_8:
0xc3: {  	p0 =	sne.s32 s3, $0x1;
	s3 =	sadd.s32 $0xFFFFFFFF, s3;
	[sflag:s17] =	ssyncadd.s32 $0xFFFFFFC0  }
.Ltmp3:
0xc4: {  	(pc) =	sbr.rel @p0 .LBB2_8-.Ltmp3, $3  }
0xc5: {  	_ =	sdelay $0x1  }
0xc6: {  	_ =	swait.ge [sflag:s17], $0x40  }
0xc7: {  	[sflag:s17] =	ssyncset.done $0x0  }
0xc8: {  	s25 =	sadd.s32 $0x1, s25  }
0xc9: {  	p0 =	sne.s32 s25, s12  }
.Ltmp4:
0xca: {  	_ = 	snop;
	(pc) =	sbr.rel @p0 .LBB2_1-.Ltmp4, $2  }
0xcb: {  	_ =	sdelay $0x2  }
0xcc: {  	[sflag:s17] =	ssyncadd.s32 $0xFFFFFFC0  }
0xcd: {  	_ =	sfence.sel $0x180000  }
0xce: {  	[bflag:$0x0] =	sbarrier.arrive $0xFFFF  }
0xcf: {  	_ =	strace $0x9000004D  }
0xd0: {  	[bflag:$0x2] =	sbarrier.arrive $0xFFFF  }
0xd1: {  	p0 =	sne.s32 s0, $0x0;
	s0 =	rddreg [dreg:$0x3]  }
0xd2: {  	s0 =	sadd.s32 @!p0 $0x100000, s0  }
0xd3: {  	[sflag:s0] =	ssyncadd.tile.s32 @!p0 $0x1;
	_ =	shalt  }
.Lfunc_end2:
_tile_overlayer_lowered:
.L_overlay_start_2:
0xd4: {  	(tag) =	ssettag $0x2  }
0xd5: {  	s0 =	rddreg [dreg:$0x0];
	s2 =	stileid.u32  }
0xd6: {  	s1 =	rddreg [dreg:$0x1];
	p0 =	sne.s32 s2, $0x0  }
0xd7: {  	s3 =	rddreg [dreg:$0x2];
	[bflag:$0x3] =	sbarrier.arrive $0xFFFF;
	s2 =	simm.s32 @!p0 $0x1C07  }
0xd8: {  	[timem:s3], [sflag:s2] =	dma.local @!p0 [hbm:s0], s1  }
0xd9: {  	s0 =	simm.s32 @!p0 $0x7  }
0xda: {  	_ =	swait.ge @!p0 [sflag:s0], s1  }
0xdb: {  	s1 =	ssub.s32 @!p0 $0x0, s1;
	[sflag:s0] =	ssyncset.done @!p0 $0x0  }
0xdc: {  	[sflag:s0] =	ssyncadd.s32 @!p0 s1  }
0xdd: {  	[bflag:$0x3] =	sbarrier.arrive $0xFFFF  }
0xde: {  	_ =	shalt  }

// kernel: kernel.9.cloned.1.call-start
scs
__scs_entry_jumppad:
0x0: {  	(pc) =	sbr.rel $0x88, $3  }
0x1: {  	(tag) =	ssettag $0x0;
	lr =	simm.s32 $0x1  }
0x2: {  	[smem:$0x3F9B] =	sst lr;
	_ =	strace $0xD0000000  }
0x3: {  	_ = 	snop  }
0x4: {  	_ = 	snop  }
0x5: {  	_ = 	snop  }
0x6: {  	_ = 	snop  }
0x7: {  	_ = 	snop  }
__scs_overlays_trampoline_lowered:
0x8: {  	[smem:$0x3FAA] =	sst s0  }
0x9: {  	[smem:$0x3FAB] =	sst s1  }
0xa: {  	[smem:$0x3FAC] =	sst s2  }
0xb: {  	[smem:$0x3FAD] =	sst s3  }
0xc: {  	[smem:$0x3FAE] =	sst s4  }
0xd: {  	[smem:$0x3FAF] =	sst s5  }
0xe: {  	[smem:$0x3FB0] =	sst s6  }
0xf: {  	[smem:$0x3FB1] =	sst s7  }
0x10: {  	[smem:$0x3FB2] =	sst s8  }
0x11: {  	[smem:$0x3FB3] =	sst s9;
	s0 =	simm.s32 @!p0 $0x0  }
0x12: {  	s1 =	sld [smem:$0x3F99];
	s0 =	simm.s32 @p0 $0x1  }
0x13: {  	[smem:$0x3FB4] =	sst s0;
	s0 =	simm.s32 @!p1 $0x0  }
0x14: {  	s2 =	sld [smem:$0x3F98];
	s0 =	simm.s32 @p1 $0x1  }
0x15: {  	[smem:$0x3FB5] =	sst s0;
	s0 =	simm.s32 @!p2 $0x0  }
0x16: {  	s3 =	sld [smem:$0x3FDB];
	s0 =	simm.s32 @p2 $0x1  }
0x17: {  	s4 =	simm.s32 $0x1BF5;
	[smem:$0x3FB7] =	sst s0  }
0x18: {  	s0 =	sld [smem:$0x3F9A];
	_ =	swait.ge [sflag:s4], $0x0  }
0x19: {  	s7 =	sld [smem:$0x3F9B]  }
0x1a: {  	s8 =	sadd.s32 $0xFFFFE003, lr  }
0x1b: {  	s9 =	sadd.s32 $0xFFFFFEF7, lr;
	s5 =	simm.s32 $0xFFFFFFFF;
	p2 =	slt.u32 s8, $0xFFFFF086  }
0x1c: {  	p1 =	slt.u32 s9, $0xF7A;
	s5 =	simm.s32 @!p2 $0x0  }
0x1d: {  	s5 =	simm.s32 @p1 $0x1;
	p0 =	seq.s32 s7, s2  }
0x1e: {  	s7 =	smul.u32 @!p0 $0xF7A, s2;
	p2 =	seq.s32 @!p0 s5, $0x0  }
0x1f: {  	s9 =	smul.u32 $0xF7A, s1;
	s8 =	simm.s32 @!p0 $0x1BF5;
	p2 =	por !p2, p0  }
0x20: {  	[sflag:s8] =	ssyncset.s32 @!p0 $0xFFFFF086;
	s6 =	sadd.s32 @!p0 s3, s7;
	s7 =	simm.s32 @!p0 $0x108  }
0x21: {  	s3 =	sadd.s32 s3, s9;
	s6 =	sadd.s32 @!p0 $0x88, s6;
	s7 =	simm.s32 @p2 $0x1082  }
0x22: {  	[simem:s7], [sflag:s8] =	dma.local @!p0 [hbm:s6], $0xF7A  }
0x23: {  	s9 =	sor.u32 $0xD0000000, s2;
	s6 =	simm.s32 $0x108;
	_ =	swait.ge @!p0 [sflag:s8], $0x0  }
0x24: {  	s3 =	sadd.s32 $0x88, s3;
	s6 =	simm.s32 @!p1 $0x1082;
	[sflag:s4] =	ssyncset.s32 $0xFFFFF086  }
0x25: {  	[simem:s6], [sflag:s4] =	dma.local [hbm:s3], $0xF7A  }
0x26: {  	[smem:$0x3F9B] =	sst s1;
	(tag) =	ssettag s2;
	_ =	strace s9  }
0x27: {  	s1 =	sld [smem:$0x3FAB]  }
0x28: {  	s2 =	sld [smem:$0x3FAC]  }
0x29: {  	s4 =	sld [smem:$0x3FAE]  }
0x2a: {  	p0 =	seq.s32 s5, $0x0;
	s5 =	sld [smem:$0x3FAF]  }
0x2b: {  	s6 =	sld [smem:$0x3FB0]  }
0x2c: {  	s7 =	sld [smem:$0x3FB1]  }
0x2d: {  	s3 =	simm.s32 $0x108;
	s8 =	sld [smem:$0x3FB2]  }
0x2e: {  	s3 =	simm.s32 @!p0 $0x1082;
	s9 =	sld [smem:$0x3FB3]  }
0x2f: {  	lr =	sadd.s32 s0, s3;
	s0 =	sld [smem:$0x3FAA]  }
0x30: {  	s3 =	sld [smem:$0x3FAD]  }
0x31: {  	[smem:$0x3FB6] =	sst s10  }
0x32: {  	s10 =	sld [smem:$0x3FB4];
	_ =	sdelay $0x3  }
0x33: {  	p0 =	seq.s32 s10, $0x1;
	s10 =	sld [smem:$0x3FB6];
	_ =	sdelay $0x3  }
0x34: {  	[smem:$0x3FB6] =	sst s10  }
0x35: {  	s10 =	sld [smem:$0x3FB5];
	_ =	sdelay $0x3  }
0x36: {  	p1 =	seq.s32 s10, $0x1;
	s10 =	sld [smem:$0x3FB6];
	_ =	sdelay $0x3  }
0x37: {  	[smem:$0x3FB6] =	sst s10  }
0x38: {  	s10 =	sld [smem:$0x3FB7]  }
0x39: {  	_ = 	snop;
	(pc) =	sbr.ind lr, $3  }
0x3a: {  	_ = 	snop  }
0x3b: {  	_ = 	snop  }
0x3c: {  	p2 =	seq.s32 s10, $0x1;
	s10 =	sld [smem:$0x3FB6]  }
0x3d: {  	_ =	shalt  }
0x3e: {  	_ =	shalt  }
0x3f: {  	_ =	shalt  }
0x40: {  	_ =	shalt  }
0x41: {  	_ =	shalt  }
0x42: {  	_ =	shalt  }
0x43: {  	_ =	shalt  }
0x44: {  	_ =	shalt  }
0x45: {  	_ =	shalt  }
0x46: {  	_ =	shalt  }
0x47: {  	_ =	shalt  }
0x48: {  	_ =	shalt  }
0x49: {  	_ =	shalt  }
0x4a: {  	_ =	shalt  }
0x4b: {  	_ =	shalt  }
0x4c: {  	_ =	shalt  }
0x4d: {  	_ =	shalt  }
0x4e: {  	_ =	shalt  }
0x4f: {  	_ =	shalt  }
0x50: {  	_ =	shalt  }
0x51: {  	_ =	shalt  }
0x52: {  	_ =	shalt  }
0x53: {  	_ =	shalt  }
0x54: {  	_ =	shalt  }
0x55: {  	_ =	shalt  }
0x56: {  	_ =	shalt  }
0x57: {  	_ =	shalt  }
0x58: {  	_ =	shalt  }
0x59: {  	_ =	shalt  }
0x5a: {  	_ =	shalt  }
0x5b: {  	_ =	shalt  }
0x5c: {  	_ =	shalt  }
0x5d: {  	_ =	shalt  }
0x5e: {  	_ =	shalt  }
0x5f: {  	_ =	shalt  }
0x60: {  	_ =	shalt  }
0x61: {  	_ =	shalt  }
0x62: {  	_ =	shalt  }
0x63: {  	_ =	shalt  }
0x64: {  	_ =	shalt  }
0x65: {  	_ =	shalt  }
0x66: {  	_ =	shalt  }
0x67: {  	_ =	shalt  }
0x68: {  	_ =	shalt  }
0x69: {  	_ =	shalt  }
0x6a: {  	_ =	shalt  }
0x6b: {  	_ =	shalt  }
0x6c: {  	_ =	shalt  }
0x6d: {  	_ =	shalt  }
0x6e: {  	_ =	shalt  }
0x6f: {  	_ =	shalt  }
0x70: {  	_ =	shalt  }
0x71: {  	_ =	shalt  }
0x72: {  	_ =	shalt  }
0x73: {  	_ =	shalt  }
0x74: {  	_ =	shalt  }
0x75: {  	_ =	shalt  }
0x76: {  	_ =	shalt  }
0x77: {  	_ =	shalt  }
0x78: {  	_ =	shalt  }
0x79: {  	_ =	shalt  }
0x7a: {  	_ =	shalt  }
0x7b: {  	_ =	shalt  }
0x7c: {  	_ =	shalt  }
0x7d: {  	_ =	shalt  }
0x7e: {  	_ =	shalt  }
0x7f: {  	_ =	shalt  }
0x80: {  	_ =	shalt  }
0x81: {  	_ =	shalt  }
0x82: {  	_ =	shalt  }
0x83: {  	_ =	shalt  }
0x84: {  	_ =	shalt  }
0x85: {  	_ =	shalt  }
0x86: {  	_ =	shalt  }
0x87: {  	_ =	shalt  }
.Lfunc_end0:
.L_simem_size_0:
called_computation_lowered:
.L_overlay_start_0:
0x88: {  	s2 =	sld [smem:$0x3FD9]  }
0x89: {  	s3 =	sld [smem:$0x3FFE];
	_ =	sdelay $0x1  }
0x8a: {  	s1 =	srdreg.scid  }
0x8b: {  	s0 =	sand.u32 $0x1, s1  }
0x8c: {  	s17 =	sshll.u32 s0, $0xA;
	s2 =	sadd.s32 s3, s2  }
0x8d: {  	s2 =	sadd.s32 s2, s17  }
0x8e: {  	[smem:$0x3FC2] =	sst s2  }
0x8f: {  	_ = 	snop  }
0x90: {  	s2 =	sld [smem:$0x3FD0];
	(tm) =	ssettm $0x1  }
0x91: {  	s18 =	sld [smem:$0x3FFB];
	_ =	sdelay $0x3  }
0x92: {  	_ =	strace s18  }
0x93: {  	s3 =	sld [smem:$0x3FFC];
	_ =	sdelay $0x3  }
0x94: {  	_ =	strace s3  }
0x95: {  	s3 =	sld [smem:$0x3FFD];
	_ =	sdelay $0x3  }
0x96: {  	_ =	strace s3  }
0x97: {  	_ =	strace $0x8FFFFFFF  }
0x98: {  	s19 =	sld [smem:$0x3FDB];
	_ =	sdelay $0x1  }
0x99: {  	s4 =	simm.s32 $_scs_section_size  }
0x9a: {  	s5 =	simm.s32 $_size__tile_overlayer_lowered;
	s6 =	simm.s32 $_tile_overlayer_lowered  }
0x9b: {  	s22 =	simm.s32 $0x1BFF;
	s21 =	sshll.u32 s6, $0x1;
	s3 =	sadd.s32 s4, s19  }
0x9c: {  	s7 =	simm.s32 $0x0;
	s20 =	sshll.u32 s5, $0x1;
	s5 =	sadd.s32 s21, s3  }
0x9d: {  	[timem:s7], [sflag:s22] =	dma.local [hbm:s5], s20  }
0x9e: {  	_ =	swait.ge [sflag:s22], s20  }
0x9f: {  	s4 =	ssub.s32 $0x0, s20;
	[sflag:s22] =	ssyncset.done $0x0  }
0xa0: {  	[sflag:s22] =	ssyncadd.s32 s4;
	_ =	sdelay $0x1  }
0xa1: {  	s23 =	simm.s32 $0x1B8B  }
0xa2: {  	_ =	swait.ge [sflag:s23], $0x1  }
0xa3: {  	[sflag:s23] =	ssyncset.done $0x0  }
0xa4: {  	s25 =	simm.s32 $0x1B8E;
	s24 =	sld [smem:$0x3FFE];
	[sflag:s23] =	ssyncadd.s32 $0xFFFFFFFF  }
0xa5: {  	s26 =	simm.s32 $execute0_lowered;
	[smem:$0x3FD2] =	sst s25  }
0xa6: {  	s5 =	sshll.u32 s26, $0x1;
	_ =	strace $0x80000046;
	[dreg:$0x1] =	wrdreg $0xFFFFFFFF  }
0xa7: {  	s28 =	simm.s32 $_size_execute0_lowered;
	s3 =	sadd.s32 s3, s5;
	[dreg:$0x0] =	wrdreg $0x0  }
0xa8: {  	s5 =	sshll.u32 s28, $0x1;
	[dreg:$0x2] =	wrdreg s3  }
0xa9: {  	[dreg:$0x3] =	wrdreg s5  }
0xaa: {  	[dreg:$0x4] =	wrdreg $0xC0  }
0xab: {  	_ =	task [dreg:s7], $0x5FFFF  }
0xac: {  	[dreg:$0x1] =	wrdreg $0xFFFFFFFF  }
0xad: {  	[dreg:$0x0] =	wrdreg $0x60  }
0xae: {  	[dreg:$0x2] =	wrdreg s2  }
0xaf: {  	[dreg:$0x3] =	wrdreg s24  }
0xb0: {  	[dreg:$0x4] =	wrdreg $0x34100  }
0xb1: {  	[dreg:$0x5] =	wrdreg $0x9  }
0xb2: {  	_ =	task.clear_ibuf [dreg:s7], $0x6FFFF;
	_ =	strace $0x90000046  }
0xb3: {  	s29 =	simm.s32 $0x9;
	_ =	strace $0x80000048  }
0xb4: {  	_ =	swait.ge [sflag:s29], $0x1  }
0xb5: {  	[sflag:s29] =	ssyncadd.s32 $0xFFFFFFFF  }
0xb6: {  	_ =	strace $0x90000048  }
0xb7: {  	_ =	sfence  }
0xb8: {  	s30 =	sld [smem:$0x0];
	_ =	sdelay $0x2  }
0xb9: {  	s31 =	sshll.u32 s1, $0xD;
	s1 =	sshrl.u32 s1, $0x2  }
0xba: {  	s3 =	sand.u32 $0x4000, s31;
	s1 =	sadd.s32 s1, s30  }
0xbb: {  	s0 =	sor.u32 s3, s0;
	s1 =	sshll.u32 s1, $0x11  }
0xbc: {  	s0 =	sor.u32 s1, s0  }
0xbd: {  	s0 =	sadd.s32 $0x8F2B, s0  }
0xbe: {  	[sflag:s0] =	ssyncadd.remote.s32 $0x1  }
0xbf: {  	_ =	sfence.sel $0xFFFF  }
0xc0: {  	[dreg:$0x0] =	wrdreg $0xFFFFFFFF;
	(pc) =	sbr.abs _section_cstart, $3  }
0xc1: {  	[dreg:$0x1] =	wrdreg $0xFFFFFFFF  }
0xc2: {  	_ =	task.clear_ibuf [dreg:s7], $0x2FFFF;
	_ =	strace $0x9FFFFFFF  }
0xc3: {  	(tm) =	ssettm $0x7FFFFFFF  }
tec
execute0_lowered:
.L_overlay_start_1:
0x0: {  	(tag) =	ssettag $0x1  }
0x1: {  	s4 =	rddreg [dreg:$0x0]  }
0x2: {  	s5 =	rddreg [dreg:$0x1]  }
0x3: {  	s2 =	rddreg [dreg:$0x2]  }
0x4: {  	s0 =	srdreg.scid;
	s1 =	rddreg [dreg:$0x3];
	s3 =	simm.s32 $0x0  }
0x5: {  	s12 =	simm.s32 $0x2C10;
	s13 =	simm.s32 $0x3;
	s14 =	simm.s32 $0x1  }
0x6: {  	s15 =	simm.s32 $0x50;
	s16 =	simm.s32 $0x2710;
	s6 =	sand.u32 $0x1, s0  }
0x7: {  	s17 =	simm.s32 $0x2;
	s0 =	stileid.u32;
	s7 =	smul.u32 $0x140000, s6  }
0x8: {  	s19 =	simm.s32 $0x10;
	[smem:$0x7FF] =	sst s3;
	s8 =	smul.u32 $0x14000, s0  }
0x9: {  	s9 =	sshll.u32 s0, $0x1;
	_ =	strace $0x80000047;
	s26 =	smul.u32 $0xA000, s0  }
0xa: {  	s28 =	ssub.s32 $0x2, s6;
	s18 =	sshll.u32 s0, $0x6;
	s9 =	sor.u32 s6, s9  }
0xb: {  	s30 =	sshrl.u32 s28, $0x1;
	s18 =	sor.u32 $0x1C01, s18;
	s25 =	smul.u32 $0x2710, s9  }
0xc: {  	s7 =	sadd.s32 s8, s7;
	s31 =	sshrl.u32 s26, $0x2;
	s10 =	ssub.s32 s28, s30  }
0xd: {  	s7 =	sshrl.u32 s7, $0x3;
	s10 =	smax.u32 s10, $0x1;
	s29 =	sshrl.u32 s25, $0x3  }
0xe: {  	s11 =	sadd.s32 s7, s5;
	s5 =	sadd.s32 s31, s2;
	s4 =	sadd.s32 s4, s29  }
0xf: {  	s6 =	sadd.s32 $0x800, s5;
	s7 =	sadd.s32 $0x1000, s5;
	s8 =	sadd.s32 $0x1800, s5  }
0x10: {  	v0 =	vimm.f32 $1.000000000e+00;
	v1 =	vimm.f32 $0.0e+00;
	s9 =	sadd.s32 $0x2000, s5;
	s11 =	sadd.s32 $0x1E00, s11;
	s4 =	sadd.s32 $0x9C40, s4  }
.LBB2_1:
0x11: {  	s20 =	simm.s32 $0x40;
	s21 =	simm.s32 $0x0  }
.LBB2_2:
0x12: {  	p0 =	sne.s32 s20, $0x13C0;
	[tilespmem:s21+$0x2710] =	vst v0;
	s21 =	smov.u32 s20;
	s20 =	sadd.s32 $0x40, s20  }
.Ltmp0:
0x13: {  	(pc) =	sbr.rel @p0 .LBB2_2-.Ltmp0, $2  }
0x14: {  	_ =	sdelay $0x2  }
0x15: {  	s21 =	sshra.s32 s21, $0x2  }
0x16: {  	[tilespmem:s21+$0x2710] =	vst v0;
	s20 =	simm.s32 $0x0  }
0x17: {  	[tilespmem:s20], [sflag:$0x1] =	stream.linear.gather [hbm4b:s4+s20], $0x2710, $0x38;
	[tilespmem:$0x5C10] =	vst v63  }
0x18: {  	s21 =	simm.s32 $0x0;
	s20 =	simm.s32 $0x40  }
.LBB2_4:
0x19: {  	p0 =	sne.s32 s20, $0x1FC0;
	[tilespmem:s21+$0x2C10] =	vst v1;
	s21 =	smov.u32 s20;
	s20 =	sadd.s32 $0x40, s20  }
.Ltmp1:
0x1a: {  	(pc) =	sbr.rel @p0 .LBB2_4-.Ltmp1, $2  }
0x1b: {  	_ =	sdelay $0x2  }
0x1c: {  	s21 =	sshra.s32 s21, $0x2  }
0x1d: {  	[tilespmem:s21+$0x2C10] =	vst v1  }
0x1e: {  	[spmem:s5] =	stream.linear.scatter [tilespmem:s12], [sflag:$0x3], $0x800, $0x38;
	[tilespmem:$0x5C10] =	vst v63  }
0x1f: {  	_ =	swait.ge [sflag:s13], $0x800  }
0x20: {  	[sflag:s13] =	ssyncset.done $0x0  }
0x21: {  	[sflag:s13] =	ssyncadd.s32 $0xFFFFF800  }
0x22: {  	[spmem:s6] =	stream.linear.scatter [tilespmem:s12], [sflag:$0x3], $0x800, $0x38;
	[tilespmem:$0x5C10] =	vst v63  }
0x23: {  	_ =	swait.ge [sflag:s13], $0x800  }
0x24: {  	[sflag:s13] =	ssyncset.done $0x0  }
0x25: {  	[sflag:s13] =	ssyncadd.s32 $0xFFFFF800  }
0x26: {  	[spmem:s7] =	stream.linear.scatter [tilespmem:s12], [sflag:$0x3], $0x800, $0x38;
	[tilespmem:$0x5C10] =	vst v63  }
0x27: {  	_ =	swait.ge [sflag:s13], $0x800  }
0x28: {  	[sflag:s13] =	ssyncset.done $0x0  }
0x29: {  	[sflag:s13] =	ssyncadd.s32 $0xFFFFF800  }
0x2a: {  	[spmem:s8] =	stream.linear.scatter [tilespmem:s12], [sflag:$0x3], $0x800, $0x38;
	[tilespmem:$0x5C10] =	vst v63  }
0x2b: {  	_ =	swait.ge [sflag:s13], $0x800  }
0x2c: {  	[sflag:s13] =	ssyncset.done $0x0  }
0x2d: {  	[sflag:s13] =	ssyncadd.s32 $0xFFFFF800  }
0x2e: {  	[spmem:s9] =	stream.linear.scatter [tilespmem:s12], [sflag:$0x3], $0x800, $0x38;
	[tilespmem:$0x5C10] =	vst v63  }
0x2f: {  	_ =	swait.ge [sflag:s13], $0x800  }
0x30: {  	[sflag:s13] =	ssyncset.done $0x0  }
0x31: {  	[sflag:s13] =	ssyncadd.s32 $0xFFFFF800  }
0x32: {  	_ =	swait.ge [sflag:s14], $0x2710  }
0x33: {  	[sflag:s14] =	ssyncset.done $0x0  }
0x34: {  	[sflag:s14] =	ssyncadd.s32 $0xFFFFD8F0  }
0x35: {  	s20 =	simm.s32 $0x0;
	[bflag:$0x0] =	sbarrier.arrive $0xFFFF  }
.LBB2_6:
0x36: {  	p0 =	sne.s32 s20, $0x9B00  }
.Ltmp2:
0x37: {  	_ = 	snop;
	(pc) =	sbr.rel @p0 .LBB2_6-.Ltmp2, $3  }
0x38: {  	_ =	sdelay $0x1  }
0x39: {  	s21 =	sshra.s32 s20, $0x2;
	s20 =	sadd.s32 $0x140, s20  }
0x3a: {  	[spmem:s2] =	stream.indirect.scatter.add.f32 [tilespmem:s16], [sflag:$0x2], $0x10, s21, s15, $0xb8;
	[tilespmem:$0x5C10] =	vst v63  }
0x3b: {  	_ =	swait.ge [sflag:s17], $0x500  }
0x3c: {  	s20 =	simm.s32 $0x7C;
	[sflag:s17] =	ssyncset.done $0x0  }
.LBB2_8:
0x3d: {  	p0 =	sne.s32 s20, $0x1;
	s20 =	sadd.s32 $0xFFFFFFFF, s20;
	[sflag:s17] =	ssyncadd.s32 $0xFFFFFB00  }
.Ltmp3:
0x3e: {  	(pc) =	sbr.rel @p0 .LBB2_8-.Ltmp3, $3  }
0x3f: {  	_ =	sdelay $0x1  }
0x40: {  	_ =	swait.ge [sflag:s17], $0x500  }
0x41: {  	[sflag:s17] =	ssyncset.done $0x0  }
0x42: {  	[sflag:s17] =	ssyncadd.s32 $0xFFFFFB00  }
0x43: {  	s20 =	simm.s32 $0x0;
	s21 =	smov.u32 s5;
	[bflag:$0x0] =	sbarrier.arrive $0xFFFF  }
.LBB2_10:
0x44: {  	p0 =	sne.s32 s20, $0x2780  }
.Ltmp4:
0x45: {  	_ = 	snop;
	(pc) =	sbr.rel @p0 .LBB2_10-.Ltmp4, $4  }
0x46: {  	_ = 	snop  }
0x47: {  	s22 =	sadd.s32 s20, s11  }
0x48: {  	s23 =	sshrl.u32 s21, $0x3;
	s21 =	sadd.s32 $0x80, s21;
	s20 =	sadd.s32 $0x80, s20  }
0x49: {  	[hbm:s22@s19], [sflag:s18] =	dma.strided [spmem:s23@s17], $0x10, s14, $0x2   }
0x4a: {  	_ =	swait.ge [sflag:s14], $0x10  }
0x4b: {  	s20 =	simm.s32 $0x4F;
	[sflag:s14] =	ssyncset.done $0x0  }
.LBB2_12:
0x4c: {  	p0 =	sne.s32 s20, $0x1;
	s20 =	sadd.s32 $0xFFFFFFFF, s20;
	[sflag:s14] =	ssyncadd.s32 $0xFFFFFFF0  }
.Ltmp5:
0x4d: {  	(pc) =	sbr.rel @p0 .LBB2_12-.Ltmp5, $3  }
0x4e: {  	_ =	sdelay $0x1  }
0x4f: {  	_ =	swait.ge [sflag:s14], $0x10  }
0x50: {  	[sflag:s14] =	ssyncset.done $0x0  }
0x51: {  	s3 =	sadd.s32 $0x1, s3  }
0x52: {  	p0 =	sne.s32 s3, s10  }
.Ltmp6:
0x53: {  	_ = 	snop;
	(pc) =	sbr.rel @p0 .LBB2_1-.Ltmp6, $2  }
0x54: {  	_ =	sdelay $0x2  }
0x55: {  	[sflag:s14] =	ssyncadd.s32 $0xFFFFFFF0  }
0x56: {  	_ =	sfence.sel $0x180000  }
0x57: {  	[bflag:$0x0] =	sbarrier.arrive $0xFFFF  }
0x58: {  	p0 =	sne.s32 s0, $0x0;
	_ =	strace $0x90000047  }
0x59: {  	s0 =	sadd.s32 @!p0 $0x100000, s1;
	[bflag:$0x2] =	sbarrier.arrive $0xFFFF  }
0x5a: {  	[sflag:s0] =	ssyncadd.tile.s32 @!p0 $0x1;
	_ =	shalt  }
.Lfunc_end2:
_tile_overlayer_lowered:
.L_overlay_start_2:
0x5b: {  	(tag) =	ssettag $0x2  }
0x5c: {  	s0 =	rddreg [dreg:$0x0];
	s2 =	stileid.u32  }
0x5d: {  	s1 =	rddreg [dreg:$0x1];
	p0 =	sne.s32 s2, $0x0  }
0x5e: {  	s3 =	rddreg [dreg:$0x2];
	[bflag:$0x3] =	sbarrier.arrive $0xFFFF;
	s2 =	simm.s32 @!p0 $0x1C03  }
0x5f: {  	[timem:s3], [sflag:s2] =	dma.local @!p0 [hbm:s0], s1  }
0x60: {  	s0 =	simm.s32 @!p0 $0x3  }
0x61: {  	_ =	swait.ge @!p0 [sflag:s0], s1  }
0x62: {  	s1 =	ssub.s32 @!p0 $0x0, s1;
	[sflag:s0] =	ssyncset.done @!p0 $0x0  }
0x63: {  	[sflag:s0] =	ssyncadd.s32 @!p0 s1  }
0x64: {  	[bflag:$0x3] =	sbarrier.arrive $0xFFFF  }
0x65: {  	_ =	shalt  }

</sc_bundles>
